<compile_context>
chip_gen: v7x
topology: tpu7x:2x2x1
jax: 0.10.2.dev20260603
libtpu: 0.0.44.dev20260713+nightly
codegen_flags: <defaults>
</compile_context>

<pallas_src>
import functools

import jax
import jax.numpy as jnp
from jax import lax
from jax.experimental import pallas as pl
from jax.experimental.pallas import tpu as pltpu
from jax.experimental.pallas import tpu_sc as plsc

N = 100000
D = 128
B = 1024
NS0 = 25
NS1 = 10
HID = 128
C = 50

NC, NSUB = 2, 16
NW = NC * NSUB
R2 = B * NS1 * NS0
R1 = B * NS1
ROWS_W = R2 // NW
SEGS_W = R1 // NW
CH_SEG = 8
CH_ROWS = CH_SEG * NS0
NCH = SEGS_W // CH_SEG
NBUF = 3
NSTG = 2
H1_CH = 160
VREGS = D // 16


NPW = B // NW


def _sc_body(nodes_h, s1_h, s2_h, feat_h, h0_h, h1_h, h2m_h,
             idx_v, rows_v, stage_v, h1_v, h0_v, pidx_v, sem, psem, osem,
             qsem):
    wid = lax.axis_index("c") * NSUB + lax.axis_index("s")

    pltpu.sync_copy(s1_h.at[pl.ds(wid * SEGS_W, SEGS_W)], pidx_v.at[pl.ds(0, SEGS_W)])
    pltpu.sync_copy(nodes_h.at[pl.ds(wid * NPW, NPW)],
                    pidx_v.at[pl.ds(SEGS_W, NPW)])

    H1_PARTS = ((0, 64), (64, 64), (128, 32))

    def h1_issue(half):
        for off, n in H1_PARTS:
            pltpu.async_copy(
                feat_h.at[pidx_v.at[pl.ds(half * H1_CH + off, n)]],
                h1_v.at[pl.ds(off, n)], psem)

    def h1_drain_and_store(half):
        for off, n in H1_PARTS:
            pltpu.make_async_copy(feat_h.at[pl.ds(0, n)],
                                  h1_v.at[pl.ds(off, n)], psem).wait()
        pltpu.sync_copy(h1_v,
                        h1_h.at[pl.ds(wid * SEGS_W + half * H1_CH, H1_CH)])

    h1_issue(0)
    pltpu.async_copy(feat_h.at[pidx_v.at[pl.ds(SEGS_W, NPW)]], h0_v, qsem)

    pltpu.sync_copy(s2_h.at[pl.ds(wid * ROWS_W, ROWS_W)], idx_v)

    def start(ch):
        b = lax.rem(ch, NBUF)
        pltpu.async_copy(feat_h.at[idx_v.at[pl.ds(ch * CH_ROWS, CH_ROWS)]],
                         rows_v.at[b], sem)

    def wait_chunk(b):
        pltpu.make_async_copy(feat_h.at[pl.ds(0, CH_ROWS)],
                              rows_v.at[b], sem).wait()

    for c in range(NBUF - 1):
        start(c)

    @pl.loop(0, NCH)
    def _chunk(ch):
        @pl.when(ch + NBUF - 1 < NCH)
        def _():
            start(ch + NBUF - 1)
        b = lax.rem(ch, NBUF)
        wait_chunk(b)

        @pl.when(ch == 4)
        def _():
            h1_drain_and_store(0)
            h1_issue(1)

        bs = lax.rem(ch, NSTG)

        @pl.when(ch >= NSTG)
        def _():
            pltpu.make_async_copy(stage_v.at[0], h2m_h.at[pl.ds(0, CH_SEG)],
                                  osem).wait()

        @pl.loop(0, CH_SEG)
        def _seg(s):
            r0 = s * NS0
            for v0 in range(0, VREGS, 4):
                accs = [rows_v[b, r0, pl.ds((v0 + v) * 16, 16)]
                        for v in range(4)]
                for r in range(1, NS0):
                    for v in range(4):
                        accs[v] = accs[v] + \
                            rows_v[b, r0 + r, pl.ds((v0 + v) * 16, 16)]
                for v in range(4):
                    stage_v[bs, s, pl.ds((v0 + v) * 16, 16)] = accs[v]

        pltpu.async_copy(stage_v.at[bs],
                         h2m_h.at[pl.ds(wid * SEGS_W + ch * CH_SEG, CH_SEG)],
                         osem)

    for _ in range(NSTG):
        pltpu.make_async_copy(stage_v.at[0], h2m_h.at[pl.ds(0, CH_SEG)],
                              osem).wait()

    h1_drain_and_store(1)
    pltpu.make_async_copy(feat_h.at[pl.ds(0, NPW)], h0_v, qsem).wait()
    pltpu.sync_copy(h0_v, h0_h.at[pl.ds(wid * NPW, NPW)])


@functools.cache
def _sc_gather_fn():
    return pl.kernel(
        _sc_body,
        out_type=(
            jax.ShapeDtypeStruct((B, D), jnp.float32),
            jax.ShapeDtypeStruct((R1, D), jnp.float32),
            jax.ShapeDtypeStruct((R1, D), jnp.float32),
        ),
        mesh=plsc.VectorSubcoreMesh(core_axis_name="c", subcore_axis_name="s",
                                    num_cores=NC, num_subcores=NSUB),
        scratch_types=(
            pltpu.VMEM((ROWS_W,), jnp.int32),
            pltpu.VMEM((NBUF, CH_ROWS, D), jnp.float32),
            pltpu.VMEM((NSTG, CH_SEG, D), jnp.float32),
            pltpu.VMEM((H1_CH, D), jnp.float32),
            pltpu.VMEM((NPW, D), jnp.float32),
            pltpu.VMEM((SEGS_W + NPW,), jnp.int32),
            pltpu.SemaphoreType.DMA,
            pltpu.SemaphoreType.DMA,
            pltpu.SemaphoreType.DMA,
            pltpu.SemaphoreType.DMA,
        ),
    )



GSTEPS = 8
RB = R1 // GSTEPS
GB = RB // NS1


def _mm(a, b):
    return jnp.dot(a, b, preferred_element_type=jnp.float32)


def _tc_body(h0_ref, h1_ref, h2m_ref, m10_ref, ws0_ref, wn0_ref,
             ws1_ref, wn1_ref, wp_ref, bp_ref, out_ref):
    m10 = m10_ref[...]
    ws0 = ws0_ref[...]
    wn0s = wn0_ref[...] * (1.0 / NS0)
    h1m, a1pm, a1qm = [], [], []
    for k in range(GSTEPS):
        sl = pl.ds(k * RB, RB)
        h1b = h1_ref[sl, :]
        h2b = h2m_ref[sl, :]
        a1p = jnp.maximum(_mm(h1b, ws0), 0.0)
        a1q = jnp.maximum(_mm(h2b, wn0s), 0.0)
        h1m.append(_mm(m10, h1b))
        a1pm.append(_mm(m10, a1p))
        a1qm.append(_mm(m10, a1q))
    h1m = jnp.concatenate(h1m, axis=0)
    a1pm = jnp.concatenate(a1pm, axis=0)
    a1qm = jnp.concatenate(a1qm, axis=0)
    a0p = jnp.maximum(_mm(h0_ref[...], ws0), 0.0)
    a0q = jnp.maximum(_mm(h1m, wn0_ref[...]), 0.0)
    hl = _mm(a0p, ws1_ref[0:HID, :]) + _mm(a0q, ws1_ref[HID:, :])
    hr = _mm(a1pm, wn1_ref[0:HID, :]) + _mm(a1qm, wn1_ref[HID:, :])
    n2 = jnp.sum(hl * hl, axis=1, keepdims=True) + \
         jnp.sum(hr * hr, axis=1, keepdims=True)
    inv = 1.0 / jnp.maximum(jnp.sqrt(n2), 1e-12)
    out_ref[...] = (_mm(hl * inv, wp_ref[0:HID, :]) +
                    _mm(hr * inv, wp_ref[HID:, :]) + bp_ref[...])


def _tc_dense(h0, h1, h2m, m10, ws0, wn0, ws1, wn1, wp, bp):
    return pl.pallas_call(
        _tc_body,
        out_shape=jax.ShapeDtypeStruct((B, 128), jnp.float32),
    )(h0, h1, h2m, m10, ws0, wn0, ws1, wn1, wp, bp)


def _group_mean_matrix():
    rows = jnp.arange(GB, dtype=jnp.int32)[:, None]
    cols = jnp.arange(RB, dtype=jnp.int32)[None, :]
    return jnp.where(cols // NS1 == rows, 1.0 / NS1, 0.0).astype(jnp.float32)


def kernel(nodes, sample1, sample2, features, W_self0, W_neigh0,
           W_self1, W_neigh1, W_pred, b_pred):
    h0, h1, h2m = _sc_gather_fn()(nodes, sample1, sample2, features)
    m10 = _group_mean_matrix()
    wp = jnp.zeros((2 * HID, 128), jnp.float32).at[:, :C].set(W_pred)
    bp = jnp.zeros((1, 128), jnp.float32).at[:, :C].set(b_pred.reshape(1, C))
    out = _tc_dense(h0, h1, h2m, m10, W_self0, W_neigh0,
                    W_self1, W_neigh1, wp, bp)
    return out[:, :C]

# --- scband reference (transcript-rebuilt; emitter-appended) ---
"""Pipeline reference for scband-supervised-graphsage-84963043049899 (READ-ONLY COPY).

The authoritative reference and input builder live on the scoring server;
editing this copy changes nothing except your own understanding.
"""

import jax, jax.numpy as jnp
import numpy as np

N = 100000   # n_nodes
D = 128      # d_feat
B = 1024     # seed nodes per batch
NS0 = 25     # layer_infos[0].num_samples (outermost hop fanout)
NS1 = 10     # layer_infos[1].num_samples
HID = 128    # output_dim per layer
C = 50       # num_classes


def setup_inputs(seed: int = 0) -> dict:
    key = jax.random.key(seed)
    ks = jax.random.split(key, 10)
    features = jax.random.normal(ks[0], (N, D), dtype=jnp.float32)
    # seed nodes (forward arg) and pre-materialized neighbor samples
    # (torch module samples with numpy RNG inside forward; here they are constants)
    nodes = jax.random.randint(ks[1], (B,), 0, N, dtype=jnp.int32)
    sample1 = jax.random.randint(ks[2], (B * NS1,), 0, N, dtype=jnp.int32)
    sample2 = jax.random.randint(ks[3], (B * NS1 * NS0,), 0, N, dtype=jnp.int32)
    s0 = 1.0 / np.sqrt(D)
    s1 = 1.0 / np.sqrt(2 * HID)
    W_self0 = jax.random.normal(ks[4], (D, HID), dtype=jnp.float32) * s0
    W_neigh0 = jax.random.normal(ks[5], (D, HID), dtype=jnp.float32) * s0
    W_self1 = jax.random.normal(ks[6], (2 * HID, HID), dtype=jnp.float32) * s1
    W_neigh1 = jax.random.normal(ks[7], (2 * HID, HID), dtype=jnp.float32) * s1
    W_pred = jax.random.normal(ks[8], (2 * HID, C), dtype=jnp.float32) * s1
    b_pred = jnp.zeros((C,), dtype=jnp.float32)
    return {"nodes": nodes, "sample1": sample1, "sample2": sample2,
            "features": features, "W_self0": W_self0, "W_neigh0": W_neigh0,
            "W_self1": W_self1, "W_neigh1": W_neigh1,
            "W_pred": W_pred, "b_pred": b_pred}


def reference(nodes, sample1, sample2, features, W_self0, W_neigh0,
              W_self1, W_neigh1, W_pred, b_pred):
    # hidden[k] = features[samples[k]]  (gathers dominate memory traffic)
    h0 = jnp.take(features, nodes, axis=0)          # [B, D]
    h1 = jnp.take(features, sample1, axis=0)        # [B*NS1, D]
    h2 = jnp.take(features, sample2, axis=0)        # [B*NS1*NS0, D]

    def mean_agg(h_self, h_neigh, Ws, Wn):
        # MeanAggregator, concat=True, bias=False, dropout=0
        m = jnp.mean(h_neigh, axis=1)
        return jnp.concatenate([h_self @ Ws, m @ Wn], axis=1)

    # layer 0 (dim_mult=1, act=relu), applied at hop 0 and hop 1
    a0 = jax.nn.relu(mean_agg(h0, h1.reshape(B, NS1, D), W_self0, W_neigh0))            # [B, 2*HID]
    a1 = jax.nn.relu(mean_agg(h1, h2.reshape(B * NS1, NS0, D), W_self0, W_neigh0))      # [B*NS1, 2*HID]
    # layer 1 (dim_mult=2, act=identity), hop 0 only
    hfin = mean_agg(a0, a1.reshape(B, NS1, 2 * HID), W_self1, W_neigh1)                 # [B, 2*HID]
    # F.normalize(p=2, dim=1)
    nrm = jnp.linalg.norm(hfin, axis=1, keepdims=True)
    hfin = hfin / jnp.maximum(nrm, 1e-12)
    # node_pred linear
    logits = hfin @ W_pred + b_pred
    return logits

if __name__ == "__main__":
    import jax
    _d = setup_inputs()
    print(jax.jit(kernel)(*tuple(_d.values())))

</pallas_src>

<mosaic_0001>
#map = affine_map<(d0, d1) -> (0)>
#map1 = affine_map<(d0, d1) -> (0, 0)>
module attributes {stable_mosaic.version = 14 : i64} {
  func.func @_sc_body(%arg0: i32, %arg1: i32, %arg2: memref<1024xi32, #tpu.memory_space<hbm>>, %arg3: memref<10240xi32, #tpu.memory_space<hbm>>, %arg4: memref<256000xi32, #tpu.memory_space<hbm>>, %arg5: memref<100000x128xf32, #tpu.memory_space<hbm>>, %arg6: memref<1024x128xf32, #tpu.memory_space<hbm>>, %arg7: memref<10240x128xf32, #tpu.memory_space<hbm>>, %arg8: memref<10240x128xf32, #tpu.memory_space<hbm>>, %arg9: memref<8000xi32, #tpu.memory_space<vmem>>, %arg10: memref<3x200x128xf32, #tpu.memory_space<vmem>>, %arg11: memref<2x8x128xf32, #tpu.memory_space<vmem>>, %arg12: memref<160x128xf32, #tpu.memory_space<vmem>>, %arg13: memref<32x128xf32, #tpu.memory_space<vmem>>, %arg14: memref<352xi32, #tpu.memory_space<vmem>>, %arg15: memref<!tpu.dma_semaphore, #tpu.memory_space<semaphore_mem>>, %arg16: memref<!tpu.dma_semaphore, #tpu.memory_space<semaphore_mem>>, %arg17: memref<!tpu.dma_semaphore, #tpu.memory_space<semaphore_mem>>, %arg18: memref<!tpu.dma_semaphore, #tpu.memory_space<semaphore_mem>>) attributes {dimension_semantics = [#tpu.dimension_semantics<core_parallel>, #tpu.dimension_semantics<subcore_parallel>], iteration_bounds = array<i64: 2, 16>, scalar_prefetch = 0 : i64, scratch_operands = 10 : i64, tpu.core_type = #tpu.core_type<sc_vector_subcore>, window_params = [{transform_indices = #map}, {transform_indices = #map}, {transform_indices = #map}, {transform_indices = #map1}, {transform_indices = #map1}, {transform_indices = #map1}, {transform_indices = #map1}]} {
    %mul3A = arith.constant 16 : i32
    %mul3A_0 = arith.muli %arg0, %mul3A : i32
    %add3A = arith.addi %mul3A_0, %arg1 : i32
    %mul3A_1 = arith.constant 320 : i32
    %mul3A_2 = arith.muli %add3A, %mul3A_1 : i32
    "tpu.region"() ({
      %run_scoped3A = tpu.sem_alloc : memref<!tpu.dma_semaphore, #tpu.memory_space<semaphore_mem>>
      %dma_start3A_139 = arith.constant 0 : i32
      %dma_start3A_140 = tpu.memref_slice %arg14[%dma_start3A_139] : memref<352xi32, #tpu.memory_space<vmem>> -> memref<320xi32, #tpu.memory_space<vmem>>
      %dma_start3A_141 = tpu.memref_slice %arg3[%mul3A_2] : memref<10240xi32, #tpu.memory_space<hbm>> -> memref<320xi32, #tpu.memory_space<hbm>>
      %dma_start3A_142 = arith.constant 0 : i32
      %dma_start3A_143 = tpu.memref_slice %arg14[%dma_start3A_142] : memref<352xi32, #tpu.memory_space<vmem>> -> memref<320xi32, #tpu.memory_space<vmem>>
      %dma_start3A_144 = tpu.memref_slice %arg3[%mul3A_2] : memref<10240xi32, #tpu.memory_space<hbm>> -> memref<320xi32, #tpu.memory_space<hbm>>
      tpu.enqueue_dma source(%dma_start3A_144 : memref<320xi32, #tpu.memory_space<hbm>>) target(%dma_start3A_143 : memref<320xi32, #tpu.memory_space<vmem>>) target_semaphore(%run_scoped3A : memref<!tpu.dma_semaphore, #tpu.memory_space<semaphore_mem>>)
      %dma_wait3A_145 = arith.constant 0 : i32
      %dma_wait3A_146 = tpu.memref_slice %arg14[%dma_wait3A_145] : memref<352xi32, #tpu.memory_space<vmem>> -> memref<320xi32, #tpu.memory_space<vmem>>
      %dma_wait3A_147 = tpu.memref_slice %arg3[%mul3A_2] : memref<10240xi32, #tpu.memory_space<hbm>> -> memref<320xi32, #tpu.memory_space<hbm>>
      %dma_wait3A_148 = arith.constant 0 : i32
      %dma_wait3A_149 = tpu.memref_slice %arg14[%dma_wait3A_148] : memref<352xi32, #tpu.memory_space<vmem>> -> memref<320xi32, #tpu.memory_space<vmem>>
      %dma_wait3A_150 = tpu.memref_slice %arg3[%mul3A_2] : memref<10240xi32, #tpu.memory_space<hbm>> -> memref<320xi32, #tpu.memory_space<hbm>>
      tpu.wait_dma2 semaphore(%run_scoped3A : memref<!tpu.dma_semaphore, #tpu.memory_space<semaphore_mem>>) src(%dma_wait3A_150 : memref<320xi32, #tpu.memory_space<hbm>>) dst(%dma_wait3A_149 : memref<320xi32, #tpu.memory_space<vmem>>)
      tpu.yield
    }) : () -> ()
    %mul3A_3 = arith.constant 32 : i32
    %mul3A_4 = arith.muli %add3A, %mul3A_3 : i32
    "tpu.region"() ({
      %run_scoped3A = tpu.sem_alloc : memref<!tpu.dma_semaphore, #tpu.memory_space<semaphore_mem>>
      %dma_start3A_139 = arith.constant 320 : i32
      %dma_start3A_140 = tpu.memref_slice %arg14[%dma_start3A_139] : memref<352xi32, #tpu.memory_space<vmem>> -> memref<32xi32, #tpu.memory_space<vmem>>
      %dma_start3A_141 = tpu.memref_slice %arg2[%mul3A_4] : memref<1024xi32, #tpu.memory_space<hbm>> -> memref<32xi32, #tpu.memory_space<hbm>>
      %dma_start3A_142 = arith.constant 320 : i32
      %dma_start3A_143 = tpu.memref_slice %arg14[%dma_start3A_142] : memref<352xi32, #tpu.memory_space<vmem>> -> memref<32xi32, #tpu.memory_space<vmem>>
      %dma_start3A_144 = tpu.memref_slice %arg2[%mul3A_4] : memref<1024xi32, #tpu.memory_space<hbm>> -> memref<32xi32, #tpu.memory_space<hbm>>
      tpu.enqueue_dma source(%dma_start3A_144 : memref<32xi32, #tpu.memory_space<hbm>>) target(%dma_start3A_143 : memref<32xi32, #tpu.memory_space<vmem>>) target_semaphore(%run_scoped3A : memref<!tpu.dma_semaphore, #tpu.memory_space<semaphore_mem>>)
      %dma_wait3A_145 = arith.constant 320 : i32
      %dma_wait3A_146 = tpu.memref_slice %arg14[%dma_wait3A_145] : memref<352xi32, #tpu.memory_space<vmem>> -> memref<32xi32, #tpu.memory_space<vmem>>
      %dma_wait3A_147 = tpu.memref_slice %arg2[%mul3A_4] : memref<1024xi32, #tpu.memory_space<hbm>> -> memref<32xi32, #tpu.memory_space<hbm>>
      %dma_wait3A_148 = arith.constant 320 : i32
      %dma_wait3A_149 = tpu.memref_slice %arg14[%dma_wait3A_148] : memref<352xi32, #tpu.memory_space<vmem>> -> memref<32xi32, #tpu.memory_space<vmem>>
      %dma_wait3A_150 = tpu.memref_slice %arg2[%mul3A_4] : memref<1024xi32, #tpu.memory_space<hbm>> -> memref<32xi32, #tpu.memory_space<hbm>>
      tpu.wait_dma2 semaphore(%run_scoped3A : memref<!tpu.dma_semaphore, #tpu.memory_space<semaphore_mem>>) src(%dma_wait3A_150 : memref<32xi32, #tpu.memory_space<hbm>>) dst(%dma_wait3A_149 : memref<32xi32, #tpu.memory_space<vmem>>)
      tpu.yield
    }) : () -> ()
    %dma_start3A = arith.constant 0 : i32
    %dma_start3A_5 = arith.constant 0 : i32
    %dma_start3A_6 = tpu.memref_slice %arg12[%dma_start3A, %dma_start3A_5] : memref<160x128xf32, #tpu.memory_space<vmem>> -> memref<64x128xf32, #tpu.memory_space<vmem>>
    %dma_start3A_7 = arith.constant 0 : i32
    %dma_start3A_8 = tpu.memref_slice %arg14[%dma_start3A_7] : memref<352xi32, #tpu.memory_space<vmem>> -> memref<64xi32, #tpu.memory_space<vmem>>
    %dma_start3A_9 = arith.constant 0 : i32
    %dma_start3A_10 = arith.constant 0 : i32
    %dma_start3A_11 = tpu.memref_slice %arg5[%dma_start3A_9, %dma_start3A_10] : memref<100000x128xf32, #tpu.memory_space<hbm>> -> memref<100000x128xf32, #tpu.memory_space<hbm>>
    tpu.enqueue_indirect_dma source(%dma_start3A_11 : memref<100000x128xf32, #tpu.memory_space<hbm>>) target(%dma_start3A_6 : memref<64x128xf32, #tpu.memory_space<vmem>>) offsets(%dma_start3A_8 : memref<64xi32, #tpu.memory_space<vmem>>) semaphore(%arg16 : memref<!tpu.dma_semaphore, #tpu.memory_space<semaphore_mem>>)
    %dma_start3A_12 = arith.constant 64 : i32
    %dma_start3A_13 = arith.constant 0 : i32
    %dma_start3A_14 = tpu.memref_slice %arg12[%dma_start3A_12, %dma_start3A_13] : memref<160x128xf32, #tpu.memory_space<vmem>> -> memref<64x128xf32, #tpu.memory_space<vmem>>
    %dma_start3A_15 = arith.constant 64 : i32
    %dma_start3A_16 = tpu.memref_slice %arg14[%dma_start3A_15] : memref<352xi32, #tpu.memory_space<vmem>> -> memref<64xi32, #tpu.memory_space<vmem>>
    %dma_start3A_17 = arith.constant 0 : i32
    %dma_start3A_18 = arith.constant 0 : i32
    %dma_start3A_19 = tpu.memref_slice %arg5[%dma_start3A_17, %dma_start3A_18] : memref<100000x128xf32, #tpu.memory_space<hbm>> -> memref<100000x128xf32, #tpu.memory_space<hbm>>
    tpu.enqueue_indirect_dma source(%dma_start3A_19 : memref<100000x128xf32, #tpu.memory_space<hbm>>) target(%dma_start3A_14 : memref<64x128xf32, #tpu.memory_space<vmem>>) offsets(%dma_start3A_16 : memref<64xi32, #tpu.memory_space<vmem>>) semaphore(%arg16 : memref<!tpu.dma_semaphore, #tpu.memory_space<semaphore_mem>>)
    %dma_start3A_20 = arith.constant 128 : i32
    %dma_start3A_21 = arith.constant 0 : i32
    %dma_start3A_22 = tpu.memref_slice %arg12[%dma_start3A_20, %dma_start3A_21] : memref<160x128xf32, #tpu.memory_space<vmem>> -> memref<32x128xf32, #tpu.memory_space<vmem>>
    %dma_start3A_23 = arith.constant 128 : i32
    %dma_start3A_24 = tpu.memref_slice %arg14[%dma_start3A_23] : memref<352xi32, #tpu.memory_space<vmem>> -> memref<32xi32, #tpu.memory_space<vmem>>
    %dma_start3A_25 = arith.constant 0 : i32
    %dma_start3A_26 = arith.constant 0 : i32
    %dma_start3A_27 = tpu.memref_slice %arg5[%dma_start3A_25, %dma_start3A_26] : memref<100000x128xf32, #tpu.memory_space<hbm>> -> memref<100000x128xf32, #tpu.memory_space<hbm>>
    tpu.enqueue_indirect_dma source(%dma_start3A_27 : memref<100000x128xf32, #tpu.memory_space<hbm>>) target(%dma_start3A_22 : memref<32x128xf32, #tpu.memory_space<vmem>>) offsets(%dma_start3A_24 : memref<32xi32, #tpu.memory_space<vmem>>) semaphore(%arg16 : memref<!tpu.dma_semaphore, #tpu.memory_space<semaphore_mem>>)
    %dma_start3A_28 = arith.constant 320 : i32
    %dma_start3A_29 = tpu.memref_slice %arg14[%dma_start3A_28] : memref<352xi32, #tpu.memory_space<vmem>> -> memref<32xi32, #tpu.memory_space<vmem>>
    %dma_start3A_30 = arith.constant 0 : i32
    %dma_start3A_31 = arith.constant 0 : i32
    %dma_start3A_32 = tpu.memref_slice %arg5[%dma_start3A_30, %dma_start3A_31] : memref<100000x128xf32, #tpu.memory_space<hbm>> -> memref<100000x128xf32, #tpu.memory_space<hbm>>
    tpu.enqueue_indirect_dma source(%dma_start3A_32 : memref<100000x128xf32, #tpu.memory_space<hbm>>) target(%arg13 : memref<32x128xf32, #tpu.memory_space<vmem>>) offsets(%dma_start3A_29 : memref<32xi32, #tpu.memory_space<vmem>>) semaphore(%arg18 : memref<!tpu.dma_semaphore, #tpu.memory_space<semaphore_mem>>)
    %mul3A_33 = arith.constant 8000 : i32
    %mul3A_34 = arith.muli %add3A, %mul3A_33 : i32
    "tpu.region"() ({
      %run_scoped3A = tpu.sem_alloc : memref<!tpu.dma_semaphore, #tpu.memory_space<semaphore_mem>>
      %dma_start3A_139 = tpu.memref_slice %arg4[%mul3A_34] : memref<256000xi32, #tpu.memory_space<hbm>> -> memref<8000xi32, #tpu.memory_space<hbm>>
      %dma_start3A_140 = tpu.memref_slice %arg4[%mul3A_34] : memref<256000xi32, #tpu.memory_space<hbm>> -> memref<8000xi32, #tpu.memory_space<hbm>>
      tpu.enqueue_dma source(%dma_start3A_140 : memref<8000xi32, #tpu.memory_space<hbm>>) target(%arg9 : memref<8000xi32, #tpu.memory_space<vmem>>) target_semaphore(%run_scoped3A : memref<!tpu.dma_semaphore, #tpu.memory_space<semaphore_mem>>)
      %dma_wait3A_141 = tpu.memref_slice %arg4[%mul3A_34] : memref<256000xi32, #tpu.memory_space<hbm>> -> memref<8000xi32, #tpu.memory_space<hbm>>
      %dma_wait3A_142 = tpu.memref_slice %arg4[%mul3A_34] : memref<256000xi32, #tpu.memory_space<hbm>> -> memref<8000xi32, #tpu.memory_space<hbm>>
      tpu.wait_dma2 semaphore(%run_scoped3A : memref<!tpu.dma_semaphore, #tpu.memory_space<semaphore_mem>>) src(%dma_wait3A_142 : memref<8000xi32, #tpu.memory_space<hbm>>) dst(%arg9 : memref<8000xi32, #tpu.memory_space<vmem>>)
      tpu.yield
    }) : () -> ()
    %rem3A = arith.constant 0 : i32
    %rem3A_35 = arith.constant 3 : i32
    %rem3A_36 = arith.remsi %rem3A, %rem3A_35 : i32
    %dma_start3A_37 = arith.constant 0 : i32
    %dma_start3A_38 = arith.constant 0 : i32
    %dma_start3A_39 = tpu.memref_slice %arg10[%rem3A_36, %dma_start3A_37, %dma_start3A_38] : memref<3x200x128xf32, #tpu.memory_space<vmem>> -> memref<1x200x128xf32, #tpu.memory_space<vmem>>
    %dma_start3A_40 = tpu.memref_squeeze %dma_start3A_39 : memref<1x200x128xf32, #tpu.memory_space<vmem>> -> memref<200x128xf32, #tpu.memory_space<vmem>>
    %dma_start3A_41 = arith.constant 0 : i32
    %dma_start3A_42 = tpu.memref_slice %arg9[%dma_start3A_41] : memref<8000xi32, #tpu.memory_space<vmem>> -> memref<200xi32, #tpu.memory_space<vmem>>
    %dma_start3A_43 = arith.constant 0 : i32
    %dma_start3A_44 = arith.constant 0 : i32
    %dma_start3A_45 = tpu.memref_slice %arg5[%dma_start3A_43, %dma_start3A_44] : memref<100000x128xf32, #tpu.memory_space<hbm>> -> memref<100000x128xf32, #tpu.memory_space<hbm>>
    tpu.enqueue_indirect_dma source(%dma_start3A_45 : memref<100000x128xf32, #tpu.memory_space<hbm>>) target(%dma_start3A_40 : memref<200x128xf32, #tpu.memory_space<vmem>>) offsets(%dma_start3A_42 : memref<200xi32, #tpu.memory_space<vmem>>) semaphore(%arg15 : memref<!tpu.dma_semaphore, #tpu.memory_space<semaphore_mem>>)
    %rem3A_46 = arith.constant 1 : i32
    %rem3A_47 = arith.constant 3 : i32
    %rem3A_48 = arith.remsi %rem3A_46, %rem3A_47 : i32
    %dma_start3A_49 = arith.constant 0 : i32
    %dma_start3A_50 = arith.constant 0 : i32
    %dma_start3A_51 = tpu.memref_slice %arg10[%rem3A_48, %dma_start3A_49, %dma_start3A_50] : memref<3x200x128xf32, #tpu.memory_space<vmem>> -> memref<1x200x128xf32, #tpu.memory_space<vmem>>
    %dma_start3A_52 = tpu.memref_squeeze %dma_start3A_51 : memref<1x200x128xf32, #tpu.memory_space<vmem>> -> memref<200x128xf32, #tpu.memory_space<vmem>>
    %dma_start3A_53 = arith.constant 200 : i32
    %dma_start3A_54 = tpu.memref_slice %arg9[%dma_start3A_53] : memref<8000xi32, #tpu.memory_space<vmem>> -> memref<200xi32, #tpu.memory_space<vmem>>
    %dma_start3A_55 = arith.constant 0 : i32
    %dma_start3A_56 = arith.constant 0 : i32
    %dma_start3A_57 = tpu.memref_slice %arg5[%dma_start3A_55, %dma_start3A_56] : memref<100000x128xf32, #tpu.memory_space<hbm>> -> memref<100000x128xf32, #tpu.memory_space<hbm>>
    tpu.enqueue_indirect_dma source(%dma_start3A_57 : memref<100000x128xf32, #tpu.memory_space<hbm>>) target(%dma_start3A_52 : memref<200x128xf32, #tpu.memory_space<vmem>>) offsets(%dma_start3A_54 : memref<200xi32, #tpu.memory_space<vmem>>) semaphore(%arg15 : memref<!tpu.dma_semaphore, #tpu.memory_space<semaphore_mem>>)
    %scan3A = arith.constant 0 : i32
    %scan3A_58 = arith.constant 40 : i32
    %scan3A_59 = arith.addi %scan3A, %scan3A_58 : i32
    %scan3A_60 = arith.constant 1 : i32
    scf.for %scan3A_139 = %scan3A to %scan3A_59 step %scan3A_60  : i32 {
      %mul3A_140 = arith.constant 1 : i32
      %mul3A_141 = arith.muli %scan3A_139, %mul3A_140 : i32
      %add3A_142 = arith.constant 0 : i32
      %add3A_143 = arith.addi %add3A_142, %mul3A_141 : i32
      %add3A_144 = arith.constant 3 : i32
      %add3A_145 = arith.addi %add3A_143, %add3A_144 : i32
      %sub3A = arith.constant 1 : i32
      %sub3A_146 = arith.subi %add3A_145, %sub3A : i32
      %lt3A = arith.constant 40 : i32
      %lt3A_147 = arith.cmpi slt, %sub3A_146, %lt3A : i32
      %convert_element_type3A = arith.extui %lt3A_147 : i1 to i32
      %cond3A = arith.constant 0 : i32
      %cond3A_148 = arith.cmpi ne, %convert_element_type3A, %cond3A : i32
      scf.if %cond3A_148 {
        %add3A_197 = arith.constant 3 : i32
        %add3A_198 = arith.addi %add3A_143, %add3A_197 : i32
        %sub3A_199 = arith.constant 1 : i32
        %sub3A_200 = arith.subi %add3A_198, %sub3A_199 : i32
        %rem3A_201 = arith.constant 3 : i32
        %rem3A_202 = arith.remsi %sub3A_200, %rem3A_201 : i32
        %mul3A_203 = arith.constant 200 : i32
        %mul3A_204 = arith.muli %sub3A_200, %mul3A_203 : i32
        %dma_start3A_205 = arith.constant 0 : i32
        %dma_start3A_206 = arith.constant 0 : i32
        %dma_start3A_207 = tpu.memref_slice %arg10[%rem3A_202, %dma_start3A_205, %dma_start3A_206] : memref<3x200x128xf32, #tpu.memory_space<vmem>> -> memref<1x200x128xf32, #tpu.memory_space<vmem>>
        %dma_start3A_208 = tpu.memref_squeeze %dma_start3A_207 : memref<1x200x128xf32, #tpu.memory_space<vmem>> -> memref<200x128xf32, #tpu.memory_space<vmem>>
        %dma_start3A_209 = tpu.memref_slice %arg9[%mul3A_204] : memref<8000xi32, #tpu.memory_space<vmem>> -> memref<200xi32, #tpu.memory_space<vmem>>
        %dma_start3A_210 = arith.constant 0 : i32
        %dma_start3A_211 = arith.constant 0 : i32
        %dma_start3A_212 = tpu.memref_slice %arg5[%dma_start3A_210, %dma_start3A_211] : memref<100000x128xf32, #tpu.memory_space<hbm>> -> memref<100000x128xf32, #tpu.memory_space<hbm>>
        tpu.enqueue_indirect_dma source(%dma_start3A_212 : memref<100000x128xf32, #tpu.memory_space<hbm>>) target(%dma_start3A_208 : memref<200x128xf32, #tpu.memory_space<vmem>>) offsets(%dma_start3A_209 : memref<200xi32, #tpu.memory_space<vmem>>) semaphore(%arg15 : memref<!tpu.dma_semaphore, #tpu.memory_space<semaphore_mem>>)
      } else {
      }
      %rem3A_149 = arith.constant 3 : i32
      %rem3A_150 = arith.remsi %add3A_143, %rem3A_149 : i32
      %dma_wait3A_151 = arith.constant 0 : i32
      %dma_wait3A_152 = arith.constant 0 : i32
      %dma_wait3A_153 = tpu.memref_slice %arg10[%rem3A_150, %dma_wait3A_151, %dma_wait3A_152] : memref<3x200x128xf32, #tpu.memory_space<vmem>> -> memref<1x200x128xf32, #tpu.memory_space<vmem>>
      %dma_wait3A_154 = tpu.memref_squeeze %dma_wait3A_153 : memref<1x200x128xf32, #tpu.memory_space<vmem>> -> memref<200x128xf32, #tpu.memory_space<vmem>>
      %dma_wait3A_155 = arith.constant 0 : i32
      %dma_wait3A_156 = arith.constant 0 : i32
      %dma_wait3A_157 = tpu.memref_slice %arg5[%dma_wait3A_155, %dma_wait3A_156] : memref<100000x128xf32, #tpu.memory_space<hbm>> -> memref<200x128xf32, #tpu.memory_space<hbm>>
      %dma_wait3A_158 = arith.constant 0 : i32
      %dma_wait3A_159 = arith.constant 0 : i32
      %dma_wait3A_160 = tpu.memref_slice %arg10[%rem3A_150, %dma_wait3A_158, %dma_wait3A_159] : memref<3x200x128xf32, #tpu.memory_space<vmem>> -> memref<1x200x128xf32, #tpu.memory_space<vmem>>
      %dma_wait3A_161 = tpu.memref_squeeze %dma_wait3A_160 : memref<1x200x128xf32, #tpu.memory_space<vmem>> -> memref<200x128xf32, #tpu.memory_space<vmem>>
      %dma_wait3A_162 = arith.constant 0 : i32
      %dma_wait3A_163 = arith.constant 0 : i32
      %dma_wait3A_164 = tpu.memref_slice %arg5[%dma_wait3A_162, %dma_wait3A_163] : memref<100000x128xf32, #tpu.memory_space<hbm>> -> memref<200x128xf32, #tpu.memory_space<hbm>>
      tpu.wait_dma2 semaphore(%arg15 : memref<!tpu.dma_semaphore, #tpu.memory_space<semaphore_mem>>) src(%dma_wait3A_164 : memref<200x128xf32, #tpu.memory_space<hbm>>) dst(%dma_wait3A_161 : memref<200x128xf32, #tpu.memory_space<vmem>>)
      %eq3A = arith.constant 4 : i32
      %eq3A_165 = arith.cmpi eq, %add3A_143, %eq3A : i32
      %convert_element_type3A_166 = arith.extui %eq3A_165 : i1 to i32
      %cond3A_167 = arith.constant 0 : i32
      %cond3A_168 = arith.cmpi ne, %convert_element_type3A_166, %cond3A_167 : i32
      scf.if %cond3A_168 {
        %dma_wait3A_197 = arith.constant 0 : i32
        %dma_wait3A_198 = arith.constant 0 : i32
        %dma_wait3A_199 = tpu.memref_slice %arg12[%dma_wait3A_197, %dma_wait3A_198] : memref<160x128xf32, #tpu.memory_space<vmem>> -> memref<64x128xf32, #tpu.memory_space<vmem>>
        %dma_wait3A_200 = arith.constant 0 : i32
        %dma_wait3A_201 = arith.constant 0 : i32
        %dma_wait3A_202 = tpu.memref_slice %arg5[%dma_wait3A_200, %dma_wait3A_201] : memref<100000x128xf32, #tpu.memory_space<hbm>> -> memref<64x128xf32, #tpu.memory_space<hbm>>
        %dma_wait3A_203 = arith.constant 0 : i32
        %dma_wait3A_204 = arith.constant 0 : i32
        %dma_wait3A_205 = tpu.memref_slice %arg12[%dma_wait3A_203, %dma_wait3A_204] : memref<160x128xf32, #tpu.memory_space<vmem>> -> memref<64x128xf32, #tpu.memory_space<vmem>>
        %dma_wait3A_206 = arith.constant 0 : i32
        %dma_wait3A_207 = arith.constant 0 : i32
        %dma_wait3A_208 = tpu.memref_slice %arg5[%dma_wait3A_206, %dma_wait3A_207] : memref<100000x128xf32, #tpu.memory_space<hbm>> -> memref<64x128xf32, #tpu.memory_space<hbm>>
        tpu.wait_dma2 semaphore(%arg16 : memref<!tpu.dma_semaphore, #tpu.memory_space<semaphore_mem>>) src(%dma_wait3A_208 : memref<64x128xf32, #tpu.memory_space<hbm>>) dst(%dma_wait3A_205 : memref<64x128xf32, #tpu.memory_space<vmem>>)
        %dma_wait3A_209 = arith.constant 64 : i32
        %dma_wait3A_210 = arith.constant 0 : i32
        %dma_wait3A_211 = tpu.memref_slice %arg12[%dma_wait3A_209, %dma_wait3A_210] : memref<160x128xf32, #tpu.memory_space<vmem>> -> memref<64x128xf32, #tpu.memory_space<vmem>>
        %dma_wait3A_212 = arith.constant 0 : i32
        %dma_wait3A_213 = arith.constant 0 : i32
        %dma_wait3A_214 = tpu.memref_slice %arg5[%dma_wait3A_212, %dma_wait3A_213] : memref<100000x128xf32, #tpu.memory_space<hbm>> -> memref<64x128xf32, #tpu.memory_space<hbm>>
        %dma_wait3A_215 = arith.constant 64 : i32
        %dma_wait3A_216 = arith.constant 0 : i32
        %dma_wait3A_217 = tpu.memref_slice %arg12[%dma_wait3A_215, %dma_wait3A_216] : memref<160x128xf32, #tpu.memory_space<vmem>> -> memref<64x128xf32, #tpu.memory_space<vmem>>
        %dma_wait3A_218 = arith.constant 0 : i32
        %dma_wait3A_219 = arith.constant 0 : i32
        %dma_wait3A_220 = tpu.memref_slice %arg5[%dma_wait3A_218, %dma_wait3A_219] : memref<100000x128xf32, #tpu.memory_space<hbm>> -> memref<64x128xf32, #tpu.memory_space<hbm>>
        tpu.wait_dma2 semaphore(%arg16 : memref<!tpu.dma_semaphore, #tpu.memory_space<semaphore_mem>>) src(%dma_wait3A_220 : memref<64x128xf32, #tpu.memory_space<hbm>>) dst(%dma_wait3A_217 : memref<64x128xf32, #tpu.memory_space<vmem>>)
        %dma_wait3A_221 = arith.constant 128 : i32
        %dma_wait3A_222 = arith.constant 0 : i32
        %dma_wait3A_223 = tpu.memref_slice %arg12[%dma_wait3A_221, %dma_wait3A_222] : memref<160x128xf32, #tpu.memory_space<vmem>> -> memref<32x128xf32, #tpu.memory_space<vmem>>
        %dma_wait3A_224 = arith.constant 0 : i32
        %dma_wait3A_225 = arith.constant 0 : i32
        %dma_wait3A_226 = tpu.memref_slice %arg5[%dma_wait3A_224, %dma_wait3A_225] : memref<100000x128xf32, #tpu.memory_space<hbm>> -> memref<32x128xf32, #tpu.memory_space<hbm>>
        %dma_wait3A_227 = arith.constant 128 : i32
        %dma_wait3A_228 = arith.constant 0 : i32
        %dma_wait3A_229 = tpu.memref_slice %arg12[%dma_wait3A_227, %dma_wait3A_228] : memref<160x128xf32, #tpu.memory_space<vmem>> -> memref<32x128xf32, #tpu.memory_space<vmem>>
        %dma_wait3A_230 = arith.constant 0 : i32
        %dma_wait3A_231 = arith.constant 0 : i32
        %dma_wait3A_232 = tpu.memref_slice %arg5[%dma_wait3A_230, %dma_wait3A_231] : memref<100000x128xf32, #tpu.memory_space<hbm>> -> memref<32x128xf32, #tpu.memory_space<hbm>>
        tpu.wait_dma2 semaphore(%arg16 : memref<!tpu.dma_semaphore, #tpu.memory_space<semaphore_mem>>) src(%dma_wait3A_232 : memref<32x128xf32, #tpu.memory_space<hbm>>) dst(%dma_wait3A_229 : memref<32x128xf32, #tpu.memory_space<vmem>>)
        %mul3A_233 = arith.constant 320 : i32
        %mul3A_234 = arith.muli %add3A, %mul3A_233 : i32
        %add3A_235 = arith.constant 0 : i32
        %add3A_236 = arith.addi %mul3A_234, %add3A_235 : i32
        "tpu.region"() ({
          %run_scoped3A = tpu.sem_alloc : memref<!tpu.dma_semaphore, #tpu.memory_space<semaphore_mem>>
          %dma_start3A_261 = arith.constant 0 : i32
          %dma_start3A_262 = tpu.memref_slice %arg7[%add3A_236, %dma_start3A_261] : memref<10240x128xf32, #tpu.memory_space<hbm>> -> memref<160x128xf32, #tpu.memory_space<hbm>>
          %dma_start3A_263 = arith.constant 0 : i32
          %dma_start3A_264 = tpu.memref_slice %arg7[%add3A_236, %dma_start3A_263] : memref<10240x128xf32, #tpu.memory_space<hbm>> -> memref<160x128xf32, #tpu.memory_space<hbm>>
          tpu.enqueue_dma source(%arg12 : memref<160x128xf32, #tpu.memory_space<vmem>>) target(%dma_start3A_264 : memref<160x128xf32, #tpu.memory_space<hbm>>) target_semaphore(%run_scoped3A : memref<!tpu.dma_semaphore, #tpu.memory_space<semaphore_mem>>)
          %dma_wait3A_265 = arith.constant 0 : i32
          %dma_wait3A_266 = tpu.memref_slice %arg7[%add3A_236, %dma_wait3A_265] : memref<10240x128xf32, #tpu.memory_space<hbm>> -> memref<160x128xf32, #tpu.memory_space<hbm>>
          %dma_wait3A_267 = arith.constant 0 : i32
          %dma_wait3A_268 = tpu.memref_slice %arg7[%add3A_236, %dma_wait3A_267] : memref<10240x128xf32, #tpu.memory_space<hbm>> -> memref<160x128xf32, #tpu.memory_space<hbm>>
          tpu.wait_dma2 semaphore(%run_scoped3A : memref<!tpu.dma_semaphore, #tpu.memory_space<semaphore_mem>>) src(%arg12 : memref<160x128xf32, #tpu.memory_space<vmem>>) dst(%dma_wait3A_268 : memref<160x128xf32, #tpu.memory_space<hbm>>)
          tpu.yield
        }) : () -> ()
        %dma_start3A_237 = arith.constant 0 : i32
        %dma_start3A_238 = arith.constant 0 : i32
        %dma_start3A_239 = tpu.memref_slice %arg12[%dma_start3A_237, %dma_start3A_238] : memref<160x128xf32, #tpu.memory_space<vmem>> -> memref<64x128xf32, #tpu.memory_space<vmem>>
        %dma_start3A_240 = arith.constant 160 : i32
        %dma_start3A_241 = tpu.memref_slice %arg14[%dma_start3A_240] : memref<352xi32, #tpu.memory_space<vmem>> -> memref<64xi32, #tpu.memory_space<vmem>>
        %dma_start3A_242 = arith.constant 0 : i32
        %dma_start3A_243 = arith.constant 0 : i32
        %dma_start3A_244 = tpu.memref_slice %arg5[%dma_start3A_242, %dma_start3A_243] : memref<100000x128xf32, #tpu.memory_space<hbm>> -> memref<100000x128xf32, #tpu.memory_space<hbm>>
        tpu.enqueue_indirect_dma source(%dma_start3A_244 : memref<100000x128xf32, #tpu.memory_space<hbm>>) target(%dma_start3A_239 : memref<64x128xf32, #tpu.memory_space<vmem>>) offsets(%dma_start3A_241 : memref<64xi32, #tpu.memory_space<vmem>>) semaphore(%arg16 : memref<!tpu.dma_semaphore, #tpu.memory_space<semaphore_mem>>)
        %dma_start3A_245 = arith.constant 64 : i32
        %dma_start3A_246 = arith.constant 0 : i32
        %dma_start3A_247 = tpu.memref_slice %arg12[%dma_start3A_245, %dma_start3A_246] : memref<160x128xf32, #tpu.memory_space<vmem>> -> memref<64x128xf32, #tpu.memory_space<vmem>>
        %dma_start3A_248 = arith.constant 224 : i32
        %dma_start3A_249 = tpu.memref_slice %arg14[%dma_start3A_248] : memref<352xi32, #tpu.memory_space<vmem>> -> memref<64xi32, #tpu.memory_space<vmem>>
        %dma_start3A_250 = arith.constant 0 : i32
        %dma_start3A_251 = arith.constant 0 : i32
        %dma_start3A_252 = tpu.memref_slice %arg5[%dma_start3A_250, %dma_start3A_251] : memref<100000x128xf32, #tpu.memory_space<hbm>> -> memref<100000x128xf32, #tpu.memory_space<hbm>>
        tpu.enqueue_indirect_dma source(%dma_start3A_252 : memref<100000x128xf32, #tpu.memory_space<hbm>>) target(%dma_start3A_247 : memref<64x128xf32, #tpu.memory_space<vmem>>) offsets(%dma_start3A_249 : memref<64xi32, #tpu.memory_space<vmem>>) semaphore(%arg16 : memref<!tpu.dma_semaphore, #tpu.memory_space<semaphore_mem>>)
        %dma_start3A_253 = arith.constant 128 : i32
        %dma_start3A_254 = arith.constant 0 : i32
        %dma_start3A_255 = tpu.memref_slice %arg12[%dma_start3A_253, %dma_start3A_254] : memref<160x128xf32, #tpu.memory_space<vmem>> -> memref<32x128xf32, #tpu.memory_space<vmem>>
        %dma_start3A_256 = arith.constant 288 : i32
        %dma_start3A_257 = tpu.memref_slice %arg14[%dma_start3A_256] : memref<352xi32, #tpu.memory_space<vmem>> -> memref<32xi32, #tpu.memory_space<vmem>>
        %dma_start3A_258 = arith.constant 0 : i32
        %dma_start3A_259 = arith.constant 0 : i32
        %dma_start3A_260 = tpu.memref_slice %arg5[%dma_start3A_258, %dma_start3A_259] : memref<100000x128xf32, #tpu.memory_space<hbm>> -> memref<100000x128xf32, #tpu.memory_space<hbm>>
        tpu.enqueue_indirect_dma source(%dma_start3A_260 : memref<100000x128xf32, #tpu.memory_space<hbm>>) target(%dma_start3A_255 : memref<32x128xf32, #tpu.memory_space<vmem>>) offsets(%dma_start3A_257 : memref<32xi32, #tpu.memory_space<vmem>>) semaphore(%arg16 : memref<!tpu.dma_semaphore, #tpu.memory_space<semaphore_mem>>)
      } else {
      }
      %rem3A_169 = arith.constant 2 : i32
      %rem3A_170 = arith.remsi %add3A_143, %rem3A_169 : i32
      %ge3A = arith.constant 2 : i32
      %ge3A_171 = arith.cmpi sge, %add3A_143, %ge3A : i32
      %convert_element_type3A_172 = arith.extui %ge3A_171 : i1 to i32
      %cond3A_173 = arith.constant 0 : i32
      %cond3A_174 = arith.cmpi ne, %convert_element_type3A_172, %cond3A_173 : i32
      scf.if %cond3A_174 {
        %dma_wait3A_197 = arith.constant 0 : i32
        %dma_wait3A_198 = arith.constant 0 : i32
        %dma_wait3A_199 = arith.constant 0 : i32
        %dma_wait3A_200 = tpu.memref_slice %arg11[%dma_wait3A_197, %dma_wait3A_198, %dma_wait3A_199] : memref<2x8x128xf32, #tpu.memory_space<vmem>> -> memref<1x8x128xf32, #tpu.memory_space<vmem>>
        %dma_wait3A_201 = tpu.memref_squeeze %dma_wait3A_200 : memref<1x8x128xf32, #tpu.memory_space<vmem>> -> memref<8x128xf32, #tpu.memory_space<vmem>>
        %dma_wait3A_202 = arith.constant 0 : i32
        %dma_wait3A_203 = arith.constant 0 : i32
        %dma_wait3A_204 = tpu.memref_slice %arg8[%dma_wait3A_202, %dma_wait3A_203] : memref<10240x128xf32, #tpu.memory_space<hbm>> -> memref<8x128xf32, #tpu.memory_space<hbm>>
        %dma_wait3A_205 = arith.constant 0 : i32
        %dma_wait3A_206 = arith.constant 0 : i32
        %dma_wait3A_207 = tpu.memref_slice %arg8[%dma_wait3A_205, %dma_wait3A_206] : memref<10240x128xf32, #tpu.memory_space<hbm>> -> memref<8x128xf32, #tpu.memory_space<hbm>>
        %dma_wait3A_208 = arith.constant 0 : i32
        %dma_wait3A_209 = arith.constant 0 : i32
        %dma_wait3A_210 = tpu.memref_slice %arg11[%dma_wait3A_197, %dma_wait3A_208, %dma_wait3A_209] : memref<2x8x128xf32, #tpu.memory_space<vmem>> -> memref<1x8x128xf32, #tpu.memory_space<vmem>>
        %dma_wait3A_211 = tpu.memref_squeeze %dma_wait3A_210 : memref<1x8x128xf32, #tpu.memory_space<vmem>> -> memref<8x128xf32, #tpu.memory_space<vmem>>
        tpu.wait_dma2 semaphore(%arg17 : memref<!tpu.dma_semaphore, #tpu.memory_space<semaphore_mem>>) src(%dma_wait3A_211 : memref<8x128xf32, #tpu.memory_space<vmem>>) dst(%dma_wait3A_207 : memref<8x128xf32, #tpu.memory_space<hbm>>)
      } else {
      }
      %scan3A_175 = arith.constant 0 : i32
      %scan3A_176 = arith.constant 8 : i32
      %scan3A_177 = arith.addi %scan3A_175, %scan3A_176 : i32
      %scan3A_178 = arith.constant 1 : i32
      scf.for %scan3A_197 = %scan3A_175 to %scan3A_177 step %scan3A_178  : i32 {
        %mul3A_198 = arith.constant 1 : i32
        %mul3A_199 = arith.muli %scan3A_197, %mul3A_198 : i32
        %add3A_200 = arith.constant 0 : i32
        %add3A_201 = arith.addi %add3A_200, %mul3A_199 : i32
        %mul3A_202 = arith.constant 25 : i32
        %mul3A_203 = arith.muli %add3A_201, %mul3A_202 : i32
        %get3A = arith.index_cast %rem3A_150 : i32 to index
        %get3A_204 = arith.index_cast %mul3A_203 : i32 to index
        %get3A_205 = arith.constant 0 : index
        %get3A_206 = tpu.vector_load %arg10[%get3A, %get3A_204, %get3A_205] {strides = array<i32>} : memref<3x200x128xf32, #tpu.memory_space<vmem>>, vector<1x1x16xf32>,
        %get3A_207 = vector.shape_cast %get3A_206 : vector<1x1x16xf32> to vector<16xf32>
        %get3A_208 = arith.index_cast %rem3A_150 : i32 to index
        %get3A_209 = arith.index_cast %mul3A_203 : i32 to index
        %get3A_210 = arith.constant 16 : index
        %get3A_211 = tpu.vector_load %arg10[%get3A_208, %get3A_209, %get3A_210] {strides = array<i32>} : memref<3x200x128xf32, #tpu.memory_space<vmem>>, vector<1x1x16xf32>,
        %get3A_212 = vector.shape_cast %get3A_211 : vector<1x1x16xf32> to vector<16xf32>
        %get3A_213 = arith.index_cast %rem3A_150 : i32 to index
        %get3A_214 = arith.index_cast %mul3A_203 : i32 to index
        %get3A_215 = arith.constant 32 : index
        %get3A_216 = tpu.vector_load %arg10[%get3A_213, %get3A_214, %get3A_215] {strides = array<i32>} : memref<3x200x128xf32, #tpu.memory_space<vmem>>, vector<1x1x16xf32>,
        %get3A_217 = vector.shape_cast %get3A_216 : vector<1x1x16xf32> to vector<16xf32>
        %get3A_218 = arith.index_cast %rem3A_150 : i32 to index
        %get3A_219 = arith.index_cast %mul3A_203 : i32 to index
        %get3A_220 = arith.constant 48 : index
        %get3A_221 = tpu.vector_load %arg10[%get3A_218, %get3A_219, %get3A_220] {strides = array<i32>} : memref<3x200x128xf32, #tpu.memory_space<vmem>>, vector<1x1x16xf32>,
        %get3A_222 = vector.shape_cast %get3A_221 : vector<1x1x16xf32> to vector<16xf32>
        %add3A_223 = arith.constant 1 : i32
        %add3A_224 = arith.addi %mul3A_203, %add3A_223 : i32
        %get3A_225 = arith.index_cast %rem3A_150 : i32 to index
        %get3A_226 = arith.index_cast %add3A_224 : i32 to index
        %get3A_227 = arith.constant 0 : index
        %get3A_228 = tpu.vector_load %arg10[%get3A_225, %get3A_226, %get3A_227] {strides = array<i32>} : memref<3x200x128xf32, #tpu.memory_space<vmem>>, vector<1x1x16xf32>,
        %get3A_229 = vector.shape_cast %get3A_228 : vector<1x1x16xf32> to vector<16xf32>
        %add3A_230 = arith.addf %get3A_207, %get3A_229 : vector<16xf32>
        %add3A_231 = arith.constant 1 : i32
        %add3A_232 = arith.addi %mul3A_203, %add3A_231 : i32
        %get3A_233 = arith.index_cast %rem3A_150 : i32 to index
        %get3A_234 = arith.index_cast %add3A_232 : i32 to index
        %get3A_235 = arith.constant 16 : index
        %get3A_236 = tpu.vector_load %arg10[%get3A_233, %get3A_234, %get3A_235] {strides = array<i32>} : memref<3x200x128xf32, #tpu.memory_space<vmem>>, vector<1x1x16xf32>,
        %get3A_237 = vector.shape_cast %get3A_236 : vector<1x1x16xf32> to vector<16xf32>
        %add3A_238 = arith.addf %get3A_212, %get3A_237 : vector<16xf32>
        %add3A_239 = arith.constant 1 : i32
        %add3A_240 = arith.addi %mul3A_203, %add3A_239 : i32
        %get3A_241 = arith.index_cast %rem3A_150 : i32 to index
        %get3A_242 = arith.index_cast %add3A_240 : i32 to index
        %get3A_243 = arith.constant 32 : index
        %get3A_244 = tpu.vector_load %arg10[%get3A_241, %get3A_242, %get3A_243] {strides = array<i32>} : memref<3x200x128xf32, #tpu.memory_space<vmem>>, vector<1x1x16xf32>,
        %get3A_245 = vector.shape_cast %get3A_244 : vector<1x1x16xf32> to vector<16xf32>
        %add3A_246 = arith.addf %get3A_217, %get3A_245 : vector<16xf32>
        %add3A_247 = arith.constant 1 : i32
        %add3A_248 = arith.addi %mul3A_203, %add3A_247 : i32
        %get3A_249 = arith.index_cast %rem3A_150 : i32 to index
        %get3A_250 = arith.index_cast %add3A_248 : i32 to index
        %get3A_251 = arith.constant 48 : index
        %get3A_252 = tpu.vector_load %arg10[%get3A_249, %get3A_250, %get3A_251] {strides = array<i32>} : memref<3x200x128xf32, #tpu.memory_space<vmem>>, vector<1x1x16xf32>,
        %get3A_253 = vector.shape_cast %get3A_252 : vector<1x1x16xf32> to vector<16xf32>
        %add3A_254 = arith.addf %get3A_222, %get3A_253 : vector<16xf32>
        %add3A_255 = arith.constant 2 : i32
        %add3A_256 = arith.addi %mul3A_203, %add3A_255 : i32
        %get3A_257 = arith.index_cast %rem3A_150 : i32 to index
        %get3A_258 = arith.index_cast %add3A_256 : i32 to index
        %get3A_259 = arith.constant 0 : index
        %get3A_260 = tpu.vector_load %arg10[%get3A_257, %get3A_258, %get3A_259] {strides = array<i32>} : memref<3x200x128xf32, #tpu.memory_space<vmem>>, vector<1x1x16xf32>,
        %get3A_261 = vector.shape_cast %get3A_260 : vector<1x1x16xf32> to vector<16xf32>
        %add3A_262 = arith.addf %add3A_230, %get3A_261 : vector<16xf32>
        %add3A_263 = arith.constant 2 : i32
        %add3A_264 = arith.addi %mul3A_203, %add3A_263 : i32
        %get3A_265 = arith.index_cast %rem3A_150 : i32 to index
        %get3A_266 = arith.index_cast %add3A_264 : i32 to index
        %get3A_267 = arith.constant 16 : index
        %get3A_268 = tpu.vector_load %arg10[%get3A_265, %get3A_266, %get3A_267] {strides = array<i32>} : memref<3x200x128xf32, #tpu.memory_space<vmem>>, vector<1x1x16xf32>,
        %get3A_269 = vector.shape_cast %get3A_268 : vector<1x1x16xf32> to vector<16xf32>
        %add3A_270 = arith.addf %add3A_238, %get3A_269 : vector<16xf32>
        %add3A_271 = arith.constant 2 : i32
        %add3A_272 = arith.addi %mul3A_203, %add3A_271 : i32
        %get3A_273 = arith.index_cast %rem3A_150 : i32 to index
        %get3A_274 = arith.index_cast %add3A_272 : i32 to index
        %get3A_275 = arith.constant 32 : index
        %get3A_276 = tpu.vector_load %arg10[%get3A_273, %get3A_274, %get3A_275] {strides = array<i32>} : memref<3x200x128xf32, #tpu.memory_space<vmem>>, vector<1x1x16xf32>,
        %get3A_277 = vector.shape_cast %get3A_276 : vector<1x1x16xf32> to vector<16xf32>
        %add3A_278 = arith.addf %add3A_246, %get3A_277 : vector<16xf32>
        %add3A_279 = arith.constant 2 : i32
        %add3A_280 = arith.addi %mul3A_203, %add3A_279 : i32
        %get3A_281 = arith.index_cast %rem3A_150 : i32 to index
        %get3A_282 = arith.index_cast %add3A_280 : i32 to index
        %get3A_283 = arith.constant 48 : index
        %get3A_284 = tpu.vector_load %arg10[%get3A_281, %get3A_282, %get3A_283] {strides = array<i32>} : memref<3x200x128xf32, #tpu.memory_space<vmem>>, vector<1x1x16xf32>,
        %get3A_285 = vector.shape_cast %get3A_284 : vector<1x1x16xf32> to vector<16xf32>
        %add3A_286 = arith.addf %add3A_254, %get3A_285 : vector<16xf32>
        %add3A_287 = arith.constant 3 : i32
        %add3A_288 = arith.addi %mul3A_203, %add3A_287 : i32
        %get3A_289 = arith.index_cast %rem3A_150 : i32 to index
        %get3A_290 = arith.index_cast %add3A_288 : i32 to index
        %get3A_291 = arith.constant 0 : index
        %get3A_292 = tpu.vector_load %arg10[%get3A_289, %get3A_290, %get3A_291] {strides = array<i32>} : memref<3x200x128xf32, #tpu.memory_space<vmem>>, vector<1x1x16xf32>,
        %get3A_293 = vector.shape_cast %get3A_292 : vector<1x1x16xf32> to vector<16xf32>
        %add3A_294 = arith.addf %add3A_262, %get3A_293 : vector<16xf32>
        %add3A_295 = arith.constant 3 : i32
        %add3A_296 = arith.addi %mul3A_203, %add3A_295 : i32
        %get3A_297 = arith.index_cast %rem3A_150 : i32 to index
        %get3A_298 = arith.index_cast %add3A_296 : i32 to index
        %get3A_299 = arith.constant 16 : index
        %get3A_300 = tpu.vector_load %arg10[%get3A_297, %get3A_298, %get3A_299] {strides = array<i32>} : memref<3x200x128xf32, #tpu.memory_space<vmem>>, vector<1x1x16xf32>,
        %get3A_301 = vector.shape_cast %get3A_300 : vector<1x1x16xf32> to vector<16xf32>
        %add3A_302 = arith.addf %add3A_270, %get3A_301 : vector<16xf32>
        %add3A_303 = arith.constant 3 : i32
        %add3A_304 = arith.addi %mul3A_203, %add3A_303 : i32
        %get3A_305 = arith.index_cast %rem3A_150 : i32 to index
        %get3A_306 = arith.index_cast %add3A_304 : i32 to index
        %get3A_307 = arith.constant 32 : index
        %get3A_308 = tpu.vector_load %arg10[%get3A_305, %get3A_306, %get3A_307] {strides = array<i32>} : memref<3x200x128xf32, #tpu.memory_space<vmem>>, vector<1x1x16xf32>,
        %get3A_309 = vector.shape_cast %get3A_308 : vector<1x1x16xf32> to vector<16xf32>
        %add3A_310 = arith.addf %add3A_278, %get3A_309 : vector<16xf32>
        %add3A_311 = arith.constant 3 : i32
        %add3A_312 = arith.addi %mul3A_203, %add3A_311 : i32
        %get3A_313 = arith.index_cast %rem3A_150 : i32 to index
        %get3A_314 = arith.index_cast %add3A_312 : i32 to index
        %get3A_315 = arith.constant 48 : index
        %get3A_316 = tpu.vector_load %arg10[%get3A_313, %get3A_314, %get3A_315] {strides = array<i32>} : memref<3x200x128xf32, #tpu.memory_space<vmem>>, vector<1x1x16xf32>,
        %get3A_317 = vector.shape_cast %get3A_316 : vector<1x1x16xf32> to vector<16xf32>
        %add3A_318 = arith.addf %add3A_286, %get3A_317 : vector<16xf32>
        %add3A_319 = arith.constant 4 : i32
        %add3A_320 = arith.addi %mul3A_203, %add3A_319 : i32
        %get3A_321 = arith.index_cast %rem3A_150 : i32 to index
        %get3A_322 = arith.index_cast %add3A_320 : i32 to index
        %get3A_323 = arith.constant 0 : index
        %get3A_324 = tpu.vector_load %arg10[%get3A_321, %get3A_322, %get3A_323] {strides = array<i32>} : memref<3x200x128xf32, #tpu.memory_space<vmem>>, vector<1x1x16xf32>,
        %get3A_325 = vector.shape_cast %get3A_324 : vector<1x1x16xf32> to vector<16xf32>
        %add3A_326 = arith.addf %add3A_294, %get3A_325 : vector<16xf32>
        %add3A_327 = arith.constant 4 : i32
        %add3A_328 = arith.addi %mul3A_203, %add3A_327 : i32
        %get3A_329 = arith.index_cast %rem3A_150 : i32 to index
        %get3A_330 = arith.index_cast %add3A_328 : i32 to index
        %get3A_331 = arith.constant 16 : index
        %get3A_332 = tpu.vector_load %arg10[%get3A_329, %get3A_330, %get3A_331] {strides = array<i32>} : memref<3x200x128xf32, #tpu.memory_space<vmem>>, vector<1x1x16xf32>,
        %get3A_333 = vector.shape_cast %get3A_332 : vector<1x1x16xf32> to vector<16xf32>
        %add3A_334 = arith.addf %add3A_302, %get3A_333 : vector<16xf32>
        %add3A_335 = arith.constant 4 : i32
        %add3A_336 = arith.addi %mul3A_203, %add3A_335 : i32
        %get3A_337 = arith.index_cast %rem3A_150 : i32 to index
        %get3A_338 = arith.index_cast %add3A_336 : i32 to index
        %get3A_339 = arith.constant 32 : index
        %get3A_340 = tpu.vector_load %arg10[%get3A_337, %get3A_338, %get3A_339] {strides = array<i32>} : memref<3x200x128xf32, #tpu.memory_space<vmem>>, vector<1x1x16xf32>,
        %get3A_341 = vector.shape_cast %get3A_340 : vector<1x1x16xf32> to vector<16xf32>
        %add3A_342 = arith.addf %add3A_310, %get3A_341 : vector<16xf32>
        %add3A_343 = arith.constant 4 : i32
        %add3A_344 = arith.addi %mul3A_203, %add3A_343 : i32
        %get3A_345 = arith.index_cast %rem3A_150 : i32 to index
        %get3A_346 = arith.index_cast %add3A_344 : i32 to index
        %get3A_347 = arith.constant 48 : index
        %get3A_348 = tpu.vector_load %arg10[%get3A_345, %get3A_346, %get3A_347] {strides = array<i32>} : memref<3x200x128xf32, #tpu.memory_space<vmem>>, vector<1x1x16xf32>,
        %get3A_349 = vector.shape_cast %get3A_348 : vector<1x1x16xf32> to vector<16xf32>
        %add3A_350 = arith.addf %add3A_318, %get3A_349 : vector<16xf32>
        %add3A_351 = arith.constant 5 : i32
        %add3A_352 = arith.addi %mul3A_203, %add3A_351 : i32
        %get3A_353 = arith.index_cast %rem3A_150 : i32 to index
        %get3A_354 = arith.index_cast %add3A_352 : i32 to index
        %get3A_355 = arith.constant 0 : index
        %get3A_356 = tpu.vector_load %arg10[%get3A_353, %get3A_354, %get3A_355] {strides = array<i32>} : memref<3x200x128xf32, #tpu.memory_space<vmem>>, vector<1x1x16xf32>,
        %get3A_357 = vector.shape_cast %get3A_356 : vector<1x1x16xf32> to vector<16xf32>
        %add3A_358 = arith.addf %add3A_326, %get3A_357 : vector<16xf32>
        %add3A_359 = arith.constant 5 : i32
        %add3A_360 = arith.addi %mul3A_203, %add3A_359 : i32
        %get3A_361 = arith.index_cast %rem3A_150 : i32 to index
        %get3A_362 = arith.index_cast %add3A_360 : i32 to index
        %get3A_363 = arith.constant 16 : index
        %get3A_364 = tpu.vector_load %arg10[%get3A_361, %get3A_362, %get3A_363] {strides = array<i32>} : memref<3x200x128xf32, #tpu.memory_space<vmem>>, vector<1x1x16xf32>,
        %get3A_365 = vector.shape_cast %get3A_364 : vector<1x1x16xf32> to vector<16xf32>
        %add3A_366 = arith.addf %add3A_334, %get3A_365 : vector<16xf32>
        %add3A_367 = arith.constant 5 : i32
        %add3A_368 = arith.addi %mul3A_203, %add3A_367 : i32
        %get3A_369 = arith.index_cast %rem3A_150 : i32 to index
        %get3A_370 = arith.index_cast %add3A_368 : i32 to index
        %get3A_371 = arith.constant 32 : index
        %get3A_372 = tpu.vector_load %arg10[%get3A_369, %get3A_370, %get3A_371] {strides = array<i32>} : memref<3x200x128xf32, #tpu.memory_space<vmem>>, vector<1x1x16xf32>,
        %get3A_373 = vector.shape_cast %get3A_372 : vector<1x1x16xf32> to vector<16xf32>
        %add3A_374 = arith.addf %add3A_342, %get3A_373 : vector<16xf32>
        %add3A_375 = arith.constant 5 : i32
        %add3A_376 = arith.addi %mul3A_203, %add3A_375 : i32
        %get3A_377 = arith.index_cast %rem3A_150 : i32 to index
        %get3A_378 = arith.index_cast %add3A_376 : i32 to index
        %get3A_379 = arith.constant 48 : index
        %get3A_380 = tpu.vector_load %arg10[%get3A_377, %get3A_378, %get3A_379] {strides = array<i32>} : memref<3x200x128xf32, #tpu.memory_space<vmem>>, vector<1x1x16xf32>,
        %get3A_381 = vector.shape_cast %get3A_380 : vector<1x1x16xf32> to vector<16xf32>
        %add3A_382 = arith.addf %add3A_350, %get3A_381 : vector<16xf32>
        %add3A_383 = arith.constant 6 : i32
        %add3A_384 = arith.addi %mul3A_203, %add3A_383 : i32
        %get3A_385 = arith.index_cast %rem3A_150 : i32 to index
        %get3A_386 = arith.index_cast %add3A_384 : i32 to index
        %get3A_387 = arith.constant 0 : index
        %get3A_388 = tpu.vector_load %arg10[%get3A_385, %get3A_386, %get3A_387] {strides = array<i32>} : memref<3x200x128xf32, #tpu.memory_space<vmem>>, vector<1x1x16xf32>,
        %get3A_389 = vector.shape_cast %get3A_388 : vector<1x1x16xf32> to vector<16xf32>
        %add3A_390 = arith.addf %add3A_358, %get3A_389 : vector<16xf32>
        %add3A_391 = arith.constant 6 : i32
        %add3A_392 = arith.addi %mul3A_203, %add3A_391 : i32
        %get3A_393 = arith.index_cast %rem3A_150 : i32 to index
        %get3A_394 = arith.index_cast %add3A_392 : i32 to index
        %get3A_395 = arith.constant 16 : index
        %get3A_396 = tpu.vector_load %arg10[%get3A_393, %get3A_394, %get3A_395] {strides = array<i32>} : memref<3x200x128xf32, #tpu.memory_space<vmem>>, vector<1x1x16xf32>,
        %get3A_397 = vector.shape_cast %get3A_396 : vector<1x1x16xf32> to vector<16xf32>
        %add3A_398 = arith.addf %add3A_366, %get3A_397 : vector<16xf32>
        %add3A_399 = arith.constant 6 : i32
        %add3A_400 = arith.addi %mul3A_203, %add3A_399 : i32
        %get3A_401 = arith.index_cast %rem3A_150 : i32 to index
        %get3A_402 = arith.index_cast %add3A_400 : i32 to index
        %get3A_403 = arith.constant 32 : index
        %get3A_404 = tpu.vector_load %arg10[%get3A_401, %get3A_402, %get3A_403] {strides = array<i32>} : memref<3x200x128xf32, #tpu.memory_space<vmem>>, vector<1x1x16xf32>,
        %get3A_405 = vector.shape_cast %get3A_404 : vector<1x1x16xf32> to vector<16xf32>
        %add3A_406 = arith.addf %add3A_374, %get3A_405 : vector<16xf32>
        %add3A_407 = arith.constant 6 : i32
        %add3A_408 = arith.addi %mul3A_203, %add3A_407 : i32
        %get3A_409 = arith.index_cast %rem3A_150 : i32 to index
        %get3A_410 = arith.index_cast %add3A_408 : i32 to index
        %get3A_411 = arith.constant 48 : index
        %get3A_412 = tpu.vector_load %arg10[%get3A_409, %get3A_410, %get3A_411] {strides = array<i32>} : memref<3x200x128xf32, #tpu.memory_space<vmem>>, vector<1x1x16xf32>,
        %get3A_413 = vector.shape_cast %get3A_412 : vector<1x1x16xf32> to vector<16xf32>
        %add3A_414 = arith.addf %add3A_382, %get3A_413 : vector<16xf32>
        %add3A_415 = arith.constant 7 : i32
        %add3A_416 = arith.addi %mul3A_203, %add3A_415 : i32
        %get3A_417 = arith.index_cast %rem3A_150 : i32 to index
        %get3A_418 = arith.index_cast %add3A_416 : i32 to index
        %get3A_419 = arith.constant 0 : index
        %get3A_420 = tpu.vector_load %arg10[%get3A_417, %get3A_418, %get3A_419] {strides = array<i32>} : memref<3x200x128xf32, #tpu.memory_space<vmem>>, vector<1x1x16xf32>,
        %get3A_421 = vector.shape_cast %get3A_420 : vector<1x1x16xf32> to vector<16xf32>
        %add3A_422 = arith.addf %add3A_390, %get3A_421 : vector<16xf32>
        %add3A_423 = arith.constant 7 : i32
        %add3A_424 = arith.addi %mul3A_203, %add3A_423 : i32
        %get3A_425 = arith.index_cast %rem3A_150 : i32 to index
        %get3A_426 = arith.index_cast %add3A_424 : i32 to index
        %get3A_427 = arith.constant 16 : index
        %get3A_428 = tpu.vector_load %arg10[%get3A_425, %get3A_426, %get3A_427] {strides = array<i32>} : memref<3x200x128xf32, #tpu.memory_space<vmem>>, vector<1x1x16xf32>,
        %get3A_429 = vector.shape_cast %get3A_428 : vector<1x1x16xf32> to vector<16xf32>
        %add3A_430 = arith.addf %add3A_398, %get3A_429 : vector<16xf32>
        %add3A_431 = arith.constant 7 : i32
        %add3A_432 = arith.addi %mul3A_203, %add3A_431 : i32
        %get3A_433 = arith.index_cast %rem3A_150 : i32 to index
        %get3A_434 = arith.index_cast %add3A_432 : i32 to index
        %get3A_435 = arith.constant 32 : index
        %get3A_436 = tpu.vector_load %arg10[%get3A_433, %get3A_434, %get3A_435] {strides = array<i32>} : memref<3x200x128xf32, #tpu.memory_space<vmem>>, vector<1x1x16xf32>,
        %get3A_437 = vector.shape_cast %get3A_436 : vector<1x1x16xf32> to vector<16xf32>
        %add3A_438 = arith.addf %add3A_406, %get3A_437 : vector<16xf32>
        %add3A_439 = arith.constant 7 : i32
        %add3A_440 = arith.addi %mul3A_203, %add3A_439 : i32
        %get3A_441 = arith.index_cast %rem3A_150 : i32 to index
        %get3A_442 = arith.index_cast %add3A_440 : i32 to index
        %get3A_443 = arith.constant 48 : index
        %get3A_444 = tpu.vector_load %arg10[%get3A_441, %get3A_442, %get3A_443] {strides = array<i32>} : memref<3x200x128xf32, #tpu.memory_space<vmem>>, vector<1x1x16xf32>,
        %get3A_445 = vector.shape_cast %get3A_444 : vector<1x1x16xf32> to vector<16xf32>
        %add3A_446 = arith.addf %add3A_414, %get3A_445 : vector<16xf32>
        %add3A_447 = arith.constant 8 : i32
        %add3A_448 = arith.addi %mul3A_203, %add3A_447 : i32
        %get3A_449 = arith.index_cast %rem3A_150 : i32 to index
        %get3A_450 = arith.index_cast %add3A_448 : i32 to index
        %get3A_451 = arith.constant 0 : index
        %get3A_452 = tpu.vector_load %arg10[%get3A_449, %get3A_450, %get3A_451] {strides = array<i32>} : memref<3x200x128xf32, #tpu.memory_space<vmem>>, vector<1x1x16xf32>,
        %get3A_453 = vector.shape_cast %get3A_452 : vector<1x1x16xf32> to vector<16xf32>
        %add3A_454 = arith.addf %add3A_422, %get3A_453 : vector<16xf32>
        %add3A_455 = arith.constant 8 : i32
        %add3A_456 = arith.addi %mul3A_203, %add3A_455 : i32
        %get3A_457 = arith.index_cast %rem3A_150 : i32 to index
        %get3A_458 = arith.index_cast %add3A_456 : i32 to index
        %get3A_459 = arith.constant 16 : index
        %get3A_460 = tpu.vector_load %arg10[%get3A_457, %get3A_458, %get3A_459] {strides = array<i32>} : memref<3x200x128xf32, #tpu.memory_space<vmem>>, vector<1x1x16xf32>,
        %get3A_461 = vector.shape_cast %get3A_460 : vector<1x1x16xf32> to vector<16xf32>
        %add3A_462 = arith.addf %add3A_430, %get3A_461 : vector<16xf32>
        %add3A_463 = arith.constant 8 : i32
        %add3A_464 = arith.addi %mul3A_203, %add3A_463 : i32
        %get3A_465 = arith.index_cast %rem3A_150 : i32 to index
        %get3A_466 = arith.index_cast %add3A_464 : i32 to index
        %get3A_467 = arith.constant 32 : index
        %get3A_468 = tpu.vector_load %arg10[%get3A_465, %get3A_466, %get3A_467] {strides = array<i32>} : memref<3x200x128xf32, #tpu.memory_space<vmem>>, vector<1x1x16xf32>,
        %get3A_469 = vector.shape_cast %get3A_468 : vector<1x1x16xf32> to vector<16xf32>
        %add3A_470 = arith.addf %add3A_438, %get3A_469 : vector<16xf32>
        %add3A_471 = arith.constant 8 : i32
        %add3A_472 = arith.addi %mul3A_203, %add3A_471 : i32
        %get3A_473 = arith.index_cast %rem3A_150 : i32 to index
        %get3A_474 = arith.index_cast %add3A_472 : i32 to index
        %get3A_475 = arith.constant 48 : index
        %get3A_476 = tpu.vector_load %arg10[%get3A_473, %get3A_474, %get3A_475] {strides = array<i32>} : memref<3x200x128xf32, #tpu.memory_space<vmem>>, vector<1x1x16xf32>,
        %get3A_477 = vector.shape_cast %get3A_476 : vector<1x1x16xf32> to vector<16xf32>
        %add3A_478 = arith.addf %add3A_446, %get3A_477 : vector<16xf32>
        %add3A_479 = arith.constant 9 : i32
        %add3A_480 = arith.addi %mul3A_203, %add3A_479 : i32
        %get3A_481 = arith.index_cast %rem3A_150 : i32 to index
        %get3A_482 = arith.index_cast %add3A_480 : i32 to index
        %get3A_483 = arith.constant 0 : index
        %get3A_484 = tpu.vector_load %arg10[%get3A_481, %get3A_482, %get3A_483] {strides = array<i32>} : memref<3x200x128xf32, #tpu.memory_space<vmem>>, vector<1x1x16xf32>,
        %get3A_485 = vector.shape_cast %get3A_484 : vector<1x1x16xf32> to vector<16xf32>
        %add3A_486 = arith.addf %add3A_454, %get3A_485 : vector<16xf32>
        %add3A_487 = arith.constant 9 : i32
        %add3A_488 = arith.addi %mul3A_203, %add3A_487 : i32
        %get3A_489 = arith.index_cast %rem3A_150 : i32 to index
        %get3A_490 = arith.index_cast %add3A_488 : i32 to index
        %get3A_491 = arith.constant 16 : index
        %get3A_492 = tpu.vector_load %arg10[%get3A_489, %get3A_490, %get3A_491] {strides = array<i32>} : memref<3x200x128xf32, #tpu.memory_space<vmem>>, vector<1x1x16xf32>,
        %get3A_493 = vector.shape_cast %get3A_492 : vector<1x1x16xf32> to vector<16xf32>
        %add3A_494 = arith.addf %add3A_462, %get3A_493 : vector<16xf32>
        %add3A_495 = arith.constant 9 : i32
        %add3A_496 = arith.addi %mul3A_203, %add3A_495 : i32
        %get3A_497 = arith.index_cast %rem3A_150 : i32 to index
        %get3A_498 = arith.index_cast %add3A_496 : i32 to index
        %get3A_499 = arith.constant 32 : index
        %get3A_500 = tpu.vector_load %arg10[%get3A_497, %get3A_498, %get3A_499] {strides = array<i32>} : memref<3x200x128xf32, #tpu.memory_space<vmem>>, vector<1x1x16xf32>,
        %get3A_501 = vector.shape_cast %get3A_500 : vector<1x1x16xf32> to vector<16xf32>
        %add3A_502 = arith.addf %add3A_470, %get3A_501 : vector<16xf32>
        %add3A_503 = arith.constant 9 : i32
        %add3A_504 = arith.addi %mul3A_203, %add3A_503 : i32
        %get3A_505 = arith.index_cast %rem3A_150 : i32 to index
        %get3A_506 = arith.index_cast %add3A_504 : i32 to index
        %get3A_507 = arith.constant 48 : index
        %get3A_508 = tpu.vector_load %arg10[%get3A_505, %get3A_506, %get3A_507] {strides = array<i32>} : memref<3x200x128xf32, #tpu.memory_space<vmem>>, vector<1x1x16xf32>,
        %get3A_509 = vector.shape_cast %get3A_508 : vector<1x1x16xf32> to vector<16xf32>
        %add3A_510 = arith.addf %add3A_478, %get3A_509 : vector<16xf32>
        %add3A_511 = arith.constant 10 : i32
        %add3A_512 = arith.addi %mul3A_203, %add3A_511 : i32
        %get3A_513 = arith.index_cast %rem3A_150 : i32 to index
        %get3A_514 = arith.index_cast %add3A_512 : i32 to index
        %get3A_515 = arith.constant 0 : index
        %get3A_516 = tpu.vector_load %arg10[%get3A_513, %get3A_514, %get3A_515] {strides = array<i32>} : memref<3x200x128xf32, #tpu.memory_space<vmem>>, vector<1x1x16xf32>,
        %get3A_517 = vector.shape_cast %get3A_516 : vector<1x1x16xf32> to vector<16xf32>
        %add3A_518 = arith.addf %add3A_486, %get3A_517 : vector<16xf32>
        %add3A_519 = arith.constant 10 : i32
        %add3A_520 = arith.addi %mul3A_203, %add3A_519 : i32
        %get3A_521 = arith.index_cast %rem3A_150 : i32 to index
        %get3A_522 = arith.index_cast %add3A_520 : i32 to index
        %get3A_523 = arith.constant 16 : index
        %get3A_524 = tpu.vector_load %arg10[%get3A_521, %get3A_522, %get3A_523] {strides = array<i32>} : memref<3x200x128xf32, #tpu.memory_space<vmem>>, vector<1x1x16xf32>,
        %get3A_525 = vector.shape_cast %get3A_524 : vector<1x1x16xf32> to vector<16xf32>
        %add3A_526 = arith.addf %add3A_494, %get3A_525 : vector<16xf32>
        %add3A_527 = arith.constant 10 : i32
        %add3A_528 = arith.addi %mul3A_203, %add3A_527 : i32
        %get3A_529 = arith.index_cast %rem3A_150 : i32 to index
        %get3A_530 = arith.index_cast %add3A_528 : i32 to index
        %get3A_531 = arith.constant 32 : index
        %get3A_532 = tpu.vector_load %arg10[%get3A_529, %get3A_530, %get3A_531] {strides = array<i32>} : memref<3x200x128xf32, #tpu.memory_space<vmem>>, vector<1x1x16xf32>,
        %get3A_533 = vector.shape_cast %get3A_532 : vector<1x1x16xf32> to vector<16xf32>
        %add3A_534 = arith.addf %add3A_502, %get3A_533 : vector<16xf32>
        %add3A_535 = arith.constant 10 : i32
        %add3A_536 = arith.addi %mul3A_203, %add3A_535 : i32
        %get3A_537 = arith.index_cast %rem3A_150 : i32 to index
        %get3A_538 = arith.index_cast %add3A_536 : i32 to index
        %get3A_539 = arith.constant 48 : index
        %get3A_540 = tpu.vector_load %arg10[%get3A_537, %get3A_538, %get3A_539] {strides = array<i32>} : memref<3x200x128xf32, #tpu.memory_space<vmem>>, vector<1x1x16xf32>,
        %get3A_541 = vector.shape_cast %get3A_540 : vector<1x1x16xf32> to vector<16xf32>
        %add3A_542 = arith.addf %add3A_510, %get3A_541 : vector<16xf32>
        %add3A_543 = arith.constant 11 : i32
        %add3A_544 = arith.addi %mul3A_203, %add3A_543 : i32
        %get3A_545 = arith.index_cast %rem3A_150 : i32 to index
        %get3A_546 = arith.index_cast %add3A_544 : i32 to index
        %get3A_547 = arith.constant 0 : index
        %get3A_548 = tpu.vector_load %arg10[%get3A_545, %get3A_546, %get3A_547] {strides = array<i32>} : memref<3x200x128xf32, #tpu.memory_space<vmem>>, vector<1x1x16xf32>,
        %get3A_549 = vector.shape_cast %get3A_548 : vector<1x1x16xf32> to vector<16xf32>
        %add3A_550 = arith.addf %add3A_518, %get3A_549 : vector<16xf32>
        %add3A_551 = arith.constant 11 : i32
        %add3A_552 = arith.addi %mul3A_203, %add3A_551 : i32
        %get3A_553 = arith.index_cast %rem3A_150 : i32 to index
        %get3A_554 = arith.index_cast %add3A_552 : i32 to index
        %get3A_555 = arith.constant 16 : index
        %get3A_556 = tpu.vector_load %arg10[%get3A_553, %get3A_554, %get3A_555] {strides = array<i32>} : memref<3x200x128xf32, #tpu.memory_space<vmem>>, vector<1x1x16xf32>,
        %get3A_557 = vector.shape_cast %get3A_556 : vector<1x1x16xf32> to vector<16xf32>
        %add3A_558 = arith.addf %add3A_526, %get3A_557 : vector<16xf32>
        %add3A_559 = arith.constant 11 : i32
        %add3A_560 = arith.addi %mul3A_203, %add3A_559 : i32
        %get3A_561 = arith.index_cast %rem3A_150 : i32 to index
        %get3A_562 = arith.index_cast %add3A_560 : i32 to index
        %get3A_563 = arith.constant 32 : index
        %get3A_564 = tpu.vector_load %arg10[%get3A_561, %get3A_562, %get3A_563] {strides = array<i32>} : memref<3x200x128xf32, #tpu.memory_space<vmem>>, vector<1x1x16xf32>,
        %get3A_565 = vector.shape_cast %get3A_564 : vector<1x1x16xf32> to vector<16xf32>
        %add3A_566 = arith.addf %add3A_534, %get3A_565 : vector<16xf32>
        %add3A_567 = arith.constant 11 : i32
        %add3A_568 = arith.addi %mul3A_203, %add3A_567 : i32
        %get3A_569 = arith.index_cast %rem3A_150 : i32 to index
        %get3A_570 = arith.index_cast %add3A_568 : i32 to index
        %get3A_571 = arith.constant 48 : index
        %get3A_572 = tpu.vector_load %arg10[%get3A_569, %get3A_570, %get3A_571] {strides = array<i32>} : memref<3x200x128xf32, #tpu.memory_space<vmem>>, vector<1x1x16xf32>,
        %get3A_573 = vector.shape_cast %get3A_572 : vector<1x1x16xf32> to vector<16xf32>
        %add3A_574 = arith.addf %add3A_542, %get3A_573 : vector<16xf32>
        %add3A_575 = arith.constant 12 : i32
        %add3A_576 = arith.addi %mul3A_203, %add3A_575 : i32
        %get3A_577 = arith.index_cast %rem3A_150 : i32 to index
        %get3A_578 = arith.index_cast %add3A_576 : i32 to index
        %get3A_579 = arith.constant 0 : index
        %get3A_580 = tpu.vector_load %arg10[%get3A_577, %get3A_578, %get3A_579] {strides = array<i32>} : memref<3x200x128xf32, #tpu.memory_space<vmem>>, vector<1x1x16xf32>,
        %get3A_581 = vector.shape_cast %get3A_580 : vector<1x1x16xf32> to vector<16xf32>
        %add3A_582 = arith.addf %add3A_550, %get3A_581 : vector<16xf32>
        %add3A_583 = arith.constant 12 : i32
        %add3A_584 = arith.addi %mul3A_203, %add3A_583 : i32
        %get3A_585 = arith.index_cast %rem3A_150 : i32 to index
        %get3A_586 = arith.index_cast %add3A_584 : i32 to index
        %get3A_587 = arith.constant 16 : index
        %get3A_588 = tpu.vector_load %arg10[%get3A_585, %get3A_586, %get3A_587] {strides = array<i32>} : memref<3x200x128xf32, #tpu.memory_space<vmem>>, vector<1x1x16xf32>,
        %get3A_589 = vector.shape_cast %get3A_588 : vector<1x1x16xf32> to vector<16xf32>
        %add3A_590 = arith.addf %add3A_558, %get3A_589 : vector<16xf32>
        %add3A_591 = arith.constant 12 : i32
        %add3A_592 = arith.addi %mul3A_203, %add3A_591 : i32
        %get3A_593 = arith.index_cast %rem3A_150 : i32 to index
        %get3A_594 = arith.index_cast %add3A_592 : i32 to index
        %get3A_595 = arith.constant 32 : index
        %get3A_596 = tpu.vector_load %arg10[%get3A_593, %get3A_594, %get3A_595] {strides = array<i32>} : memref<3x200x128xf32, #tpu.memory_space<vmem>>, vector<1x1x16xf32>,
        %get3A_597 = vector.shape_cast %get3A_596 : vector<1x1x16xf32> to vector<16xf32>
        %add3A_598 = arith.addf %add3A_566, %get3A_597 : vector<16xf32>
        %add3A_599 = arith.constant 12 : i32
        %add3A_600 = arith.addi %mul3A_203, %add3A_599 : i32
        %get3A_601 = arith.index_cast %rem3A_150 : i32 to index
        %get3A_602 = arith.index_cast %add3A_600 : i32 to index
        %get3A_603 = arith.constant 48 : index
        %get3A_604 = tpu.vector_load %arg10[%get3A_601, %get3A_602, %get3A_603] {strides = array<i32>} : memref<3x200x128xf32, #tpu.memory_space<vmem>>, vector<1x1x16xf32>,
        %get3A_605 = vector.shape_cast %get3A_604 : vector<1x1x16xf32> to vector<16xf32>
        %add3A_606 = arith.addf %add3A_574, %get3A_605 : vector<16xf32>
        %add3A_607 = arith.constant 13 : i32
        %add3A_608 = arith.addi %mul3A_203, %add3A_607 : i32
        %get3A_609 = arith.index_cast %rem3A_150 : i32 to index
        %get3A_610 = arith.index_cast %add3A_608 : i32 to index
        %get3A_611 = arith.constant 0 : index
        %get3A_612 = tpu.vector_load %arg10[%get3A_609, %get3A_610, %get3A_611] {strides = array<i32>} : memref<3x200x128xf32, #tpu.memory_space<vmem>>, vector<1x1x16xf32>,
        %get3A_613 = vector.shape_cast %get3A_612 : vector<1x1x16xf32> to vector<16xf32>
        %add3A_614 = arith.addf %add3A_582, %get3A_613 : vector<16xf32>
        %add3A_615 = arith.constant 13 : i32
        %add3A_616 = arith.addi %mul3A_203, %add3A_615 : i32
        %get3A_617 = arith.index_cast %rem3A_150 : i32 to index
        %get3A_618 = arith.index_cast %add3A_616 : i32 to index
        %get3A_619 = arith.constant 16 : index
        %get3A_620 = tpu.vector_load %arg10[%get3A_617, %get3A_618, %get3A_619] {strides = array<i32>} : memref<3x200x128xf32, #tpu.memory_space<vmem>>, vector<1x1x16xf32>,
        %get3A_621 = vector.shape_cast %get3A_620 : vector<1x1x16xf32> to vector<16xf32>
        %add3A_622 = arith.addf %add3A_590, %get3A_621 : vector<16xf32>
        %add3A_623 = arith.constant 13 : i32
        %add3A_624 = arith.addi %mul3A_203, %add3A_623 : i32
        %get3A_625 = arith.index_cast %rem3A_150 : i32 to index
        %get3A_626 = arith.index_cast %add3A_624 : i32 to index
        %get3A_627 = arith.constant 32 : index
        %get3A_628 = tpu.vector_load %arg10[%get3A_625, %get3A_626, %get3A_627] {strides = array<i32>} : memref<3x200x128xf32, #tpu.memory_space<vmem>>, vector<1x1x16xf32>,
        %get3A_629 = vector.shape_cast %get3A_628 : vector<1x1x16xf32> to vector<16xf32>
        %add3A_630 = arith.addf %add3A_598, %get3A_629 : vector<16xf32>
        %add3A_631 = arith.constant 13 : i32
        %add3A_632 = arith.addi %mul3A_203, %add3A_631 : i32
        %get3A_633 = arith.index_cast %rem3A_150 : i32 to index
        %get3A_634 = arith.index_cast %add3A_632 : i32 to index
        %get3A_635 = arith.constant 48 : index
        %get3A_636 = tpu.vector_load %arg10[%get3A_633, %get3A_634, %get3A_635] {strides = array<i32>} : memref<3x200x128xf32, #tpu.memory_space<vmem>>, vector<1x1x16xf32>,
        %get3A_637 = vector.shape_cast %get3A_636 : vector<1x1x16xf32> to vector<16xf32>
        %add3A_638 = arith.addf %add3A_606, %get3A_637 : vector<16xf32>
        %add3A_639 = arith.constant 14 : i32
        %add3A_640 = arith.addi %mul3A_203, %add3A_639 : i32
        %get3A_641 = arith.index_cast %rem3A_150 : i32 to index
        %get3A_642 = arith.index_cast %add3A_640 : i32 to index
        %get3A_643 = arith.constant 0 : index
        %get3A_644 = tpu.vector_load %arg10[%get3A_641, %get3A_642, %get3A_643] {strides = array<i32>} : memref<3x200x128xf32, #tpu.memory_space<vmem>>, vector<1x1x16xf32>,
        %get3A_645 = vector.shape_cast %get3A_644 : vector<1x1x16xf32> to vector<16xf32>
        %add3A_646 = arith.addf %add3A_614, %get3A_645 : vector<16xf32>
        %add3A_647 = arith.constant 14 : i32
        %add3A_648 = arith.addi %mul3A_203, %add3A_647 : i32
        %get3A_649 = arith.index_cast %rem3A_150 : i32 to index
        %get3A_650 = arith.index_cast %add3A_648 : i32 to index
        %get3A_651 = arith.constant 16 : index
        %get3A_652 = tpu.vector_load %arg10[%get3A_649, %get3A_650, %get3A_651] {strides = array<i32>} : memref<3x200x128xf32, #tpu.memory_space<vmem>>, vector<1x1x16xf32>,
        %get3A_653 = vector.shape_cast %get3A_652 : vector<1x1x16xf32> to vector<16xf32>
        %add3A_654 = arith.addf %add3A_622, %get3A_653 : vector<16xf32>
        %add3A_655 = arith.constant 14 : i32
        %add3A_656 = arith.addi %mul3A_203, %add3A_655 : i32
        %get3A_657 = arith.index_cast %rem3A_150 : i32 to index
        %get3A_658 = arith.index_cast %add3A_656 : i32 to index
        %get3A_659 = arith.constant 32 : index
        %get3A_660 = tpu.vector_load %arg10[%get3A_657, %get3A_658, %get3A_659] {strides = array<i32>} : memref<3x200x128xf32, #tpu.memory_space<vmem>>, vector<1x1x16xf32>,
        %get3A_661 = vector.shape_cast %get3A_660 : vector<1x1x16xf32> to vector<16xf32>
        %add3A_662 = arith.addf %add3A_630, %get3A_661 : vector<16xf32>
        %add3A_663 = arith.constant 14 : i32
        %add3A_664 = arith.addi %mul3A_203, %add3A_663 : i32
        %get3A_665 = arith.index_cast %rem3A_150 : i32 to index
        %get3A_666 = arith.index_cast %add3A_664 : i32 to index
        %get3A_667 = arith.constant 48 : index
        %get3A_668 = tpu.vector_load %arg10[%get3A_665, %get3A_666, %get3A_667] {strides = array<i32>} : memref<3x200x128xf32, #tpu.memory_space<vmem>>, vector<1x1x16xf32>,
        %get3A_669 = vector.shape_cast %get3A_668 : vector<1x1x16xf32> to vector<16xf32>
        %add3A_670 = arith.addf %add3A_638, %get3A_669 : vector<16xf32>
        %add3A_671 = arith.constant 15 : i32
        %add3A_672 = arith.addi %mul3A_203, %add3A_671 : i32
        %get3A_673 = arith.index_cast %rem3A_150 : i32 to index
        %get3A_674 = arith.index_cast %add3A_672 : i32 to index
        %get3A_675 = arith.constant 0 : index
        %get3A_676 = tpu.vector_load %arg10[%get3A_673, %get3A_674, %get3A_675] {strides = array<i32>} : memref<3x200x128xf32, #tpu.memory_space<vmem>>, vector<1x1x16xf32>,
        %get3A_677 = vector.shape_cast %get3A_676 : vector<1x1x16xf32> to vector<16xf32>
        %add3A_678 = arith.addf %add3A_646, %get3A_677 : vector<16xf32>
        %add3A_679 = arith.constant 15 : i32
        %add3A_680 = arith.addi %mul3A_203, %add3A_679 : i32
        %get3A_681 = arith.index_cast %rem3A_150 : i32 to index
        %get3A_682 = arith.index_cast %add3A_680 : i32 to index
        %get3A_683 = arith.constant 16 : index
        %get3A_684 = tpu.vector_load %arg10[%get3A_681, %get3A_682, %get3A_683] {strides = array<i32>} : memref<3x200x128xf32, #tpu.memory_space<vmem>>, vector<1x1x16xf32>,
        %get3A_685 = vector.shape_cast %get3A_684 : vector<1x1x16xf32> to vector<16xf32>
        %add3A_686 = arith.addf %add3A_654, %get3A_685 : vector<16xf32>
        %add3A_687 = arith.constant 15 : i32
        %add3A_688 = arith.addi %mul3A_203, %add3A_687 : i32
        %get3A_689 = arith.index_cast %rem3A_150 : i32 to index
        %get3A_690 = arith.index_cast %add3A_688 : i32 to index
        %get3A_691 = arith.constant 32 : index
        %get3A_692 = tpu.vector_load %arg10[%get3A_689, %get3A_690, %get3A_691] {strides = array<i32>} : memref<3x200x128xf32, #tpu.memory_space<vmem>>, vector<1x1x16xf32>,
        %get3A_693 = vector.shape_cast %get3A_692 : vector<1x1x16xf32> to vector<16xf32>
        %add3A_694 = arith.addf %add3A_662, %get3A_693 : vector<16xf32>
        %add3A_695 = arith.constant 15 : i32
        %add3A_696 = arith.addi %mul3A_203, %add3A_695 : i32
        %get3A_697 = arith.index_cast %rem3A_150 : i32 to index
        %get3A_698 = arith.index_cast %add3A_696 : i32 to index
        %get3A_699 = arith.constant 48 : index
        %get3A_700 = tpu.vector_load %arg10[%get3A_697, %get3A_698, %get3A_699] {strides = array<i32>} : memref<3x200x128xf32, #tpu.memory_space<vmem>>, vector<1x1x16xf32>,
        %get3A_701 = vector.shape_cast %get3A_700 : vector<1x1x16xf32> to vector<16xf32>
        %add3A_702 = arith.addf %add3A_670, %get3A_701 : vector<16xf32>
        %add3A_703 = arith.constant 16 : i32
        %add3A_704 = arith.addi %mul3A_203, %add3A_703 : i32
        %get3A_705 = arith.index_cast %rem3A_150 : i32 to index
        %get3A_706 = arith.index_cast %add3A_704 : i32 to index
        %get3A_707 = arith.constant 0 : index
        %get3A_708 = tpu.vector_load %arg10[%get3A_705, %get3A_706, %get3A_707] {strides = array<i32>} : memref<3x200x128xf32, #tpu.memory_space<vmem>>, vector<1x1x16xf32>,
        %get3A_709 = vector.shape_cast %get3A_708 : vector<1x1x16xf32> to vector<16xf32>
        %add3A_710 = arith.addf %add3A_678, %get3A_709 : vector<16xf32>
        %add3A_711 = arith.constant 16 : i32
        %add3A_712 = arith.addi %mul3A_203, %add3A_711 : i32
        %get3A_713 = arith.index_cast %rem3A_150 : i32 to index
        %get3A_714 = arith.index_cast %add3A_712 : i32 to index
        %get3A_715 = arith.constant 16 : index
        %get3A_716 = tpu.vector_load %arg10[%get3A_713, %get3A_714, %get3A_715] {strides = array<i32>} : memref<3x200x128xf32, #tpu.memory_space<vmem>>, vector<1x1x16xf32>,
        %get3A_717 = vector.shape_cast %get3A_716 : vector<1x1x16xf32> to vector<16xf32>
        %add3A_718 = arith.addf %add3A_686, %get3A_717 : vector<16xf32>
        %add3A_719 = arith.constant 16 : i32
        %add3A_720 = arith.addi %mul3A_203, %add3A_719 : i32
        %get3A_721 = arith.index_cast %rem3A_150 : i32 to index
        %get3A_722 = arith.index_cast %add3A_720 : i32 to index
        %get3A_723 = arith.constant 32 : index
        %get3A_724 = tpu.vector_load %arg10[%get3A_721, %get3A_722, %get3A_723] {strides = array<i32>} : memref<3x200x128xf32, #tpu.memory_space<vmem>>, vector<1x1x16xf32>,
        %get3A_725 = vector.shape_cast %get3A_724 : vector<1x1x16xf32> to vector<16xf32>
        %add3A_726 = arith.addf %add3A_694, %get3A_725 : vector<16xf32>
        %add3A_727 = arith.constant 16 : i32
        %add3A_728 = arith.addi %mul3A_203, %add3A_727 : i32
        %get3A_729 = arith.index_cast %rem3A_150 : i32 to index
        %get3A_730 = arith.index_cast %add3A_728 : i32 to index
        %get3A_731 = arith.constant 48 : index
        %get3A_732 = tpu.vector_load %arg10[%get3A_729, %get3A_730, %get3A_731] {strides = array<i32>} : memref<3x200x128xf32, #tpu.memory_space<vmem>>, vector<1x1x16xf32>,
        %get3A_733 = vector.shape_cast %get3A_732 : vector<1x1x16xf32> to vector<16xf32>
        %add3A_734 = arith.addf %add3A_702, %get3A_733 : vector<16xf32>
        %add3A_735 = arith.constant 17 : i32
        %add3A_736 = arith.addi %mul3A_203, %add3A_735 : i32
        %get3A_737 = arith.index_cast %rem3A_150 : i32 to index
        %get3A_738 = arith.index_cast %add3A_736 : i32 to index
        %get3A_739 = arith.constant 0 : index
        %get3A_740 = tpu.vector_load %arg10[%get3A_737, %get3A_738, %get3A_739] {strides = array<i32>} : memref<3x200x128xf32, #tpu.memory_space<vmem>>, vector<1x1x16xf32>,
        %get3A_741 = vector.shape_cast %get3A_740 : vector<1x1x16xf32> to vector<16xf32>
        %add3A_742 = arith.addf %add3A_710, %get3A_741 : vector<16xf32>
        %add3A_743 = arith.constant 17 : i32
        %add3A_744 = arith.addi %mul3A_203, %add3A_743 : i32
        %get3A_745 = arith.index_cast %rem3A_150 : i32 to index
        %get3A_746 = arith.index_cast %add3A_744 : i32 to index
        %get3A_747 = arith.constant 16 : index
        %get3A_748 = tpu.vector_load %arg10[%get3A_745, %get3A_746, %get3A_747] {strides = array<i32>} : memref<3x200x128xf32, #tpu.memory_space<vmem>>, vector<1x1x16xf32>,
        %get3A_749 = vector.shape_cast %get3A_748 : vector<1x1x16xf32> to vector<16xf32>
        %add3A_750 = arith.addf %add3A_718, %get3A_749 : vector<16xf32>
        %add3A_751 = arith.constant 17 : i32
        %add3A_752 = arith.addi %mul3A_203, %add3A_751 : i32
        %get3A_753 = arith.index_cast %rem3A_150 : i32 to index
        %get3A_754 = arith.index_cast %add3A_752 : i32 to index
        %get3A_755 = arith.constant 32 : index
        %get3A_756 = tpu.vector_load %arg10[%get3A_753, %get3A_754, %get3A_755] {strides = array<i32>} : memref<3x200x128xf32, #tpu.memory_space<vmem>>, vector<1x1x16xf32>,
        %get3A_757 = vector.shape_cast %get3A_756 : vector<1x1x16xf32> to vector<16xf32>
        %add3A_758 = arith.addf %add3A_726, %get3A_757 : vector<16xf32>
        %add3A_759 = arith.constant 17 : i32
        %add3A_760 = arith.addi %mul3A_203, %add3A_759 : i32
        %get3A_761 = arith.index_cast %rem3A_150 : i32 to index
        %get3A_762 = arith.index_cast %add3A_760 : i32 to index
        %get3A_763 = arith.constant 48 : index
        %get3A_764 = tpu.vector_load %arg10[%get3A_761, %get3A_762, %get3A_763] {strides = array<i32>} : memref<3x200x128xf32, #tpu.memory_space<vmem>>, vector<1x1x16xf32>,
        %get3A_765 = vector.shape_cast %get3A_764 : vector<1x1x16xf32> to vector<16xf32>
        %add3A_766 = arith.addf %add3A_734, %get3A_765 : vector<16xf32>
        %add3A_767 = arith.constant 18 : i32
        %add3A_768 = arith.addi %mul3A_203, %add3A_767 : i32
        %get3A_769 = arith.index_cast %rem3A_150 : i32 to index
        %get3A_770 = arith.index_cast %add3A_768 : i32 to index
        %get3A_771 = arith.constant 0 : index
        %get3A_772 = tpu.vector_load %arg10[%get3A_769, %get3A_770, %get3A_771] {strides = array<i32>} : memref<3x200x128xf32, #tpu.memory_space<vmem>>, vector<1x1x16xf32>,
        %get3A_773 = vector.shape_cast %get3A_772 : vector<1x1x16xf32> to vector<16xf32>
        %add3A_774 = arith.addf %add3A_742, %get3A_773 : vector<16xf32>
        %add3A_775 = arith.constant 18 : i32
        %add3A_776 = arith.addi %mul3A_203, %add3A_775 : i32
        %get3A_777 = arith.index_cast %rem3A_150 : i32 to index
        %get3A_778 = arith.index_cast %add3A_776 : i32 to index
        %get3A_779 = arith.constant 16 : index
        %get3A_780 = tpu.vector_load %arg10[%get3A_777, %get3A_778, %get3A_779] {strides = array<i32>} : memref<3x200x128xf32, #tpu.memory_space<vmem>>, vector<1x1x16xf32>,
        %get3A_781 = vector.shape_cast %get3A_780 : vector<1x1x16xf32> to vector<16xf32>
        %add3A_782 = arith.addf %add3A_750, %get3A_781 : vector<16xf32>
        %add3A_783 = arith.constant 18 : i32
        %add3A_784 = arith.addi %mul3A_203, %add3A_783 : i32
        %get3A_785 = arith.index_cast %rem3A_150 : i32 to index
        %get3A_786 = arith.index_cast %add3A_784 : i32 to index
        %get3A_787 = arith.constant 32 : index
        %get3A_788 = tpu.vector_load %arg10[%get3A_785, %get3A_786, %get3A_787] {strides = array<i32>} : memref<3x200x128xf32, #tpu.memory_space<vmem>>, vector<1x1x16xf32>,
        %get3A_789 = vector.shape_cast %get3A_788 : vector<1x1x16xf32> to vector<16xf32>
        %add3A_790 = arith.addf %add3A_758, %get3A_789 : vector<16xf32>
        %add3A_791 = arith.constant 18 : i32
        %add3A_792 = arith.addi %mul3A_203, %add3A_791 : i32
        %get3A_793 = arith.index_cast %rem3A_150 : i32 to index
        %get3A_794 = arith.index_cast %add3A_792 : i32 to index
        %get3A_795 = arith.constant 48 : index
        %get3A_796 = tpu.vector_load %arg10[%get3A_793, %get3A_794, %get3A_795] {strides = array<i32>} : memref<3x200x128xf32, #tpu.memory_space<vmem>>, vector<1x1x16xf32>,
        %get3A_797 = vector.shape_cast %get3A_796 : vector<1x1x16xf32> to vector<16xf32>
        %add3A_798 = arith.addf %add3A_766, %get3A_797 : vector<16xf32>
        %add3A_799 = arith.constant 19 : i32
        %add3A_800 = arith.addi %mul3A_203, %add3A_799 : i32
        %get3A_801 = arith.index_cast %rem3A_150 : i32 to index
        %get3A_802 = arith.index_cast %add3A_800 : i32 to index
        %get3A_803 = arith.constant 0 : index
        %get3A_804 = tpu.vector_load %arg10[%get3A_801, %get3A_802, %get3A_803] {strides = array<i32>} : memref<3x200x128xf32, #tpu.memory_space<vmem>>, vector<1x1x16xf32>,
        %get3A_805 = vector.shape_cast %get3A_804 : vector<1x1x16xf32> to vector<16xf32>
        %add3A_806 = arith.addf %add3A_774, %get3A_805 : vector<16xf32>
        %add3A_807 = arith.constant 19 : i32
        %add3A_808 = arith.addi %mul3A_203, %add3A_807 : i32
        %get3A_809 = arith.index_cast %rem3A_150 : i32 to index
        %get3A_810 = arith.index_cast %add3A_808 : i32 to index
        %get3A_811 = arith.constant 16 : index
        %get3A_812 = tpu.vector_load %arg10[%get3A_809, %get3A_810, %get3A_811] {strides = array<i32>} : memref<3x200x128xf32, #tpu.memory_space<vmem>>, vector<1x1x16xf32>,
        %get3A_813 = vector.shape_cast %get3A_812 : vector<1x1x16xf32> to vector<16xf32>
        %add3A_814 = arith.addf %add3A_782, %get3A_813 : vector<16xf32>
        %add3A_815 = arith.constant 19 : i32
        %add3A_816 = arith.addi %mul3A_203, %add3A_815 : i32
        %get3A_817 = arith.index_cast %rem3A_150 : i32 to index
        %get3A_818 = arith.index_cast %add3A_816 : i32 to index
        %get3A_819 = arith.constant 32 : index
        %get3A_820 = tpu.vector_load %arg10[%get3A_817, %get3A_818, %get3A_819] {strides = array<i32>} : memref<3x200x128xf32, #tpu.memory_space<vmem>>, vector<1x1x16xf32>,
        %get3A_821 = vector.shape_cast %get3A_820 : vector<1x1x16xf32> to vector<16xf32>
        %add3A_822 = arith.addf %add3A_790, %get3A_821 : vector<16xf32>
        %add3A_823 = arith.constant 19 : i32
        %add3A_824 = arith.addi %mul3A_203, %add3A_823 : i32
        %get3A_825 = arith.index_cast %rem3A_150 : i32 to index
        %get3A_826 = arith.index_cast %add3A_824 : i32 to index
        %get3A_827 = arith.constant 48 : index
        %get3A_828 = tpu.vector_load %arg10[%get3A_825, %get3A_826, %get3A_827] {strides = array<i32>} : memref<3x200x128xf32, #tpu.memory_space<vmem>>, vector<1x1x16xf32>,
        %get3A_829 = vector.shape_cast %get3A_828 : vector<1x1x16xf32> to vector<16xf32>
        %add3A_830 = arith.addf %add3A_798, %get3A_829 : vector<16xf32>
        %add3A_831 = arith.constant 20 : i32
        %add3A_832 = arith.addi %mul3A_203, %add3A_831 : i32
        %get3A_833 = arith.index_cast %rem3A_150 : i32 to index
        %get3A_834 = arith.index_cast %add3A_832 : i32 to index
        %get3A_835 = arith.constant 0 : index
        %get3A_836 = tpu.vector_load %arg10[%get3A_833, %get3A_834, %get3A_835] {strides = array<i32>} : memref<3x200x128xf32, #tpu.memory_space<vmem>>, vector<1x1x16xf32>,
        %get3A_837 = vector.shape_cast %get3A_836 : vector<1x1x16xf32> to vector<16xf32>
        %add3A_838 = arith.addf %add3A_806, %get3A_837 : vector<16xf32>
        %add3A_839 = arith.constant 20 : i32
        %add3A_840 = arith.addi %mul3A_203, %add3A_839 : i32
        %get3A_841 = arith.index_cast %rem3A_150 : i32 to index
        %get3A_842 = arith.index_cast %add3A_840 : i32 to index
        %get3A_843 = arith.constant 16 : index
        %get3A_844 = tpu.vector_load %arg10[%get3A_841, %get3A_842, %get3A_843] {strides = array<i32>} : memref<3x200x128xf32, #tpu.memory_space<vmem>>, vector<1x1x16xf32>,
        %get3A_845 = vector.shape_cast %get3A_844 : vector<1x1x16xf32> to vector<16xf32>
        %add3A_846 = arith.addf %add3A_814, %get3A_845 : vector<16xf32>
        %add3A_847 = arith.constant 20 : i32
        %add3A_848 = arith.addi %mul3A_203, %add3A_847 : i32
        %get3A_849 = arith.index_cast %rem3A_150 : i32 to index
        %get3A_850 = arith.index_cast %add3A_848 : i32 to index
        %get3A_851 = arith.constant 32 : index
        %get3A_852 = tpu.vector_load %arg10[%get3A_849, %get3A_850, %get3A_851] {strides = array<i32>} : memref<3x200x128xf32, #tpu.memory_space<vmem>>, vector<1x1x16xf32>,
        %get3A_853 = vector.shape_cast %get3A_852 : vector<1x1x16xf32> to vector<16xf32>
        %add3A_854 = arith.addf %add3A_822, %get3A_853 : vector<16xf32>
        %add3A_855 = arith.constant 20 : i32
        %add3A_856 = arith.addi %mul3A_203, %add3A_855 : i32
        %get3A_857 = arith.index_cast %rem3A_150 : i32 to index
        %get3A_858 = arith.index_cast %add3A_856 : i32 to index
        %get3A_859 = arith.constant 48 : index
        %get3A_860 = tpu.vector_load %arg10[%get3A_857, %get3A_858, %get3A_859] {strides = array<i32>} : memref<3x200x128xf32, #tpu.memory_space<vmem>>, vector<1x1x16xf32>,
        %get3A_861 = vector.shape_cast %get3A_860 : vector<1x1x16xf32> to vector<16xf32>
        %add3A_862 = arith.addf %add3A_830, %get3A_861 : vector<16xf32>
        %add3A_863 = arith.constant 21 : i32
        %add3A_864 = arith.addi %mul3A_203, %add3A_863 : i32
        %get3A_865 = arith.index_cast %rem3A_150 : i32 to index
        %get3A_866 = arith.index_cast %add3A_864 : i32 to index
        %get3A_867 = arith.constant 0 : index
        %get3A_868 = tpu.vector_load %arg10[%get3A_865, %get3A_866, %get3A_867] {strides = array<i32>} : memref<3x200x128xf32, #tpu.memory_space<vmem>>, vector<1x1x16xf32>,
        %get3A_869 = vector.shape_cast %get3A_868 : vector<1x1x16xf32> to vector<16xf32>
        %add3A_870 = arith.addf %add3A_838, %get3A_869 : vector<16xf32>
        %add3A_871 = arith.constant 21 : i32
        %add3A_872 = arith.addi %mul3A_203, %add3A_871 : i32
        %get3A_873 = arith.index_cast %rem3A_150 : i32 to index
        %get3A_874 = arith.index_cast %add3A_872 : i32 to index
        %get3A_875 = arith.constant 16 : index
        %get3A_876 = tpu.vector_load %arg10[%get3A_873, %get3A_874, %get3A_875] {strides = array<i32>} : memref<3x200x128xf32, #tpu.memory_space<vmem>>, vector<1x1x16xf32>,
        %get3A_877 = vector.shape_cast %get3A_876 : vector<1x1x16xf32> to vector<16xf32>
        %add3A_878 = arith.addf %add3A_846, %get3A_877 : vector<16xf32>
        %add3A_879 = arith.constant 21 : i32
        %add3A_880 = arith.addi %mul3A_203, %add3A_879 : i32
        %get3A_881 = arith.index_cast %rem3A_150 : i32 to index
        %get3A_882 = arith.index_cast %add3A_880 : i32 to index
        %get3A_883 = arith.constant 32 : index
        %get3A_884 = tpu.vector_load %arg10[%get3A_881, %get3A_882, %get3A_883] {strides = array<i32>} : memref<3x200x128xf32, #tpu.memory_space<vmem>>, vector<1x1x16xf32>,
        %get3A_885 = vector.shape_cast %get3A_884 : vector<1x1x16xf32> to vector<16xf32>
        %add3A_886 = arith.addf %add3A_854, %get3A_885 : vector<16xf32>
        %add3A_887 = arith.constant 21 : i32
        %add3A_888 = arith.addi %mul3A_203, %add3A_887 : i32
        %get3A_889 = arith.index_cast %rem3A_150 : i32 to index
        %get3A_890 = arith.index_cast %add3A_888 : i32 to index
        %get3A_891 = arith.constant 48 : index
        %get3A_892 = tpu.vector_load %arg10[%get3A_889, %get3A_890, %get3A_891] {strides = array<i32>} : memref<3x200x128xf32, #tpu.memory_space<vmem>>, vector<1x1x16xf32>,
        %get3A_893 = vector.shape_cast %get3A_892 : vector<1x1x16xf32> to vector<16xf32>
        %add3A_894 = arith.addf %add3A_862, %get3A_893 : vector<16xf32>
        %add3A_895 = arith.constant 22 : i32
        %add3A_896 = arith.addi %mul3A_203, %add3A_895 : i32
        %get3A_897 = arith.index_cast %rem3A_150 : i32 to index
        %get3A_898 = arith.index_cast %add3A_896 : i32 to index
        %get3A_899 = arith.constant 0 : index
        %get3A_900 = tpu.vector_load %arg10[%get3A_897, %get3A_898, %get3A_899] {strides = array<i32>} : memref<3x200x128xf32, #tpu.memory_space<vmem>>, vector<1x1x16xf32>,
        %get3A_901 = vector.shape_cast %get3A_900 : vector<1x1x16xf32> to vector<16xf32>
        %add3A_902 = arith.addf %add3A_870, %get3A_901 : vector<16xf32>
        %add3A_903 = arith.constant 22 : i32
        %add3A_904 = arith.addi %mul3A_203, %add3A_903 : i32
        %get3A_905 = arith.index_cast %rem3A_150 : i32 to index
        %get3A_906 = arith.index_cast %add3A_904 : i32 to index
        %get3A_907 = arith.constant 16 : index
        %get3A_908 = tpu.vector_load %arg10[%get3A_905, %get3A_906, %get3A_907] {strides = array<i32>} : memref<3x200x128xf32, #tpu.memory_space<vmem>>, vector<1x1x16xf32>,
        %get3A_909 = vector.shape_cast %get3A_908 : vector<1x1x16xf32> to vector<16xf32>
        %add3A_910 = arith.addf %add3A_878, %get3A_909 : vector<16xf32>
        %add3A_911 = arith.constant 22 : i32
        %add3A_912 = arith.addi %mul3A_203, %add3A_911 : i32
        %get3A_913 = arith.index_cast %rem3A_150 : i32 to index
        %get3A_914 = arith.index_cast %add3A_912 : i32 to index
        %get3A_915 = arith.constant 32 : index
        %get3A_916 = tpu.vector_load %arg10[%get3A_913, %get3A_914, %get3A_915] {strides = array<i32>} : memref<3x200x128xf32, #tpu.memory_space<vmem>>, vector<1x1x16xf32>,
        %get3A_917 = vector.shape_cast %get3A_916 : vector<1x1x16xf32> to vector<16xf32>
        %add3A_918 = arith.addf %add3A_886, %get3A_917 : vector<16xf32>
        %add3A_919 = arith.constant 22 : i32
        %add3A_920 = arith.addi %mul3A_203, %add3A_919 : i32
        %get3A_921 = arith.index_cast %rem3A_150 : i32 to index
        %get3A_922 = arith.index_cast %add3A_920 : i32 to index
        %get3A_923 = arith.constant 48 : index
        %get3A_924 = tpu.vector_load %arg10[%get3A_921, %get3A_922, %get3A_923] {strides = array<i32>} : memref<3x200x128xf32, #tpu.memory_space<vmem>>, vector<1x1x16xf32>,
        %get3A_925 = vector.shape_cast %get3A_924 : vector<1x1x16xf32> to vector<16xf32>
        %add3A_926 = arith.addf %add3A_894, %get3A_925 : vector<16xf32>
        %add3A_927 = arith.constant 23 : i32
        %add3A_928 = arith.addi %mul3A_203, %add3A_927 : i32
        %get3A_929 = arith.index_cast %rem3A_150 : i32 to index
        %get3A_930 = arith.index_cast %add3A_928 : i32 to index
        %get3A_931 = arith.constant 0 : index
        %get3A_932 = tpu.vector_load %arg10[%get3A_929, %get3A_930, %get3A_931] {strides = array<i32>} : memref<3x200x128xf32, #tpu.memory_space<vmem>>, vector<1x1x16xf32>,
        %get3A_933 = vector.shape_cast %get3A_932 : vector<1x1x16xf32> to vector<16xf32>
        %add3A_934 = arith.addf %add3A_902, %get3A_933 : vector<16xf32>
        %add3A_935 = arith.constant 23 : i32
        %add3A_936 = arith.addi %mul3A_203, %add3A_935 : i32
        %get3A_937 = arith.index_cast %rem3A_150 : i32 to index
        %get3A_938 = arith.index_cast %add3A_936 : i32 to index
        %get3A_939 = arith.constant 16 : index
        %get3A_940 = tpu.vector_load %arg10[%get3A_937, %get3A_938, %get3A_939] {strides = array<i32>} : memref<3x200x128xf32, #tpu.memory_space<vmem>>, vector<1x1x16xf32>,
        %get3A_941 = vector.shape_cast %get3A_940 : vector<1x1x16xf32> to vector<16xf32>
        %add3A_942 = arith.addf %add3A_910, %get3A_941 : vector<16xf32>
        %add3A_943 = arith.constant 23 : i32
        %add3A_944 = arith.addi %mul3A_203, %add3A_943 : i32
        %get3A_945 = arith.index_cast %rem3A_150 : i32 to index
        %get3A_946 = arith.index_cast %add3A_944 : i32 to index
        %get3A_947 = arith.constant 32 : index
        %get3A_948 = tpu.vector_load %arg10[%get3A_945, %get3A_946, %get3A_947] {strides = array<i32>} : memref<3x200x128xf32, #tpu.memory_space<vmem>>, vector<1x1x16xf32>,
        %get3A_949 = vector.shape_cast %get3A_948 : vector<1x1x16xf32> to vector<16xf32>
        %add3A_950 = arith.addf %add3A_918, %get3A_949 : vector<16xf32>
        %add3A_951 = arith.constant 23 : i32
        %add3A_952 = arith.addi %mul3A_203, %add3A_951 : i32
        %get3A_953 = arith.index_cast %rem3A_150 : i32 to index
        %get3A_954 = arith.index_cast %add3A_952 : i32 to index
        %get3A_955 = arith.constant 48 : index
        %get3A_956 = tpu.vector_load %arg10[%get3A_953, %get3A_954, %get3A_955] {strides = array<i32>} : memref<3x200x128xf32, #tpu.memory_space<vmem>>, vector<1x1x16xf32>,
        %get3A_957 = vector.shape_cast %get3A_956 : vector<1x1x16xf32> to vector<16xf32>
        %add3A_958 = arith.addf %add3A_926, %get3A_957 : vector<16xf32>
        %add3A_959 = arith.constant 24 : i32
        %add3A_960 = arith.addi %mul3A_203, %add3A_959 : i32
        %get3A_961 = arith.index_cast %rem3A_150 : i32 to index
        %get3A_962 = arith.index_cast %add3A_960 : i32 to index
        %get3A_963 = arith.constant 0 : index
        %get3A_964 = tpu.vector_load %arg10[%get3A_961, %get3A_962, %get3A_963] {strides = array<i32>} : memref<3x200x128xf32, #tpu.memory_space<vmem>>, vector<1x1x16xf32>,
        %get3A_965 = vector.shape_cast %get3A_964 : vector<1x1x16xf32> to vector<16xf32>
        %add3A_966 = arith.addf %add3A_934, %get3A_965 : vector<16xf32>
        %add3A_967 = arith.constant 24 : i32
        %add3A_968 = arith.addi %mul3A_203, %add3A_967 : i32
        %get3A_969 = arith.index_cast %rem3A_150 : i32 to index
        %get3A_970 = arith.index_cast %add3A_968 : i32 to index
        %get3A_971 = arith.constant 16 : index
        %get3A_972 = tpu.vector_load %arg10[%get3A_969, %get3A_970, %get3A_971] {strides = array<i32>} : memref<3x200x128xf32, #tpu.memory_space<vmem>>, vector<1x1x16xf32>,
        %get3A_973 = vector.shape_cast %get3A_972 : vector<1x1x16xf32> to vector<16xf32>
        %add3A_974 = arith.addf %add3A_942, %get3A_973 : vector<16xf32>
        %add3A_975 = arith.constant 24 : i32
        %add3A_976 = arith.addi %mul3A_203, %add3A_975 : i32
        %get3A_977 = arith.index_cast %rem3A_150 : i32 to index
        %get3A_978 = arith.index_cast %add3A_976 : i32 to index
        %get3A_979 = arith.constant 32 : index
        %get3A_980 = tpu.vector_load %arg10[%get3A_977, %get3A_978, %get3A_979] {strides = array<i32>} : memref<3x200x128xf32, #tpu.memory_space<vmem>>, vector<1x1x16xf32>,
        %get3A_981 = vector.shape_cast %get3A_980 : vector<1x1x16xf32> to vector<16xf32>
        %add3A_982 = arith.addf %add3A_950, %get3A_981 : vector<16xf32>
        %add3A_983 = arith.constant 24 : i32
        %add3A_984 = arith.addi %mul3A_203, %add3A_983 : i32
        %get3A_985 = arith.index_cast %rem3A_150 : i32 to index
        %get3A_986 = arith.index_cast %add3A_984 : i32 to index
        %get3A_987 = arith.constant 48 : index
        %get3A_988 = tpu.vector_load %arg10[%get3A_985, %get3A_986, %get3A_987] {strides = array<i32>} : memref<3x200x128xf32, #tpu.memory_space<vmem>>, vector<1x1x16xf32>,
        %get3A_989 = vector.shape_cast %get3A_988 : vector<1x1x16xf32> to vector<16xf32>
        %add3A_990 = arith.addf %add3A_958, %get3A_989 : vector<16xf32>
        %swap3A = arith.index_cast %rem3A_170 : i32 to index
        %swap3A_991 = arith.index_cast %add3A_201 : i32 to index
        %swap3A_992 = arith.constant 0 : index
        %swap3A_993 = tpu.vector_load %arg11[%swap3A, %swap3A_991, %swap3A_992] {strides = array<i32>} : memref<2x8x128xf32, #tpu.memory_space<vmem>>, vector<1x1x16xf32>,
        %swap3A_994 = vector.shape_cast %swap3A_993 : vector<1x1x16xf32> to vector<16xf32>
        %swap3A_995 = vector.shape_cast %add3A_966 : vector<16xf32> to vector<1x1x16xf32>
        tpu.vector_store %arg11[%swap3A, %swap3A_991, %swap3A_992], %swap3A_995 {strides = array<i32>} : memref<2x8x128xf32, #tpu.memory_space<vmem>>, vector<1x1x16xf32>,
        %swap3A_996 = arith.index_cast %rem3A_170 : i32 to index
        %swap3A_997 = arith.index_cast %add3A_201 : i32 to index
        %swap3A_998 = arith.constant 16 : index
        %swap3A_999 = tpu.vector_load %arg11[%swap3A_996, %swap3A_997, %swap3A_998] {strides = array<i32>} : memref<2x8x128xf32, #tpu.memory_space<vmem>>, vector<1x1x16xf32>,
        %swap3A_1000 = vector.shape_cast %swap3A_999 : vector<1x1x16xf32> to vector<16xf32>
        %swap3A_1001 = vector.shape_cast %add3A_974 : vector<16xf32> to vector<1x1x16xf32>
        tpu.vector_store %arg11[%swap3A_996, %swap3A_997, %swap3A_998], %swap3A_1001 {strides = array<i32>} : memref<2x8x128xf32, #tpu.memory_space<vmem>>, vector<1x1x16xf32>,
        %swap3A_1002 = arith.index_cast %rem3A_170 : i32 to index
        %swap3A_1003 = arith.index_cast %add3A_201 : i32 to index
        %swap3A_1004 = arith.constant 32 : index
        %swap3A_1005 = tpu.vector_load %arg11[%swap3A_1002, %swap3A_1003, %swap3A_1004] {strides = array<i32>} : memref<2x8x128xf32, #tpu.memory_space<vmem>>, vector<1x1x16xf32>,
        %swap3A_1006 = vector.shape_cast %swap3A_1005 : vector<1x1x16xf32> to vector<16xf32>
        %swap3A_1007 = vector.shape_cast %add3A_982 : vector<16xf32> to vector<1x1x16xf32>
        tpu.vector_store %arg11[%swap3A_1002, %swap3A_1003, %swap3A_1004], %swap3A_1007 {strides = array<i32>} : memref<2x8x128xf32, #tpu.memory_space<vmem>>, vector<1x1x16xf32>,
        %swap3A_1008 = arith.index_cast %rem3A_170 : i32 to index
        %swap3A_1009 = arith.index_cast %add3A_201 : i32 to index
        %swap3A_1010 = arith.constant 48 : index
        %swap3A_1011 = tpu.vector_load %arg11[%swap3A_1008, %swap3A_1009, %swap3A_1010] {strides = array<i32>} : memref<2x8x128xf32, #tpu.memory_space<vmem>>, vector<1x1x16xf32>,
        %swap3A_1012 = vector.shape_cast %swap3A_1011 : vector<1x1x16xf32> to vector<16xf32>
        %swap3A_1013 = vector.shape_cast %add3A_990 : vector<16xf32> to vector<1x1x16xf32>
        tpu.vector_store %arg11[%swap3A_1008, %swap3A_1009, %swap3A_1010], %swap3A_1013 {strides = array<i32>} : memref<2x8x128xf32, #tpu.memory_space<vmem>>, vector<1x1x16xf32>,
        %get3A_1014 = arith.index_cast %rem3A_150 : i32 to index
        %get3A_1015 = arith.index_cast %mul3A_203 : i32 to index
        %get3A_1016 = arith.constant 64 : index
        %get3A_1017 = tpu.vector_load %arg10[%get3A_1014, %get3A_1015, %get3A_1016] {strides = array<i32>} : memref<3x200x128xf32, #tpu.memory_space<vmem>>, vector<1x1x16xf32>,
        %get3A_1018 = vector.shape_cast %get3A_1017 : vector<1x1x16xf32> to vector<16xf32>
        %get3A_1019 = arith.index_cast %rem3A_150 : i32 to index
        %get3A_1020 = arith.index_cast %mul3A_203 : i32 to index
        %get3A_1021 = arith.constant 80 : index
        %get3A_1022 = tpu.vector_load %arg10[%get3A_1019, %get3A_1020, %get3A_1021] {strides = array<i32>} : memref<3x200x128xf32, #tpu.memory_space<vmem>>, vector<1x1x16xf32>,
        %get3A_1023 = vector.shape_cast %get3A_1022 : vector<1x1x16xf32> to vector<16xf32>
        %get3A_1024 = arith.index_cast %rem3A_150 : i32 to index
        %get3A_1025 = arith.index_cast %mul3A_203 : i32 to index
        %get3A_1026 = arith.constant 96 : index
        %get3A_1027 = tpu.vector_load %arg10[%get3A_1024, %get3A_1025, %get3A_1026] {strides = array<i32>} : memref<3x200x128xf32, #tpu.memory_space<vmem>>, vector<1x1x16xf32>,
        %get3A_1028 = vector.shape_cast %get3A_1027 : vector<1x1x16xf32> to vector<16xf32>
        %get3A_1029 = arith.index_cast %rem3A_150 : i32 to index
        %get3A_1030 = arith.index_cast %mul3A_203 : i32 to index
        %get3A_1031 = arith.constant 112 : index
        %get3A_1032 = tpu.vector_load %arg10[%get3A_1029, %get3A_1030, %get3A_1031] {strides = array<i32>} : memref<3x200x128xf32, #tpu.memory_space<vmem>>, vector<1x1x16xf32>,
        %get3A_1033 = vector.shape_cast %get3A_1032 : vector<1x1x16xf32> to vector<16xf32>
        %add3A_1034 = arith.constant 1 : i32
        %add3A_1035 = arith.addi %mul3A_203, %add3A_1034 : i32
        %get3A_1036 = arith.index_cast %rem3A_150 : i32 to index
        %get3A_1037 = arith.index_cast %add3A_1035 : i32 to index
        %get3A_1038 = arith.constant 64 : index
        %get3A_1039 = tpu.vector_load %arg10[%get3A_1036, %get3A_1037, %get3A_1038] {strides = array<i32>} : memref<3x200x128xf32, #tpu.memory_space<vmem>>, vector<1x1x16xf32>,
        %get3A_1040 = vector.shape_cast %get3A_1039 : vector<1x1x16xf32> to vector<16xf32>
        %add3A_1041 = arith.addf %get3A_1018, %get3A_1040 : vector<16xf32>
        %add3A_1042 = arith.constant 1 : i32
        %add3A_1043 = arith.addi %mul3A_203, %add3A_1042 : i32
        %get3A_1044 = arith.index_cast %rem3A_150 : i32 to index
        %get3A_1045 = arith.index_cast %add3A_1043 : i32 to index
        %get3A_1046 = arith.constant 80 : index
        %get3A_1047 = tpu.vector_load %arg10[%get3A_1044, %get3A_1045, %get3A_1046] {strides = array<i32>} : memref<3x200x128xf32, #tpu.memory_space<vmem>>, vector<1x1x16xf32>,
        %get3A_1048 = vector.shape_cast %get3A_1047 : vector<1x1x16xf32> to vector<16xf32>
        %add3A_1049 = arith.addf %get3A_1023, %get3A_1048 : vector<16xf32>
        %add3A_1050 = arith.constant 1 : i32
        %add3A_1051 = arith.addi %mul3A_203, %add3A_1050 : i32
        %get3A_1052 = arith.index_cast %rem3A_150 : i32 to index
        %get3A_1053 = arith.index_cast %add3A_1051 : i32 to index
        %get3A_1054 = arith.constant 96 : index
        %get3A_1055 = tpu.vector_load %arg10[%get3A_1052, %get3A_1053, %get3A_1054] {strides = array<i32>} : memref<3x200x128xf32, #tpu.memory_space<vmem>>, vector<1x1x16xf32>,
        %get3A_1056 = vector.shape_cast %get3A_1055 : vector<1x1x16xf32> to vector<16xf32>
        %add3A_1057 = arith.addf %get3A_1028, %get3A_1056 : vector<16xf32>
        %add3A_1058 = arith.constant 1 : i32
        %add3A_1059 = arith.addi %mul3A_203, %add3A_1058 : i32
        %get3A_1060 = arith.index_cast %rem3A_150 : i32 to index
        %get3A_1061 = arith.index_cast %add3A_1059 : i32 to index
        %get3A_1062 = arith.constant 112 : index
        %get3A_1063 = tpu.vector_load %arg10[%get3A_1060, %get3A_1061, %get3A_1062] {strides = array<i32>} : memref<3x200x128xf32, #tpu.memory_space<vmem>>, vector<1x1x16xf32>,
        %get3A_1064 = vector.shape_cast %get3A_1063 : vector<1x1x16xf32> to vector<16xf32>
        %add3A_1065 = arith.addf %get3A_1033, %get3A_1064 : vector<16xf32>
        %add3A_1066 = arith.constant 2 : i32
        %add3A_1067 = arith.addi %mul3A_203, %add3A_1066 : i32
        %get3A_1068 = arith.index_cast %rem3A_150 : i32 to index
        %get3A_1069 = arith.index_cast %add3A_1067 : i32 to index
        %get3A_1070 = arith.constant 64 : index
        %get3A_1071 = tpu.vector_load %arg10[%get3A_1068, %get3A_1069, %get3A_1070] {strides = array<i32>} : memref<3x200x128xf32, #tpu.memory_space<vmem>>, vector<1x1x16xf32>,
        %get3A_1072 = vector.shape_cast %get3A_1071 : vector<1x1x16xf32> to vector<16xf32>
        %add3A_1073 = arith.addf %add3A_1041, %get3A_1072 : vector<16xf32>
        %add3A_1074 = arith.constant 2 : i32
        %add3A_1075 = arith.addi %mul3A_203, %add3A_1074 : i32
        %get3A_1076 = arith.index_cast %rem3A_150 : i32 to index
        %get3A_1077 = arith.index_cast %add3A_1075 : i32 to index
        %get3A_1078 = arith.constant 80 : index
        %get3A_1079 = tpu.vector_load %arg10[%get3A_1076, %get3A_1077, %get3A_1078] {strides = array<i32>} : memref<3x200x128xf32, #tpu.memory_space<vmem>>, vector<1x1x16xf32>,
        %get3A_1080 = vector.shape_cast %get3A_1079 : vector<1x1x16xf32> to vector<16xf32>
        %add3A_1081 = arith.addf %add3A_1049, %get3A_1080 : vector<16xf32>
        %add3A_1082 = arith.constant 2 : i32
        %add3A_1083 = arith.addi %mul3A_203, %add3A_1082 : i32
        %get3A_1084 = arith.index_cast %rem3A_150 : i32 to index
        %get3A_1085 = arith.index_cast %add3A_1083 : i32 to index
        %get3A_1086 = arith.constant 96 : index
        %get3A_1087 = tpu.vector_load %arg10[%get3A_1084, %get3A_1085, %get3A_1086] {strides = array<i32>} : memref<3x200x128xf32, #tpu.memory_space<vmem>>, vector<1x1x16xf32>,
        %get3A_1088 = vector.shape_cast %get3A_1087 : vector<1x1x16xf32> to vector<16xf32>
        %add3A_1089 = arith.addf %add3A_1057, %get3A_1088 : vector<16xf32>
        %add3A_1090 = arith.constant 2 : i32
        %add3A_1091 = arith.addi %mul3A_203, %add3A_1090 : i32
        %get3A_1092 = arith.index_cast %rem3A_150 : i32 to index
        %get3A_1093 = arith.index_cast %add3A_1091 : i32 to index
        %get3A_1094 = arith.constant 112 : index
        %get3A_1095 = tpu.vector_load %arg10[%get3A_1092, %get3A_1093, %get3A_1094] {strides = array<i32>} : memref<3x200x128xf32, #tpu.memory_space<vmem>>, vector<1x1x16xf32>,
        %get3A_1096 = vector.shape_cast %get3A_1095 : vector<1x1x16xf32> to vector<16xf32>
        %add3A_1097 = arith.addf %add3A_1065, %get3A_1096 : vector<16xf32>
        %add3A_1098 = arith.constant 3 : i32
        %add3A_1099 = arith.addi %mul3A_203, %add3A_1098 : i32
        %get3A_1100 = arith.index_cast %rem3A_150 : i32 to index
        %get3A_1101 = arith.index_cast %add3A_1099 : i32 to index
        %get3A_1102 = arith.constant 64 : index
        %get3A_1103 = tpu.vector_load %arg10[%get3A_1100, %get3A_1101, %get3A_1102] {strides = array<i32>} : memref<3x200x128xf32, #tpu.memory_space<vmem>>, vector<1x1x16xf32>,
        %get3A_1104 = vector.shape_cast %get3A_1103 : vector<1x1x16xf32> to vector<16xf32>
        %add3A_1105 = arith.addf %add3A_1073, %get3A_1104 : vector<16xf32>
        %add3A_1106 = arith.constant 3 : i32
        %add3A_1107 = arith.addi %mul3A_203, %add3A_1106 : i32
        %get3A_1108 = arith.index_cast %rem3A_150 : i32 to index
        %get3A_1109 = arith.index_cast %add3A_1107 : i32 to index
        %get3A_1110 = arith.constant 80 : index
        %get3A_1111 = tpu.vector_load %arg10[%get3A_1108, %get3A_1109, %get3A_1110] {strides = array<i32>} : memref<3x200x128xf32, #tpu.memory_space<vmem>>, vector<1x1x16xf32>,
        %get3A_1112 = vector.shape_cast %get3A_1111 : vector<1x1x16xf32> to vector<16xf32>
        %add3A_1113 = arith.addf %add3A_1081, %get3A_1112 : vector<16xf32>
        %add3A_1114 = arith.constant 3 : i32
        %add3A_1115 = arith.addi %mul3A_203, %add3A_1114 : i32
        %get3A_1116 = arith.index_cast %rem3A_150 : i32 to index
        %get3A_1117 = arith.index_cast %add3A_1115 : i32 to index
        %get3A_1118 = arith.constant 96 : index
        %get3A_1119 = tpu.vector_load %arg10[%get3A_1116, %get3A_1117, %get3A_1118] {strides = array<i32>} : memref<3x200x128xf32, #tpu.memory_space<vmem>>, vector<1x1x16xf32>,
        %get3A_1120 = vector.shape_cast %get3A_1119 : vector<1x1x16xf32> to vector<16xf32>
        %add3A_1121 = arith.addf %add3A_1089, %get3A_1120 : vector<16xf32>
        %add3A_1122 = arith.constant 3 : i32
        %add3A_1123 = arith.addi %mul3A_203, %add3A_1122 : i32
        %get3A_1124 = arith.index_cast %rem3A_150 : i32 to index
        %get3A_1125 = arith.index_cast %add3A_1123 : i32 to index
        %get3A_1126 = arith.constant 112 : index
        %get3A_1127 = tpu.vector_load %arg10[%get3A_1124, %get3A_1125, %get3A_1126] {strides = array<i32>} : memref<3x200x128xf32, #tpu.memory_space<vmem>>, vector<1x1x16xf32>,
        %get3A_1128 = vector.shape_cast %get3A_1127 : vector<1x1x16xf32> to vector<16xf32>
        %add3A_1129 = arith.addf %add3A_1097, %get3A_1128 : vector<16xf32>
        %add3A_1130 = arith.constant 4 : i32
        %add3A_1131 = arith.addi %mul3A_203, %add3A_1130 : i32
        %get3A_1132 = arith.index_cast %rem3A_150 : i32 to index
        %get3A_1133 = arith.index_cast %add3A_1131 : i32 to index
        %get3A_1134 = arith.constant 64 : index
        %get3A_1135 = tpu.vector_load %arg10[%get3A_1132, %get3A_1133, %get3A_1134] {strides = array<i32>} : memref<3x200x128xf32, #tpu.memory_space<vmem>>, vector<1x1x16xf32>,
        %get3A_1136 = vector.shape_cast %get3A_1135 : vector<1x1x16xf32> to vector<16xf32>
        %add3A_1137 = arith.addf %add3A_1105, %get3A_1136 : vector<16xf32>
        %add3A_1138 = arith.constant 4 : i32
        %add3A_1139 = arith.addi %mul3A_203, %add3A_1138 : i32
        %get3A_1140 = arith.index_cast %rem3A_150 : i32 to index
        %get3A_1141 = arith.index_cast %add3A_1139 : i32 to index
        %get3A_1142 = arith.constant 80 : index
        %get3A_1143 = tpu.vector_load %arg10[%get3A_1140, %get3A_1141, %get3A_1142] {strides = array<i32>} : memref<3x200x128xf32, #tpu.memory_space<vmem>>, vector<1x1x16xf32>,
        %get3A_1144 = vector.shape_cast %get3A_1143 : vector<1x1x16xf32> to vector<16xf32>
        %add3A_1145 = arith.addf %add3A_1113, %get3A_1144 : vector<16xf32>
        %add3A_1146 = arith.constant 4 : i32
        %add3A_1147 = arith.addi %mul3A_203, %add3A_1146 : i32
        %get3A_1148 = arith.index_cast %rem3A_150 : i32 to index
        %get3A_1149 = arith.index_cast %add3A_1147 : i32 to index
        %get3A_1150 = arith.constant 96 : index
        %get3A_1151 = tpu.vector_load %arg10[%get3A_1148, %get3A_1149, %get3A_1150] {strides = array<i32>} : memref<3x200x128xf32, #tpu.memory_space<vmem>>, vector<1x1x16xf32>,
        %get3A_1152 = vector.shape_cast %get3A_1151 : vector<1x1x16xf32> to vector<16xf32>
        %add3A_1153 = arith.addf %add3A_1121, %get3A_1152 : vector<16xf32>
        %add3A_1154 = arith.constant 4 : i32
        %add3A_1155 = arith.addi %mul3A_203, %add3A_1154 : i32
        %get3A_1156 = arith.index_cast %rem3A_150 : i32 to index
        %get3A_1157 = arith.index_cast %add3A_1155 : i32 to index
        %get3A_1158 = arith.constant 112 : index
        %get3A_1159 = tpu.vector_load %arg10[%get3A_1156, %get3A_1157, %get3A_1158] {strides = array<i32>} : memref<3x200x128xf32, #tpu.memory_space<vmem>>, vector<1x1x16xf32>,
        %get3A_1160 = vector.shape_cast %get3A_1159 : vector<1x1x16xf32> to vector<16xf32>
        %add3A_1161 = arith.addf %add3A_1129, %get3A_1160 : vector<16xf32>
        %add3A_1162 = arith.constant 5 : i32
        %add3A_1163 = arith.addi %mul3A_203, %add3A_1162 : i32
        %get3A_1164 = arith.index_cast %rem3A_150 : i32 to index
        %get3A_1165 = arith.index_cast %add3A_1163 : i32 to index
        %get3A_1166 = arith.constant 64 : index
        %get3A_1167 = tpu.vector_load %arg10[%get3A_1164, %get3A_1165, %get3A_1166] {strides = array<i32>} : memref<3x200x128xf32, #tpu.memory_space<vmem>>, vector<1x1x16xf32>,
        %get3A_1168 = vector.shape_cast %get3A_1167 : vector<1x1x16xf32> to vector<16xf32>
        %add3A_1169 = arith.addf %add3A_1137, %get3A_1168 : vector<16xf32>
        %add3A_1170 = arith.constant 5 : i32
        %add3A_1171 = arith.addi %mul3A_203, %add3A_1170 : i32
        %get3A_1172 = arith.index_cast %rem3A_150 : i32 to index
        %get3A_1173 = arith.index_cast %add3A_1171 : i32 to index
        %get3A_1174 = arith.constant 80 : index
        %get3A_1175 = tpu.vector_load %arg10[%get3A_1172, %get3A_1173, %get3A_1174] {strides = array<i32>} : memref<3x200x128xf32, #tpu.memory_space<vmem>>, vector<1x1x16xf32>,
        %get3A_1176 = vector.shape_cast %get3A_1175 : vector<1x1x16xf32> to vector<16xf32>
        %add3A_1177 = arith.addf %add3A_1145, %get3A_1176 : vector<16xf32>
        %add3A_1178 = arith.constant 5 : i32
        %add3A_1179 = arith.addi %mul3A_203, %add3A_1178 : i32
        %get3A_1180 = arith.index_cast %rem3A_150 : i32 to index
        %get3A_1181 = arith.index_cast %add3A_1179 : i32 to index
        %get3A_1182 = arith.constant 96 : index
        %get3A_1183 = tpu.vector_load %arg10[%get3A_1180, %get3A_1181, %get3A_1182] {strides = array<i32>} : memref<3x200x128xf32, #tpu.memory_space<vmem>>, vector<1x1x16xf32>,
        %get3A_1184 = vector.shape_cast %get3A_1183 : vector<1x1x16xf32> to vector<16xf32>
        %add3A_1185 = arith.addf %add3A_1153, %get3A_1184 : vector<16xf32>
        %add3A_1186 = arith.constant 5 : i32
        %add3A_1187 = arith.addi %mul3A_203, %add3A_1186 : i32
        %get3A_1188 = arith.index_cast %rem3A_150 : i32 to index
        %get3A_1189 = arith.index_cast %add3A_1187 : i32 to index
        %get3A_1190 = arith.constant 112 : index
        %get3A_1191 = tpu.vector_load %arg10[%get3A_1188, %get3A_1189, %get3A_1190] {strides = array<i32>} : memref<3x200x128xf32, #tpu.memory_space<vmem>>, vector<1x1x16xf32>,
        %get3A_1192 = vector.shape_cast %get3A_1191 : vector<1x1x16xf32> to vector<16xf32>
        %add3A_1193 = arith.addf %add3A_1161, %get3A_1192 : vector<16xf32>
        %add3A_1194 = arith.constant 6 : i32
        %add3A_1195 = arith.addi %mul3A_203, %add3A_1194 : i32
        %get3A_1196 = arith.index_cast %rem3A_150 : i32 to index
        %get3A_1197 = arith.index_cast %add3A_1195 : i32 to index
        %get3A_1198 = arith.constant 64 : index
        %get3A_1199 = tpu.vector_load %arg10[%get3A_1196, %get3A_1197, %get3A_1198] {strides = array<i32>} : memref<3x200x128xf32, #tpu.memory_space<vmem>>, vector<1x1x16xf32>,
        %get3A_1200 = vector.shape_cast %get3A_1199 : vector<1x1x16xf32> to vector<16xf32>
        %add3A_1201 = arith.addf %add3A_1169, %get3A_1200 : vector<16xf32>
        %add3A_1202 = arith.constant 6 : i32
        %add3A_1203 = arith.addi %mul3A_203, %add3A_1202 : i32
        %get3A_1204 = arith.index_cast %rem3A_150 : i32 to index
        %get3A_1205 = arith.index_cast %add3A_1203 : i32 to index
        %get3A_1206 = arith.constant 80 : index
        %get3A_1207 = tpu.vector_load %arg10[%get3A_1204, %get3A_1205, %get3A_1206] {strides = array<i32>} : memref<3x200x128xf32, #tpu.memory_space<vmem>>, vector<1x1x16xf32>,
        %get3A_1208 = vector.shape_cast %get3A_1207 : vector<1x1x16xf32> to vector<16xf32>
        %add3A_1209 = arith.addf %add3A_1177, %get3A_1208 : vector<16xf32>
        %add3A_1210 = arith.constant 6 : i32
        %add3A_1211 = arith.addi %mul3A_203, %add3A_1210 : i32
        %get3A_1212 = arith.index_cast %rem3A_150 : i32 to index
        %get3A_1213 = arith.index_cast %add3A_1211 : i32 to index
        %get3A_1214 = arith.constant 96 : index
        %get3A_1215 = tpu.vector_load %arg10[%get3A_1212, %get3A_1213, %get3A_1214] {strides = array<i32>} : memref<3x200x128xf32, #tpu.memory_space<vmem>>, vector<1x1x16xf32>,
        %get3A_1216 = vector.shape_cast %get3A_1215 : vector<1x1x16xf32> to vector<16xf32>
        %add3A_1217 = arith.addf %add3A_1185, %get3A_1216 : vector<16xf32>
        %add3A_1218 = arith.constant 6 : i32
        %add3A_1219 = arith.addi %mul3A_203, %add3A_1218 : i32
        %get3A_1220 = arith.index_cast %rem3A_150 : i32 to index
        %get3A_1221 = arith.index_cast %add3A_1219 : i32 to index
        %get3A_1222 = arith.constant 112 : index
        %get3A_1223 = tpu.vector_load %arg10[%get3A_1220, %get3A_1221, %get3A_1222] {strides = array<i32>} : memref<3x200x128xf32, #tpu.memory_space<vmem>>, vector<1x1x16xf32>,
        %get3A_1224 = vector.shape_cast %get3A_1223 : vector<1x1x16xf32> to vector<16xf32>
        %add3A_1225 = arith.addf %add3A_1193, %get3A_1224 : vector<16xf32>
        %add3A_1226 = arith.constant 7 : i32
        %add3A_1227 = arith.addi %mul3A_203, %add3A_1226 : i32
        %get3A_1228 = arith.index_cast %rem3A_150 : i32 to index
        %get3A_1229 = arith.index_cast %add3A_1227 : i32 to index
        %get3A_1230 = arith.constant 64 : index
        %get3A_1231 = tpu.vector_load %arg10[%get3A_1228, %get3A_1229, %get3A_1230] {strides = array<i32>} : memref<3x200x128xf32, #tpu.memory_space<vmem>>, vector<1x1x16xf32>,
        %get3A_1232 = vector.shape_cast %get3A_1231 : vector<1x1x16xf32> to vector<16xf32>
        %add3A_1233 = arith.addf %add3A_1201, %get3A_1232 : vector<16xf32>
        %add3A_1234 = arith.constant 7 : i32
        %add3A_1235 = arith.addi %mul3A_203, %add3A_1234 : i32
        %get3A_1236 = arith.index_cast %rem3A_150 : i32 to index
        %get3A_1237 = arith.index_cast %add3A_1235 : i32 to index
        %get3A_1238 = arith.constant 80 : index
        %get3A_1239 = tpu.vector_load %arg10[%get3A_1236, %get3A_1237, %get3A_1238] {strides = array<i32>} : memref<3x200x128xf32, #tpu.memory_space<vmem>>, vector<1x1x16xf32>,
        %get3A_1240 = vector.shape_cast %get3A_1239 : vector<1x1x16xf32> to vector<16xf32>
        %add3A_1241 = arith.addf %add3A_1209, %get3A_1240 : vector<16xf32>
        %add3A_1242 = arith.constant 7 : i32
        %add3A_1243 = arith.addi %mul3A_203, %add3A_1242 : i32
        %get3A_1244 = arith.index_cast %rem3A_150 : i32 to index
        %get3A_1245 = arith.index_cast %add3A_1243 : i32 to index
        %get3A_1246 = arith.constant 96 : index
        %get3A_1247 = tpu.vector_load %arg10[%get3A_1244, %get3A_1245, %get3A_1246] {strides = array<i32>} : memref<3x200x128xf32, #tpu.memory_space<vmem>>, vector<1x1x16xf32>,
        %get3A_1248 = vector.shape_cast %get3A_1247 : vector<1x1x16xf32> to vector<16xf32>
        %add3A_1249 = arith.addf %add3A_1217, %get3A_1248 : vector<16xf32>
        %add3A_1250 = arith.constant 7 : i32
        %add3A_1251 = arith.addi %mul3A_203, %add3A_1250 : i32
        %get3A_1252 = arith.index_cast %rem3A_150 : i32 to index
        %get3A_1253 = arith.index_cast %add3A_1251 : i32 to index
        %get3A_1254 = arith.constant 112 : index
        %get3A_1255 = tpu.vector_load %arg10[%get3A_1252, %get3A_1253, %get3A_1254] {strides = array<i32>} : memref<3x200x128xf32, #tpu.memory_space<vmem>>, vector<1x1x16xf32>,
        %get3A_1256 = vector.shape_cast %get3A_1255 : vector<1x1x16xf32> to vector<16xf32>
        %add3A_1257 = arith.addf %add3A_1225, %get3A_1256 : vector<16xf32>
        %add3A_1258 = arith.constant 8 : i32
        %add3A_1259 = arith.addi %mul3A_203, %add3A_1258 : i32
        %get3A_1260 = arith.index_cast %rem3A_150 : i32 to index
        %get3A_1261 = arith.index_cast %add3A_1259 : i32 to index
        %get3A_1262 = arith.constant 64 : index
        %get3A_1263 = tpu.vector_load %arg10[%get3A_1260, %get3A_1261, %get3A_1262] {strides = array<i32>} : memref<3x200x128xf32, #tpu.memory_space<vmem>>, vector<1x1x16xf32>,
        %get3A_1264 = vector.shape_cast %get3A_1263 : vector<1x1x16xf32> to vector<16xf32>
        %add3A_1265 = arith.addf %add3A_1233, %get3A_1264 : vector<16xf32>
        %add3A_1266 = arith.constant 8 : i32
        %add3A_1267 = arith.addi %mul3A_203, %add3A_1266 : i32
        %get3A_1268 = arith.index_cast %rem3A_150 : i32 to index
        %get3A_1269 = arith.index_cast %add3A_1267 : i32 to index
        %get3A_1270 = arith.constant 80 : index
        %get3A_1271 = tpu.vector_load %arg10[%get3A_1268, %get3A_1269, %get3A_1270] {strides = array<i32>} : memref<3x200x128xf32, #tpu.memory_space<vmem>>, vector<1x1x16xf32>,
        %get3A_1272 = vector.shape_cast %get3A_1271 : vector<1x1x16xf32> to vector<16xf32>
        %add3A_1273 = arith.addf %add3A_1241, %get3A_1272 : vector<16xf32>
        %add3A_1274 = arith.constant 8 : i32
        %add3A_1275 = arith.addi %mul3A_203, %add3A_1274 : i32
        %get3A_1276 = arith.index_cast %rem3A_150 : i32 to index
        %get3A_1277 = arith.index_cast %add3A_1275 : i32 to index
        %get3A_1278 = arith.constant 96 : index
        %get3A_1279 = tpu.vector_load %arg10[%get3A_1276, %get3A_1277, %get3A_1278] {strides = array<i32>} : memref<3x200x128xf32, #tpu.memory_space<vmem>>, vector<1x1x16xf32>,
        %get3A_1280 = vector.shape_cast %get3A_1279 : vector<1x1x16xf32> to vector<16xf32>
        %add3A_1281 = arith.addf %add3A_1249, %get3A_1280 : vector<16xf32>
        %add3A_1282 = arith.constant 8 : i32
        %add3A_1283 = arith.addi %mul3A_203, %add3A_1282 : i32
        %get3A_1284 = arith.index_cast %rem3A_150 : i32 to index
        %get3A_1285 = arith.index_cast %add3A_1283 : i32 to index
        %get3A_1286 = arith.constant 112 : index
        %get3A_1287 = tpu.vector_load %arg10[%get3A_1284, %get3A_1285, %get3A_1286] {strides = array<i32>} : memref<3x200x128xf32, #tpu.memory_space<vmem>>, vector<1x1x16xf32>,
        %get3A_1288 = vector.shape_cast %get3A_1287 : vector<1x1x16xf32> to vector<16xf32>
        %add3A_1289 = arith.addf %add3A_1257, %get3A_1288 : vector<16xf32>
        %add3A_1290 = arith.constant 9 : i32
        %add3A_1291 = arith.addi %mul3A_203, %add3A_1290 : i32
        %get3A_1292 = arith.index_cast %rem3A_150 : i32 to index
        %get3A_1293 = arith.index_cast %add3A_1291 : i32 to index
        %get3A_1294 = arith.constant 64 : index
        %get3A_1295 = tpu.vector_load %arg10[%get3A_1292, %get3A_1293, %get3A_1294] {strides = array<i32>} : memref<3x200x128xf32, #tpu.memory_space<vmem>>, vector<1x1x16xf32>,
        %get3A_1296 = vector.shape_cast %get3A_1295 : vector<1x1x16xf32> to vector<16xf32>
        %add3A_1297 = arith.addf %add3A_1265, %get3A_1296 : vector<16xf32>
        %add3A_1298 = arith.constant 9 : i32
        %add3A_1299 = arith.addi %mul3A_203, %add3A_1298 : i32
        %get3A_1300 = arith.index_cast %rem3A_150 : i32 to index
        %get3A_1301 = arith.index_cast %add3A_1299 : i32 to index
        %get3A_1302 = arith.constant 80 : index
        %get3A_1303 = tpu.vector_load %arg10[%get3A_1300, %get3A_1301, %get3A_1302] {strides = array<i32>} : memref<3x200x128xf32, #tpu.memory_space<vmem>>, vector<1x1x16xf32>,
        %get3A_1304 = vector.shape_cast %get3A_1303 : vector<1x1x16xf32> to vector<16xf32>
        %add3A_1305 = arith.addf %add3A_1273, %get3A_1304 : vector<16xf32>
        %add3A_1306 = arith.constant 9 : i32
        %add3A_1307 = arith.addi %mul3A_203, %add3A_1306 : i32
        %get3A_1308 = arith.index_cast %rem3A_150 : i32 to index
        %get3A_1309 = arith.index_cast %add3A_1307 : i32 to index
        %get3A_1310 = arith.constant 96 : index
        %get3A_1311 = tpu.vector_load %arg10[%get3A_1308, %get3A_1309, %get3A_1310] {strides = array<i32>} : memref<3x200x128xf32, #tpu.memory_space<vmem>>, vector<1x1x16xf32>,
        %get3A_1312 = vector.shape_cast %get3A_1311 : vector<1x1x16xf32> to vector<16xf32>
        %add3A_1313 = arith.addf %add3A_1281, %get3A_1312 : vector<16xf32>
        %add3A_1314 = arith.constant 9 : i32
        %add3A_1315 = arith.addi %mul3A_203, %add3A_1314 : i32
        %get3A_1316 = arith.index_cast %rem3A_150 : i32 to index
        %get3A_1317 = arith.index_cast %add3A_1315 : i32 to index
        %get3A_1318 = arith.constant 112 : index
        %get3A_1319 = tpu.vector_load %arg10[%get3A_1316, %get3A_1317, %get3A_1318] {strides = array<i32>} : memref<3x200x128xf32, #tpu.memory_space<vmem>>, vector<1x1x16xf32>,
        %get3A_1320 = vector.shape_cast %get3A_1319 : vector<1x1x16xf32> to vector<16xf32>
        %add3A_1321 = arith.addf %add3A_1289, %get3A_1320 : vector<16xf32>
        %add3A_1322 = arith.constant 10 : i32
        %add3A_1323 = arith.addi %mul3A_203, %add3A_1322 : i32
        %get3A_1324 = arith.index_cast %rem3A_150 : i32 to index
        %get3A_1325 = arith.index_cast %add3A_1323 : i32 to index
        %get3A_1326 = arith.constant 64 : index
        %get3A_1327 = tpu.vector_load %arg10[%get3A_1324, %get3A_1325, %get3A_1326] {strides = array<i32>} : memref<3x200x128xf32, #tpu.memory_space<vmem>>, vector<1x1x16xf32>,
        %get3A_1328 = vector.shape_cast %get3A_1327 : vector<1x1x16xf32> to vector<16xf32>
        %add3A_1329 = arith.addf %add3A_1297, %get3A_1328 : vector<16xf32>
        %add3A_1330 = arith.constant 10 : i32
        %add3A_1331 = arith.addi %mul3A_203, %add3A_1330 : i32
        %get3A_1332 = arith.index_cast %rem3A_150 : i32 to index
        %get3A_1333 = arith.index_cast %add3A_1331 : i32 to index
        %get3A_1334 = arith.constant 80 : index
        %get3A_1335 = tpu.vector_load %arg10[%get3A_1332, %get3A_1333, %get3A_1334] {strides = array<i32>} : memref<3x200x128xf32, #tpu.memory_space<vmem>>, vector<1x1x16xf32>,
        %get3A_1336 = vector.shape_cast %get3A_1335 : vector<1x1x16xf32> to vector<16xf32>
        %add3A_1337 = arith.addf %add3A_1305, %get3A_1336 : vector<16xf32>
        %add3A_1338 = arith.constant 10 : i32
        %add3A_1339 = arith.addi %mul3A_203, %add3A_1338 : i32
        %get3A_1340 = arith.index_cast %rem3A_150 : i32 to index
        %get3A_1341 = arith.index_cast %add3A_1339 : i32 to index
        %get3A_1342 = arith.constant 96 : index
        %get3A_1343 = tpu.vector_load %arg10[%get3A_1340, %get3A_1341, %get3A_1342] {strides = array<i32>} : memref<3x200x128xf32, #tpu.memory_space<vmem>>, vector<1x1x16xf32>,
        %get3A_1344 = vector.shape_cast %get3A_1343 : vector<1x1x16xf32> to vector<16xf32>
        %add3A_1345 = arith.addf %add3A_1313, %get3A_1344 : vector<16xf32>
        %add3A_1346 = arith.constant 10 : i32
        %add3A_1347 = arith.addi %mul3A_203, %add3A_1346 : i32
        %get3A_1348 = arith.index_cast %rem3A_150 : i32 to index
        %get3A_1349 = arith.index_cast %add3A_1347 : i32 to index
        %get3A_1350 = arith.constant 112 : index
        %get3A_1351 = tpu.vector_load %arg10[%get3A_1348, %get3A_1349, %get3A_1350] {strides = array<i32>} : memref<3x200x128xf32, #tpu.memory_space<vmem>>, vector<1x1x16xf32>,
        %get3A_1352 = vector.shape_cast %get3A_1351 : vector<1x1x16xf32> to vector<16xf32>
        %add3A_1353 = arith.addf %add3A_1321, %get3A_1352 : vector<16xf32>
        %add3A_1354 = arith.constant 11 : i32
        %add3A_1355 = arith.addi %mul3A_203, %add3A_1354 : i32
        %get3A_1356 = arith.index_cast %rem3A_150 : i32 to index
        %get3A_1357 = arith.index_cast %add3A_1355 : i32 to index
        %get3A_1358 = arith.constant 64 : index
        %get3A_1359 = tpu.vector_load %arg10[%get3A_1356, %get3A_1357, %get3A_1358] {strides = array<i32>} : memref<3x200x128xf32, #tpu.memory_space<vmem>>, vector<1x1x16xf32>,
        %get3A_1360 = vector.shape_cast %get3A_1359 : vector<1x1x16xf32> to vector<16xf32>
        %add3A_1361 = arith.addf %add3A_1329, %get3A_1360 : vector<16xf32>
        %add3A_1362 = arith.constant 11 : i32
        %add3A_1363 = arith.addi %mul3A_203, %add3A_1362 : i32
        %get3A_1364 = arith.index_cast %rem3A_150 : i32 to index
        %get3A_1365 = arith.index_cast %add3A_1363 : i32 to index
        %get3A_1366 = arith.constant 80 : index
        %get3A_1367 = tpu.vector_load %arg10[%get3A_1364, %get3A_1365, %get3A_1366] {strides = array<i32>} : memref<3x200x128xf32, #tpu.memory_space<vmem>>, vector<1x1x16xf32>,
        %get3A_1368 = vector.shape_cast %get3A_1367 : vector<1x1x16xf32> to vector<16xf32>
        %add3A_1369 = arith.addf %add3A_1337, %get3A_1368 : vector<16xf32>
        %add3A_1370 = arith.constant 11 : i32
        %add3A_1371 = arith.addi %mul3A_203, %add3A_1370 : i32
        %get3A_1372 = arith.index_cast %rem3A_150 : i32 to index
        %get3A_1373 = arith.index_cast %add3A_1371 : i32 to index
        %get3A_1374 = arith.constant 96 : index
        %get3A_1375 = tpu.vector_load %arg10[%get3A_1372, %get3A_1373, %get3A_1374] {strides = array<i32>} : memref<3x200x128xf32, #tpu.memory_space<vmem>>, vector<1x1x16xf32>,
        %get3A_1376 = vector.shape_cast %get3A_1375 : vector<1x1x16xf32> to vector<16xf32>
        %add3A_1377 = arith.addf %add3A_1345, %get3A_1376 : vector<16xf32>
        %add3A_1378 = arith.constant 11 : i32
        %add3A_1379 = arith.addi %mul3A_203, %add3A_1378 : i32
        %get3A_1380 = arith.index_cast %rem3A_150 : i32 to index
        %get3A_1381 = arith.index_cast %add3A_1379 : i32 to index
        %get3A_1382 = arith.constant 112 : index
        %get3A_1383 = tpu.vector_load %arg10[%get3A_1380, %get3A_1381, %get3A_1382] {strides = array<i32>} : memref<3x200x128xf32, #tpu.memory_space<vmem>>, vector<1x1x16xf32>,
        %get3A_1384 = vector.shape_cast %get3A_1383 : vector<1x1x16xf32> to vector<16xf32>
        %add3A_1385 = arith.addf %add3A_1353, %get3A_1384 : vector<16xf32>
        %add3A_1386 = arith.constant 12 : i32
        %add3A_1387 = arith.addi %mul3A_203, %add3A_1386 : i32
        %get3A_1388 = arith.index_cast %rem3A_150 : i32 to index
        %get3A_1389 = arith.index_cast %add3A_1387 : i32 to index
        %get3A_1390 = arith.constant 64 : index
        %get3A_1391 = tpu.vector_load %arg10[%get3A_1388, %get3A_1389, %get3A_1390] {strides = array<i32>} : memref<3x200x128xf32, #tpu.memory_space<vmem>>, vector<1x1x16xf32>,
        %get3A_1392 = vector.shape_cast %get3A_1391 : vector<1x1x16xf32> to vector<16xf32>
        %add3A_1393 = arith.addf %add3A_1361, %get3A_1392 : vector<16xf32>
        %add3A_1394 = arith.constant 12 : i32
        %add3A_1395 = arith.addi %mul3A_203, %add3A_1394 : i32
        %get3A_1396 = arith.index_cast %rem3A_150 : i32 to index
        %get3A_1397 = arith.index_cast %add3A_1395 : i32 to index
        %get3A_1398 = arith.constant 80 : index
        %get3A_1399 = tpu.vector_load %arg10[%get3A_1396, %get3A_1397, %get3A_1398] {strides = array<i32>} : memref<3x200x128xf32, #tpu.memory_space<vmem>>, vector<1x1x16xf32>,
        %get3A_1400 = vector.shape_cast %get3A_1399 : vector<1x1x16xf32> to vector<16xf32>
        %add3A_1401 = arith.addf %add3A_1369, %get3A_1400 : vector<16xf32>
        %add3A_1402 = arith.constant 12 : i32
        %add3A_1403 = arith.addi %mul3A_203, %add3A_1402 : i32
        %get3A_1404 = arith.index_cast %rem3A_150 : i32 to index
        %get3A_1405 = arith.index_cast %add3A_1403 : i32 to index
        %get3A_1406 = arith.constant 96 : index
        %get3A_1407 = tpu.vector_load %arg10[%get3A_1404, %get3A_1405, %get3A_1406] {strides = array<i32>} : memref<3x200x128xf32, #tpu.memory_space<vmem>>, vector<1x1x16xf32>,
        %get3A_1408 = vector.shape_cast %get3A_1407 : vector<1x1x16xf32> to vector<16xf32>
        %add3A_1409 = arith.addf %add3A_1377, %get3A_1408 : vector<16xf32>
        %add3A_1410 = arith.constant 12 : i32
        %add3A_1411 = arith.addi %mul3A_203, %add3A_1410 : i32
        %get3A_1412 = arith.index_cast %rem3A_150 : i32 to index
        %get3A_1413 = arith.index_cast %add3A_1411 : i32 to index
        %get3A_1414 = arith.constant 112 : index
        %get3A_1415 = tpu.vector_load %arg10[%get3A_1412, %get3A_1413, %get3A_1414] {strides = array<i32>} : memref<3x200x128xf32, #tpu.memory_space<vmem>>, vector<1x1x16xf32>,
        %get3A_1416 = vector.shape_cast %get3A_1415 : vector<1x1x16xf32> to vector<16xf32>
        %add3A_1417 = arith.addf %add3A_1385, %get3A_1416 : vector<16xf32>
        %add3A_1418 = arith.constant 13 : i32
        %add3A_1419 = arith.addi %mul3A_203, %add3A_1418 : i32
        %get3A_1420 = arith.index_cast %rem3A_150 : i32 to index
        %get3A_1421 = arith.index_cast %add3A_1419 : i32 to index
        %get3A_1422 = arith.constant 64 : index
        %get3A_1423 = tpu.vector_load %arg10[%get3A_1420, %get3A_1421, %get3A_1422] {strides = array<i32>} : memref<3x200x128xf32, #tpu.memory_space<vmem>>, vector<1x1x16xf32>,
        %get3A_1424 = vector.shape_cast %get3A_1423 : vector<1x1x16xf32> to vector<16xf32>
        %add3A_1425 = arith.addf %add3A_1393, %get3A_1424 : vector<16xf32>
        %add3A_1426 = arith.constant 13 : i32
        %add3A_1427 = arith.addi %mul3A_203, %add3A_1426 : i32
        %get3A_1428 = arith.index_cast %rem3A_150 : i32 to index
        %get3A_1429 = arith.index_cast %add3A_1427 : i32 to index
        %get3A_1430 = arith.constant 80 : index
        %get3A_1431 = tpu.vector_load %arg10[%get3A_1428, %get3A_1429, %get3A_1430] {strides = array<i32>} : memref<3x200x128xf32, #tpu.memory_space<vmem>>, vector<1x1x16xf32>,
        %get3A_1432 = vector.shape_cast %get3A_1431 : vector<1x1x16xf32> to vector<16xf32>
        %add3A_1433 = arith.addf %add3A_1401, %get3A_1432 : vector<16xf32>
        %add3A_1434 = arith.constant 13 : i32
        %add3A_1435 = arith.addi %mul3A_203, %add3A_1434 : i32
        %get3A_1436 = arith.index_cast %rem3A_150 : i32 to index
        %get3A_1437 = arith.index_cast %add3A_1435 : i32 to index
        %get3A_1438 = arith.constant 96 : index
        %get3A_1439 = tpu.vector_load %arg10[%get3A_1436, %get3A_1437, %get3A_1438] {strides = array<i32>} : memref<3x200x128xf32, #tpu.memory_space<vmem>>, vector<1x1x16xf32>,
        %get3A_1440 = vector.shape_cast %get3A_1439 : vector<1x1x16xf32> to vector<16xf32>
        %add3A_1441 = arith.addf %add3A_1409, %get3A_1440 : vector<16xf32>
        %add3A_1442 = arith.constant 13 : i32
        %add3A_1443 = arith.addi %mul3A_203, %add3A_1442 : i32
        %get3A_1444 = arith.index_cast %rem3A_150 : i32 to index
        %get3A_1445 = arith.index_cast %add3A_1443 : i32 to index
        %get3A_1446 = arith.constant 112 : index
        %get3A_1447 = tpu.vector_load %arg10[%get3A_1444, %get3A_1445, %get3A_1446] {strides = array<i32>} : memref<3x200x128xf32, #tpu.memory_space<vmem>>, vector<1x1x16xf32>,
        %get3A_1448 = vector.shape_cast %get3A_1447 : vector<1x1x16xf32> to vector<16xf32>
        %add3A_1449 = arith.addf %add3A_1417, %get3A_1448 : vector<16xf32>
        %add3A_1450 = arith.constant 14 : i32
        %add3A_1451 = arith.addi %mul3A_203, %add3A_1450 : i32
        %get3A_1452 = arith.index_cast %rem3A_150 : i32 to index
        %get3A_1453 = arith.index_cast %add3A_1451 : i32 to index
        %get3A_1454 = arith.constant 64 : index
        %get3A_1455 = tpu.vector_load %arg10[%get3A_1452, %get3A_1453, %get3A_1454] {strides = array<i32>} : memref<3x200x128xf32, #tpu.memory_space<vmem>>, vector<1x1x16xf32>,
        %get3A_1456 = vector.shape_cast %get3A_1455 : vector<1x1x16xf32> to vector<16xf32>
        %add3A_1457 = arith.addf %add3A_1425, %get3A_1456 : vector<16xf32>
        %add3A_1458 = arith.constant 14 : i32
        %add3A_1459 = arith.addi %mul3A_203, %add3A_1458 : i32
        %get3A_1460 = arith.index_cast %rem3A_150 : i32 to index
        %get3A_1461 = arith.index_cast %add3A_1459 : i32 to index
        %get3A_1462 = arith.constant 80 : index
        %get3A_1463 = tpu.vector_load %arg10[%get3A_1460, %get3A_1461, %get3A_1462] {strides = array<i32>} : memref<3x200x128xf32, #tpu.memory_space<vmem>>, vector<1x1x16xf32>,
        %get3A_1464 = vector.shape_cast %get3A_1463 : vector<1x1x16xf32> to vector<16xf32>
        %add3A_1465 = arith.addf %add3A_1433, %get3A_1464 : vector<16xf32>
        %add3A_1466 = arith.constant 14 : i32
        %add3A_1467 = arith.addi %mul3A_203, %add3A_1466 : i32
        %get3A_1468 = arith.index_cast %rem3A_150 : i32 to index
        %get3A_1469 = arith.index_cast %add3A_1467 : i32 to index
        %get3A_1470 = arith.constant 96 : index
        %get3A_1471 = tpu.vector_load %arg10[%get3A_1468, %get3A_1469, %get3A_1470] {strides = array<i32>} : memref<3x200x128xf32, #tpu.memory_space<vmem>>, vector<1x1x16xf32>,
        %get3A_1472 = vector.shape_cast %get3A_1471 : vector<1x1x16xf32> to vector<16xf32>
        %add3A_1473 = arith.addf %add3A_1441, %get3A_1472 : vector<16xf32>
        %add3A_1474 = arith.constant 14 : i32
        %add3A_1475 = arith.addi %mul3A_203, %add3A_1474 : i32
        %get3A_1476 = arith.index_cast %rem3A_150 : i32 to index
        %get3A_1477 = arith.index_cast %add3A_1475 : i32 to index
        %get3A_1478 = arith.constant 112 : index
        %get3A_1479 = tpu.vector_load %arg10[%get3A_1476, %get3A_1477, %get3A_1478] {strides = array<i32>} : memref<3x200x128xf32, #tpu.memory_space<vmem>>, vector<1x1x16xf32>,
        %get3A_1480 = vector.shape_cast %get3A_1479 : vector<1x1x16xf32> to vector<16xf32>
        %add3A_1481 = arith.addf %add3A_1449, %get3A_1480 : vector<16xf32>
        %add3A_1482 = arith.constant 15 : i32
        %add3A_1483 = arith.addi %mul3A_203, %add3A_1482 : i32
        %get3A_1484 = arith.index_cast %rem3A_150 : i32 to index
        %get3A_1485 = arith.index_cast %add3A_1483 : i32 to index
        %get3A_1486 = arith.constant 64 : index
        %get3A_1487 = tpu.vector_load %arg10[%get3A_1484, %get3A_1485, %get3A_1486] {strides = array<i32>} : memref<3x200x128xf32, #tpu.memory_space<vmem>>, vector<1x1x16xf32>,
        %get3A_1488 = vector.shape_cast %get3A_1487 : vector<1x1x16xf32> to vector<16xf32>
        %add3A_1489 = arith.addf %add3A_1457, %get3A_1488 : vector<16xf32>
        %add3A_1490 = arith.constant 15 : i32
        %add3A_1491 = arith.addi %mul3A_203, %add3A_1490 : i32
        %get3A_1492 = arith.index_cast %rem3A_150 : i32 to index
        %get3A_1493 = arith.index_cast %add3A_1491 : i32 to index
        %get3A_1494 = arith.constant 80 : index
        %get3A_1495 = tpu.vector_load %arg10[%get3A_1492, %get3A_1493, %get3A_1494] {strides = array<i32>} : memref<3x200x128xf32, #tpu.memory_space<vmem>>, vector<1x1x16xf32>,
        %get3A_1496 = vector.shape_cast %get3A_1495 : vector<1x1x16xf32> to vector<16xf32>
        %add3A_1497 = arith.addf %add3A_1465, %get3A_1496 : vector<16xf32>
        %add3A_1498 = arith.constant 15 : i32
        %add3A_1499 = arith.addi %mul3A_203, %add3A_1498 : i32
        %get3A_1500 = arith.index_cast %rem3A_150 : i32 to index
        %get3A_1501 = arith.index_cast %add3A_1499 : i32 to index
        %get3A_1502 = arith.constant 96 : index
        %get3A_1503 = tpu.vector_load %arg10[%get3A_1500, %get3A_1501, %get3A_1502] {strides = array<i32>} : memref<3x200x128xf32, #tpu.memory_space<vmem>>, vector<1x1x16xf32>,
        %get3A_1504 = vector.shape_cast %get3A_1503 : vector<1x1x16xf32> to vector<16xf32>
        %add3A_1505 = arith.addf %add3A_1473, %get3A_1504 : vector<16xf32>
        %add3A_1506 = arith.constant 15 : i32
        %add3A_1507 = arith.addi %mul3A_203, %add3A_1506 : i32
        %get3A_1508 = arith.index_cast %rem3A_150 : i32 to index
        %get3A_1509 = arith.index_cast %add3A_1507 : i32 to index
        %get3A_1510 = arith.constant 112 : index
        %get3A_1511 = tpu.vector_load %arg10[%get3A_1508, %get3A_1509, %get3A_1510] {strides = array<i32>} : memref<3x200x128xf32, #tpu.memory_space<vmem>>, vector<1x1x16xf32>,
        %get3A_1512 = vector.shape_cast %get3A_1511 : vector<1x1x16xf32> to vector<16xf32>
        %add3A_1513 = arith.addf %add3A_1481, %get3A_1512 : vector<16xf32>
        %add3A_1514 = arith.constant 16 : i32
        %add3A_1515 = arith.addi %mul3A_203, %add3A_1514 : i32
        %get3A_1516 = arith.index_cast %rem3A_150 : i32 to index
        %get3A_1517 = arith.index_cast %add3A_1515 : i32 to index
        %get3A_1518 = arith.constant 64 : index
        %get3A_1519 = tpu.vector_load %arg10[%get3A_1516, %get3A_1517, %get3A_1518] {strides = array<i32>} : memref<3x200x128xf32, #tpu.memory_space<vmem>>, vector<1x1x16xf32>,
        %get3A_1520 = vector.shape_cast %get3A_1519 : vector<1x1x16xf32> to vector<16xf32>
        %add3A_1521 = arith.addf %add3A_1489, %get3A_1520 : vector<16xf32>
        %add3A_1522 = arith.constant 16 : i32
        %add3A_1523 = arith.addi %mul3A_203, %add3A_1522 : i32
        %get3A_1524 = arith.index_cast %rem3A_150 : i32 to index
        %get3A_1525 = arith.index_cast %add3A_1523 : i32 to index
        %get3A_1526 = arith.constant 80 : index
        %get3A_1527 = tpu.vector_load %arg10[%get3A_1524, %get3A_1525, %get3A_1526] {strides = array<i32>} : memref<3x200x128xf32, #tpu.memory_space<vmem>>, vector<1x1x16xf32>,
        %get3A_1528 = vector.shape_cast %get3A_1527 : vector<1x1x16xf32> to vector<16xf32>
        %add3A_1529 = arith.addf %add3A_1497, %get3A_1528 : vector<16xf32>
        %add3A_1530 = arith.constant 16 : i32
        %add3A_1531 = arith.addi %mul3A_203, %add3A_1530 : i32
        %get3A_1532 = arith.index_cast %rem3A_150 : i32 to index
        %get3A_1533 = arith.index_cast %add3A_1531 : i32 to index
        %get3A_1534 = arith.constant 96 : index
        %get3A_1535 = tpu.vector_load %arg10[%get3A_1532, %get3A_1533, %get3A_1534] {strides = array<i32>} : memref<3x200x128xf32, #tpu.memory_space<vmem>>, vector<1x1x16xf32>,
        %get3A_1536 = vector.shape_cast %get3A_1535 : vector<1x1x16xf32> to vector<16xf32>
        %add3A_1537 = arith.addf %add3A_1505, %get3A_1536 : vector<16xf32>
        %add3A_1538 = arith.constant 16 : i32
        %add3A_1539 = arith.addi %mul3A_203, %add3A_1538 : i32
        %get3A_1540 = arith.index_cast %rem3A_150 : i32 to index
        %get3A_1541 = arith.index_cast %add3A_1539 : i32 to index
        %get3A_1542 = arith.constant 112 : index
        %get3A_1543 = tpu.vector_load %arg10[%get3A_1540, %get3A_1541, %get3A_1542] {strides = array<i32>} : memref<3x200x128xf32, #tpu.memory_space<vmem>>, vector<1x1x16xf32>,
        %get3A_1544 = vector.shape_cast %get3A_1543 : vector<1x1x16xf32> to vector<16xf32>
        %add3A_1545 = arith.addf %add3A_1513, %get3A_1544 : vector<16xf32>
        %add3A_1546 = arith.constant 17 : i32
        %add3A_1547 = arith.addi %mul3A_203, %add3A_1546 : i32
        %get3A_1548 = arith.index_cast %rem3A_150 : i32 to index
        %get3A_1549 = arith.index_cast %add3A_1547 : i32 to index
        %get3A_1550 = arith.constant 64 : index
        %get3A_1551 = tpu.vector_load %arg10[%get3A_1548, %get3A_1549, %get3A_1550] {strides = array<i32>} : memref<3x200x128xf32, #tpu.memory_space<vmem>>, vector<1x1x16xf32>,
        %get3A_1552 = vector.shape_cast %get3A_1551 : vector<1x1x16xf32> to vector<16xf32>
        %add3A_1553 = arith.addf %add3A_1521, %get3A_1552 : vector<16xf32>
        %add3A_1554 = arith.constant 17 : i32
        %add3A_1555 = arith.addi %mul3A_203, %add3A_1554 : i32
        %get3A_1556 = arith.index_cast %rem3A_150 : i32 to index
        %get3A_1557 = arith.index_cast %add3A_1555 : i32 to index
        %get3A_1558 = arith.constant 80 : index
        %get3A_1559 = tpu.vector_load %arg10[%get3A_1556, %get3A_1557, %get3A_1558] {strides = array<i32>} : memref<3x200x128xf32, #tpu.memory_space<vmem>>, vector<1x1x16xf32>,
        %get3A_1560 = vector.shape_cast %get3A_1559 : vector<1x1x16xf32> to vector<16xf32>
        %add3A_1561 = arith.addf %add3A_1529, %get3A_1560 : vector<16xf32>
        %add3A_1562 = arith.constant 17 : i32
        %add3A_1563 = arith.addi %mul3A_203, %add3A_1562 : i32
        %get3A_1564 = arith.index_cast %rem3A_150 : i32 to index
        %get3A_1565 = arith.index_cast %add3A_1563 : i32 to index
        %get3A_1566 = arith.constant 96 : index
        %get3A_1567 = tpu.vector_load %arg10[%get3A_1564, %get3A_1565, %get3A_1566] {strides = array<i32>} : memref<3x200x128xf32, #tpu.memory_space<vmem>>, vector<1x1x16xf32>,
        %get3A_1568 = vector.shape_cast %get3A_1567 : vector<1x1x16xf32> to vector<16xf32>
        %add3A_1569 = arith.addf %add3A_1537, %get3A_1568 : vector<16xf32>
        %add3A_1570 = arith.constant 17 : i32
        %add3A_1571 = arith.addi %mul3A_203, %add3A_1570 : i32
        %get3A_1572 = arith.index_cast %rem3A_150 : i32 to index
        %get3A_1573 = arith.index_cast %add3A_1571 : i32 to index
        %get3A_1574 = arith.constant 112 : index
        %get3A_1575 = tpu.vector_load %arg10[%get3A_1572, %get3A_1573, %get3A_1574] {strides = array<i32>} : memref<3x200x128xf32, #tpu.memory_space<vmem>>, vector<1x1x16xf32>,
        %get3A_1576 = vector.shape_cast %get3A_1575 : vector<1x1x16xf32> to vector<16xf32>
        %add3A_1577 = arith.addf %add3A_1545, %get3A_1576 : vector<16xf32>
        %add3A_1578 = arith.constant 18 : i32
        %add3A_1579 = arith.addi %mul3A_203, %add3A_1578 : i32
        %get3A_1580 = arith.index_cast %rem3A_150 : i32 to index
        %get3A_1581 = arith.index_cast %add3A_1579 : i32 to index
        %get3A_1582 = arith.constant 64 : index
        %get3A_1583 = tpu.vector_load %arg10[%get3A_1580, %get3A_1581, %get3A_1582] {strides = array<i32>} : memref<3x200x128xf32, #tpu.memory_space<vmem>>, vector<1x1x16xf32>,
        %get3A_1584 = vector.shape_cast %get3A_1583 : vector<1x1x16xf32> to vector<16xf32>
        %add3A_1585 = arith.addf %add3A_1553, %get3A_1584 : vector<16xf32>
        %add3A_1586 = arith.constant 18 : i32
        %add3A_1587 = arith.addi %mul3A_203, %add3A_1586 : i32
        %get3A_1588 = arith.index_cast %rem3A_150 : i32 to index
        %get3A_1589 = arith.index_cast %add3A_1587 : i32 to index
        %get3A_1590 = arith.constant 80 : index
        %get3A_1591 = tpu.vector_load %arg10[%get3A_1588, %get3A_1589, %get3A_1590] {strides = array<i32>} : memref<3x200x128xf32, #tpu.memory_space<vmem>>, vector<1x1x16xf32>,
        %get3A_1592 = vector.shape_cast %get3A_1591 : vector<1x1x16xf32> to vector<16xf32>
        %add3A_1593 = arith.addf %add3A_1561, %get3A_1592 : vector<16xf32>
        %add3A_1594 = arith.constant 18 : i32
        %add3A_1595 = arith.addi %mul3A_203, %add3A_1594 : i32
        %get3A_1596 = arith.index_cast %rem3A_150 : i32 to index
        %get3A_1597 = arith.index_cast %add3A_1595 : i32 to index
        %get3A_1598 = arith.constant 96 : index
        %get3A_1599 = tpu.vector_load %arg10[%get3A_1596, %get3A_1597, %get3A_1598] {strides = array<i32>} : memref<3x200x128xf32, #tpu.memory_space<vmem>>, vector<1x1x16xf32>,
        %get3A_1600 = vector.shape_cast %get3A_1599 : vector<1x1x16xf32> to vector<16xf32>
        %add3A_1601 = arith.addf %add3A_1569, %get3A_1600 : vector<16xf32>
        %add3A_1602 = arith.constant 18 : i32
        %add3A_1603 = arith.addi %mul3A_203, %add3A_1602 : i32
        %get3A_1604 = arith.index_cast %rem3A_150 : i32 to index
        %get3A_1605 = arith.index_cast %add3A_1603 : i32 to index
        %get3A_1606 = arith.constant 112 : index
        %get3A_1607 = tpu.vector_load %arg10[%get3A_1604, %get3A_1605, %get3A_1606] {strides = array<i32>} : memref<3x200x128xf32, #tpu.memory_space<vmem>>, vector<1x1x16xf32>,
        %get3A_1608 = vector.shape_cast %get3A_1607 : vector<1x1x16xf32> to vector<16xf32>
        %add3A_1609 = arith.addf %add3A_1577, %get3A_1608 : vector<16xf32>
        %add3A_1610 = arith.constant 19 : i32
        %add3A_1611 = arith.addi %mul3A_203, %add3A_1610 : i32
        %get3A_1612 = arith.index_cast %rem3A_150 : i32 to index
        %get3A_1613 = arith.index_cast %add3A_1611 : i32 to index
        %get3A_1614 = arith.constant 64 : index
        %get3A_1615 = tpu.vector_load %arg10[%get3A_1612, %get3A_1613, %get3A_1614] {strides = array<i32>} : memref<3x200x128xf32, #tpu.memory_space<vmem>>, vector<1x1x16xf32>,
        %get3A_1616 = vector.shape_cast %get3A_1615 : vector<1x1x16xf32> to vector<16xf32>
        %add3A_1617 = arith.addf %add3A_1585, %get3A_1616 : vector<16xf32>
        %add3A_1618 = arith.constant 19 : i32
        %add3A_1619 = arith.addi %mul3A_203, %add3A_1618 : i32
        %get3A_1620 = arith.index_cast %rem3A_150 : i32 to index
        %get3A_1621 = arith.index_cast %add3A_1619 : i32 to index
        %get3A_1622 = arith.constant 80 : index
        %get3A_1623 = tpu.vector_load %arg10[%get3A_1620, %get3A_1621, %get3A_1622] {strides = array<i32>} : memref<3x200x128xf32, #tpu.memory_space<vmem>>, vector<1x1x16xf32>,
        %get3A_1624 = vector.shape_cast %get3A_1623 : vector<1x1x16xf32> to vector<16xf32>
        %add3A_1625 = arith.addf %add3A_1593, %get3A_1624 : vector<16xf32>
        %add3A_1626 = arith.constant 19 : i32
        %add3A_1627 = arith.addi %mul3A_203, %add3A_1626 : i32
        %get3A_1628 = arith.index_cast %rem3A_150 : i32 to index
        %get3A_1629 = arith.index_cast %add3A_1627 : i32 to index
        %get3A_1630 = arith.constant 96 : index
        %get3A_1631 = tpu.vector_load %arg10[%get3A_1628, %get3A_1629, %get3A_1630] {strides = array<i32>} : memref<3x200x128xf32, #tpu.memory_space<vmem>>, vector<1x1x16xf32>,
        %get3A_1632 = vector.shape_cast %get3A_1631 : vector<1x1x16xf32> to vector<16xf32>
        %add3A_1633 = arith.addf %add3A_1601, %get3A_1632 : vector<16xf32>
        %add3A_1634 = arith.constant 19 : i32
        %add3A_1635 = arith.addi %mul3A_203, %add3A_1634 : i32
        %get3A_1636 = arith.index_cast %rem3A_150 : i32 to index
        %get3A_1637 = arith.index_cast %add3A_1635 : i32 to index
        %get3A_1638 = arith.constant 112 : index
        %get3A_1639 = tpu.vector_load %arg10[%get3A_1636, %get3A_1637, %get3A_1638] {strides = array<i32>} : memref<3x200x128xf32, #tpu.memory_space<vmem>>, vector<1x1x16xf32>,
        %get3A_1640 = vector.shape_cast %get3A_1639 : vector<1x1x16xf32> to vector<16xf32>
        %add3A_1641 = arith.addf %add3A_1609, %get3A_1640 : vector<16xf32>
        %add3A_1642 = arith.constant 20 : i32
        %add3A_1643 = arith.addi %mul3A_203, %add3A_1642 : i32
        %get3A_1644 = arith.index_cast %rem3A_150 : i32 to index
        %get3A_1645 = arith.index_cast %add3A_1643 : i32 to index
        %get3A_1646 = arith.constant 64 : index
        %get3A_1647 = tpu.vector_load %arg10[%get3A_1644, %get3A_1645, %get3A_1646] {strides = array<i32>} : memref<3x200x128xf32, #tpu.memory_space<vmem>>, vector<1x1x16xf32>,
        %get3A_1648 = vector.shape_cast %get3A_1647 : vector<1x1x16xf32> to vector<16xf32>
        %add3A_1649 = arith.addf %add3A_1617, %get3A_1648 : vector<16xf32>
        %add3A_1650 = arith.constant 20 : i32
        %add3A_1651 = arith.addi %mul3A_203, %add3A_1650 : i32
        %get3A_1652 = arith.index_cast %rem3A_150 : i32 to index
        %get3A_1653 = arith.index_cast %add3A_1651 : i32 to index
        %get3A_1654 = arith.constant 80 : index
        %get3A_1655 = tpu.vector_load %arg10[%get3A_1652, %get3A_1653, %get3A_1654] {strides = array<i32>} : memref<3x200x128xf32, #tpu.memory_space<vmem>>, vector<1x1x16xf32>,
        %get3A_1656 = vector.shape_cast %get3A_1655 : vector<1x1x16xf32> to vector<16xf32>
        %add3A_1657 = arith.addf %add3A_1625, %get3A_1656 : vector<16xf32>
        %add3A_1658 = arith.constant 20 : i32
        %add3A_1659 = arith.addi %mul3A_203, %add3A_1658 : i32
        %get3A_1660 = arith.index_cast %rem3A_150 : i32 to index
        %get3A_1661 = arith.index_cast %add3A_1659 : i32 to index
        %get3A_1662 = arith.constant 96 : index
        %get3A_1663 = tpu.vector_load %arg10[%get3A_1660, %get3A_1661, %get3A_1662] {strides = array<i32>} : memref<3x200x128xf32, #tpu.memory_space<vmem>>, vector<1x1x16xf32>,
        %get3A_1664 = vector.shape_cast %get3A_1663 : vector<1x1x16xf32> to vector<16xf32>
        %add3A_1665 = arith.addf %add3A_1633, %get3A_1664 : vector<16xf32>
        %add3A_1666 = arith.constant 20 : i32
        %add3A_1667 = arith.addi %mul3A_203, %add3A_1666 : i32
        %get3A_1668 = arith.index_cast %rem3A_150 : i32 to index
        %get3A_1669 = arith.index_cast %add3A_1667 : i32 to index
        %get3A_1670 = arith.constant 112 : index
        %get3A_1671 = tpu.vector_load %arg10[%get3A_1668, %get3A_1669, %get3A_1670] {strides = array<i32>} : memref<3x200x128xf32, #tpu.memory_space<vmem>>, vector<1x1x16xf32>,
        %get3A_1672 = vector.shape_cast %get3A_1671 : vector<1x1x16xf32> to vector<16xf32>
        %add3A_1673 = arith.addf %add3A_1641, %get3A_1672 : vector<16xf32>
        %add3A_1674 = arith.constant 21 : i32
        %add3A_1675 = arith.addi %mul3A_203, %add3A_1674 : i32
        %get3A_1676 = arith.index_cast %rem3A_150 : i32 to index
        %get3A_1677 = arith.index_cast %add3A_1675 : i32 to index
        %get3A_1678 = arith.constant 64 : index
        %get3A_1679 = tpu.vector_load %arg10[%get3A_1676, %get3A_1677, %get3A_1678] {strides = array<i32>} : memref<3x200x128xf32, #tpu.memory_space<vmem>>, vector<1x1x16xf32>,
        %get3A_1680 = vector.shape_cast %get3A_1679 : vector<1x1x16xf32> to vector<16xf32>
        %add3A_1681 = arith.addf %add3A_1649, %get3A_1680 : vector<16xf32>
        %add3A_1682 = arith.constant 21 : i32
        %add3A_1683 = arith.addi %mul3A_203, %add3A_1682 : i32
        %get3A_1684 = arith.index_cast %rem3A_150 : i32 to index
        %get3A_1685 = arith.index_cast %add3A_1683 : i32 to index
        %get3A_1686 = arith.constant 80 : index
        %get3A_1687 = tpu.vector_load %arg10[%get3A_1684, %get3A_1685, %get3A_1686] {strides = array<i32>} : memref<3x200x128xf32, #tpu.memory_space<vmem>>, vector<1x1x16xf32>,
        %get3A_1688 = vector.shape_cast %get3A_1687 : vector<1x1x16xf32> to vector<16xf32>
        %add3A_1689 = arith.addf %add3A_1657, %get3A_1688 : vector<16xf32>
        %add3A_1690 = arith.constant 21 : i32
        %add3A_1691 = arith.addi %mul3A_203, %add3A_1690 : i32
        %get3A_1692 = arith.index_cast %rem3A_150 : i32 to index
        %get3A_1693 = arith.index_cast %add3A_1691 : i32 to index
        %get3A_1694 = arith.constant 96 : index
        %get3A_1695 = tpu.vector_load %arg10[%get3A_1692, %get3A_1693, %get3A_1694] {strides = array<i32>} : memref<3x200x128xf32, #tpu.memory_space<vmem>>, vector<1x1x16xf32>,
        %get3A_1696 = vector.shape_cast %get3A_1695 : vector<1x1x16xf32> to vector<16xf32>
        %add3A_1697 = arith.addf %add3A_1665, %get3A_1696 : vector<16xf32>
        %add3A_1698 = arith.constant 21 : i32
        %add3A_1699 = arith.addi %mul3A_203, %add3A_1698 : i32
        %get3A_1700 = arith.index_cast %rem3A_150 : i32 to index
        %get3A_1701 = arith.index_cast %add3A_1699 : i32 to index
        %get3A_1702 = arith.constant 112 : index
        %get3A_1703 = tpu.vector_load %arg10[%get3A_1700, %get3A_1701, %get3A_1702] {strides = array<i32>} : memref<3x200x128xf32, #tpu.memory_space<vmem>>, vector<1x1x16xf32>,
        %get3A_1704 = vector.shape_cast %get3A_1703 : vector<1x1x16xf32> to vector<16xf32>
        %add3A_1705 = arith.addf %add3A_1673, %get3A_1704 : vector<16xf32>
        %add3A_1706 = arith.constant 22 : i32
        %add3A_1707 = arith.addi %mul3A_203, %add3A_1706 : i32
        %get3A_1708 = arith.index_cast %rem3A_150 : i32 to index
        %get3A_1709 = arith.index_cast %add3A_1707 : i32 to index
        %get3A_1710 = arith.constant 64 : index
        %get3A_1711 = tpu.vector_load %arg10[%get3A_1708, %get3A_1709, %get3A_1710] {strides = array<i32>} : memref<3x200x128xf32, #tpu.memory_space<vmem>>, vector<1x1x16xf32>,
        %get3A_1712 = vector.shape_cast %get3A_1711 : vector<1x1x16xf32> to vector<16xf32>
        %add3A_1713 = arith.addf %add3A_1681, %get3A_1712 : vector<16xf32>
        %add3A_1714 = arith.constant 22 : i32
        %add3A_1715 = arith.addi %mul3A_203, %add3A_1714 : i32
        %get3A_1716 = arith.index_cast %rem3A_150 : i32 to index
        %get3A_1717 = arith.index_cast %add3A_1715 : i32 to index
        %get3A_1718 = arith.constant 80 : index
        %get3A_1719 = tpu.vector_load %arg10[%get3A_1716, %get3A_1717, %get3A_1718] {strides = array<i32>} : memref<3x200x128xf32, #tpu.memory_space<vmem>>, vector<1x1x16xf32>,
        %get3A_1720 = vector.shape_cast %get3A_1719 : vector<1x1x16xf32> to vector<16xf32>
        %add3A_1721 = arith.addf %add3A_1689, %get3A_1720 : vector<16xf32>
        %add3A_1722 = arith.constant 22 : i32
        %add3A_1723 = arith.addi %mul3A_203, %add3A_1722 : i32
        %get3A_1724 = arith.index_cast %rem3A_150 : i32 to index
        %get3A_1725 = arith.index_cast %add3A_1723 : i32 to index
        %get3A_1726 = arith.constant 96 : index
        %get3A_1727 = tpu.vector_load %arg10[%get3A_1724, %get3A_1725, %get3A_1726] {strides = array<i32>} : memref<3x200x128xf32, #tpu.memory_space<vmem>>, vector<1x1x16xf32>,
        %get3A_1728 = vector.shape_cast %get3A_1727 : vector<1x1x16xf32> to vector<16xf32>
        %add3A_1729 = arith.addf %add3A_1697, %get3A_1728 : vector<16xf32>
        %add3A_1730 = arith.constant 22 : i32
        %add3A_1731 = arith.addi %mul3A_203, %add3A_1730 : i32
        %get3A_1732 = arith.index_cast %rem3A_150 : i32 to index
        %get3A_1733 = arith.index_cast %add3A_1731 : i32 to index
        %get3A_1734 = arith.constant 112 : index
        %get3A_1735 = tpu.vector_load %arg10[%get3A_1732, %get3A_1733, %get3A_1734] {strides = array<i32>} : memref<3x200x128xf32, #tpu.memory_space<vmem>>, vector<1x1x16xf32>,
        %get3A_1736 = vector.shape_cast %get3A_1735 : vector<1x1x16xf32> to vector<16xf32>
        %add3A_1737 = arith.addf %add3A_1705, %get3A_1736 : vector<16xf32>
        %add3A_1738 = arith.constant 23 : i32
        %add3A_1739 = arith.addi %mul3A_203, %add3A_1738 : i32
        %get3A_1740 = arith.index_cast %rem3A_150 : i32 to index
        %get3A_1741 = arith.index_cast %add3A_1739 : i32 to index
        %get3A_1742 = arith.constant 64 : index
        %get3A_1743 = tpu.vector_load %arg10[%get3A_1740, %get3A_1741, %get3A_1742] {strides = array<i32>} : memref<3x200x128xf32, #tpu.memory_space<vmem>>, vector<1x1x16xf32>,
        %get3A_1744 = vector.shape_cast %get3A_1743 : vector<1x1x16xf32> to vector<16xf32>
        %add3A_1745 = arith.addf %add3A_1713, %get3A_1744 : vector<16xf32>
        %add3A_1746 = arith.constant 23 : i32
        %add3A_1747 = arith.addi %mul3A_203, %add3A_1746 : i32
        %get3A_1748 = arith.index_cast %rem3A_150 : i32 to index
        %get3A_1749 = arith.index_cast %add3A_1747 : i32 to index
        %get3A_1750 = arith.constant 80 : index
        %get3A_1751 = tpu.vector_load %arg10[%get3A_1748, %get3A_1749, %get3A_1750] {strides = array<i32>} : memref<3x200x128xf32, #tpu.memory_space<vmem>>, vector<1x1x16xf32>,
        %get3A_1752 = vector.shape_cast %get3A_1751 : vector<1x1x16xf32> to vector<16xf32>
        %add3A_1753 = arith.addf %add3A_1721, %get3A_1752 : vector<16xf32>
        %add3A_1754 = arith.constant 23 : i32
        %add3A_1755 = arith.addi %mul3A_203, %add3A_1754 : i32
        %get3A_1756 = arith.index_cast %rem3A_150 : i32 to index
        %get3A_1757 = arith.index_cast %add3A_1755 : i32 to index
        %get3A_1758 = arith.constant 96 : index
        %get3A_1759 = tpu.vector_load %arg10[%get3A_1756, %get3A_1757, %get3A_1758] {strides = array<i32>} : memref<3x200x128xf32, #tpu.memory_space<vmem>>, vector<1x1x16xf32>,
        %get3A_1760 = vector.shape_cast %get3A_1759 : vector<1x1x16xf32> to vector<16xf32>
        %add3A_1761 = arith.addf %add3A_1729, %get3A_1760 : vector<16xf32>
        %add3A_1762 = arith.constant 23 : i32
        %add3A_1763 = arith.addi %mul3A_203, %add3A_1762 : i32
        %get3A_1764 = arith.index_cast %rem3A_150 : i32 to index
        %get3A_1765 = arith.index_cast %add3A_1763 : i32 to index
        %get3A_1766 = arith.constant 112 : index
        %get3A_1767 = tpu.vector_load %arg10[%get3A_1764, %get3A_1765, %get3A_1766] {strides = array<i32>} : memref<3x200x128xf32, #tpu.memory_space<vmem>>, vector<1x1x16xf32>,
        %get3A_1768 = vector.shape_cast %get3A_1767 : vector<1x1x16xf32> to vector<16xf32>
        %add3A_1769 = arith.addf %add3A_1737, %get3A_1768 : vector<16xf32>
        %add3A_1770 = arith.constant 24 : i32
        %add3A_1771 = arith.addi %mul3A_203, %add3A_1770 : i32
        %get3A_1772 = arith.index_cast %rem3A_150 : i32 to index
        %get3A_1773 = arith.index_cast %add3A_1771 : i32 to index
        %get3A_1774 = arith.constant 64 : index
        %get3A_1775 = tpu.vector_load %arg10[%get3A_1772, %get3A_1773, %get3A_1774] {strides = array<i32>} : memref<3x200x128xf32, #tpu.memory_space<vmem>>, vector<1x1x16xf32>,
        %get3A_1776 = vector.shape_cast %get3A_1775 : vector<1x1x16xf32> to vector<16xf32>
        %add3A_1777 = arith.addf %add3A_1745, %get3A_1776 : vector<16xf32>
        %add3A_1778 = arith.constant 24 : i32
        %add3A_1779 = arith.addi %mul3A_203, %add3A_1778 : i32
        %get3A_1780 = arith.index_cast %rem3A_150 : i32 to index
        %get3A_1781 = arith.index_cast %add3A_1779 : i32 to index
        %get3A_1782 = arith.constant 80 : index
        %get3A_1783 = tpu.vector_load %arg10[%get3A_1780, %get3A_1781, %get3A_1782] {strides = array<i32>} : memref<3x200x128xf32, #tpu.memory_space<vmem>>, vector<1x1x16xf32>,
        %get3A_1784 = vector.shape_cast %get3A_1783 : vector<1x1x16xf32> to vector<16xf32>
        %add3A_1785 = arith.addf %add3A_1753, %get3A_1784 : vector<16xf32>
        %add3A_1786 = arith.constant 24 : i32
        %add3A_1787 = arith.addi %mul3A_203, %add3A_1786 : i32
        %get3A_1788 = arith.index_cast %rem3A_150 : i32 to index
        %get3A_1789 = arith.index_cast %add3A_1787 : i32 to index
        %get3A_1790 = arith.constant 96 : index
        %get3A_1791 = tpu.vector_load %arg10[%get3A_1788, %get3A_1789, %get3A_1790] {strides = array<i32>} : memref<3x200x128xf32, #tpu.memory_space<vmem>>, vector<1x1x16xf32>,
        %get3A_1792 = vector.shape_cast %get3A_1791 : vector<1x1x16xf32> to vector<16xf32>
        %add3A_1793 = arith.addf %add3A_1761, %get3A_1792 : vector<16xf32>
        %add3A_1794 = arith.constant 24 : i32
        %add3A_1795 = arith.addi %mul3A_203, %add3A_1794 : i32
        %get3A_1796 = arith.index_cast %rem3A_150 : i32 to index
        %get3A_1797 = arith.index_cast %add3A_1795 : i32 to index
        %get3A_1798 = arith.constant 112 : index
        %get3A_1799 = tpu.vector_load %arg10[%get3A_1796, %get3A_1797, %get3A_1798] {strides = array<i32>} : memref<3x200x128xf32, #tpu.memory_space<vmem>>, vector<1x1x16xf32>,
        %get3A_1800 = vector.shape_cast %get3A_1799 : vector<1x1x16xf32> to vector<16xf32>
        %add3A_1801 = arith.addf %add3A_1769, %get3A_1800 : vector<16xf32>
        %swap3A_1802 = arith.index_cast %rem3A_170 : i32 to index
        %swap3A_1803 = arith.index_cast %add3A_201 : i32 to index
        %swap3A_1804 = arith.constant 64 : index
        %swap3A_1805 = tpu.vector_load %arg11[%swap3A_1802, %swap3A_1803, %swap3A_1804] {strides = array<i32>} : memref<2x8x128xf32, #tpu.memory_space<vmem>>, vector<1x1x16xf32>,
        %swap3A_1806 = vector.shape_cast %swap3A_1805 : vector<1x1x16xf32> to vector<16xf32>
        %swap3A_1807 = vector.shape_cast %add3A_1777 : vector<16xf32> to vector<1x1x16xf32>
        tpu.vector_store %arg11[%swap3A_1802, %swap3A_1803, %swap3A_1804], %swap3A_1807 {strides = array<i32>} : memref<2x8x128xf32, #tpu.memory_space<vmem>>, vector<1x1x16xf32>,
        %swap3A_1808 = arith.index_cast %rem3A_170 : i32 to index
        %swap3A_1809 = arith.index_cast %add3A_201 : i32 to index
        %swap3A_1810 = arith.constant 80 : index
        %swap3A_1811 = tpu.vector_load %arg11[%swap3A_1808, %swap3A_1809, %swap3A_1810] {strides = array<i32>} : memref<2x8x128xf32, #tpu.memory_space<vmem>>, vector<1x1x16xf32>,
        %swap3A_1812 = vector.shape_cast %swap3A_1811 : vector<1x1x16xf32> to vector<16xf32>
        %swap3A_1813 = vector.shape_cast %add3A_1785 : vector<16xf32> to vector<1x1x16xf32>
        tpu.vector_store %arg11[%swap3A_1808, %swap3A_1809, %swap3A_1810], %swap3A_1813 {strides = array<i32>} : memref<2x8x128xf32, #tpu.memory_space<vmem>>, vector<1x1x16xf32>,
        %swap3A_1814 = arith.index_cast %rem3A_170 : i32 to index
        %swap3A_1815 = arith.index_cast %add3A_201 : i32 to index
        %swap3A_1816 = arith.constant 96 : index
        %swap3A_1817 = tpu.vector_load %arg11[%swap3A_1814, %swap3A_1815, %swap3A_1816] {strides = array<i32>} : memref<2x8x128xf32, #tpu.memory_space<vmem>>, vector<1x1x16xf32>,
        %swap3A_1818 = vector.shape_cast %swap3A_1817 : vector<1x1x16xf32> to vector<16xf32>
        %swap3A_1819 = vector.shape_cast %add3A_1793 : vector<16xf32> to vector<1x1x16xf32>
        tpu.vector_store %arg11[%swap3A_1814, %swap3A_1815, %swap3A_1816], %swap3A_1819 {strides = array<i32>} : memref<2x8x128xf32, #tpu.memory_space<vmem>>, vector<1x1x16xf32>,
        %swap3A_1820 = arith.index_cast %rem3A_170 : i32 to index
        %swap3A_1821 = arith.index_cast %add3A_201 : i32 to index
        %swap3A_1822 = arith.constant 112 : index
        %swap3A_1823 = tpu.vector_load %arg11[%swap3A_1820, %swap3A_1821, %swap3A_1822] {strides = array<i32>} : memref<2x8x128xf32, #tpu.memory_space<vmem>>, vector<1x1x16xf32>,
        %swap3A_1824 = vector.shape_cast %swap3A_1823 : vector<1x1x16xf32> to vector<16xf32>
        %swap3A_1825 = vector.shape_cast %add3A_1801 : vector<16xf32> to vector<1x1x16xf32>
        tpu.vector_store %arg11[%swap3A_1820, %swap3A_1821, %swap3A_1822], %swap3A_1825 {strides = array<i32>} : memref<2x8x128xf32, #tpu.memory_space<vmem>>, vector<1x1x16xf32>,
      }
      %scan3A_179 = arith.constant 8 : i32
      %mul3A_180 = arith.constant 320 : i32
      %mul3A_181 = arith.muli %add3A, %mul3A_180 : i32
      %mul3A_182 = arith.constant 8 : i32
      %mul3A_183 = arith.muli %add3A_143, %mul3A_182 : i32
      %add3A_184 = arith.addi %mul3A_181, %mul3A_183 : i32
      %dma_start3A_185 = arith.constant 0 : i32
      %dma_start3A_186 = arith.constant 0 : i32
      %dma_start3A_187 = tpu.memref_slice %arg11[%rem3A_170, %dma_start3A_185, %dma_start3A_186] : memref<2x8x128xf32, #tpu.memory_space<vmem>> -> memref<1x8x128xf32, #tpu.memory_space<vmem>>
      %dma_start3A_188 = tpu.memref_squeeze %dma_start3A_187 : memref<1x8x128xf32, #tpu.memory_space<vmem>> -> memref<8x128xf32, #tpu.memory_space<vmem>>
      %dma_start3A_189 = arith.constant 0 : i32
      %dma_start3A_190 = tpu.memref_slice %arg8[%add3A_184, %dma_start3A_189] : memref<10240x128xf32, #tpu.memory_space<hbm>> -> memref<8x128xf32, #tpu.memory_space<hbm>>
      %dma_start3A_191 = arith.constant 0 : i32
      %dma_start3A_192 = tpu.memref_slice %arg8[%add3A_184, %dma_start3A_191] : memref<10240x128xf32, #tpu.memory_space<hbm>> -> memref<8x128xf32, #tpu.memory_space<hbm>>
      %dma_start3A_193 = arith.constant 0 : i32
      %dma_start3A_194 = arith.constant 0 : i32
      %dma_start3A_195 = tpu.memref_slice %arg11[%rem3A_170, %dma_start3A_193, %dma_start3A_194] : memref<2x8x128xf32, #tpu.memory_space<vmem>> -> memref<1x8x128xf32, #tpu.memory_space<vmem>>
      %dma_start3A_196 = tpu.memref_squeeze %dma_start3A_195 : memref<1x8x128xf32, #tpu.memory_space<vmem>> -> memref<8x128xf32, #tpu.memory_space<vmem>>
      tpu.enqueue_dma source(%dma_start3A_196 : memref<8x128xf32, #tpu.memory_space<vmem>>) target(%dma_start3A_192 : memref<8x128xf32, #tpu.memory_space<hbm>>) target_semaphore(%arg17 : memref<!tpu.dma_semaphore, #tpu.memory_space<semaphore_mem>>)
    }
    %scan3A_61 = arith.constant 40 : i32
    %dma_wait3A = arith.constant 0 : i32
    %dma_wait3A_62 = arith.constant 0 : i32
    %dma_wait3A_63 = arith.constant 0 : i32
    %dma_wait3A_64 = tpu.memref_slice %arg11[%dma_wait3A, %dma_wait3A_62, %dma_wait3A_63] : memref<2x8x128xf32, #tpu.memory_space<vmem>> -> memref<1x8x128xf32, #tpu.memory_space<vmem>>
    %dma_wait3A_65 = tpu.memref_squeeze %dma_wait3A_64 : memref<1x8x128xf32, #tpu.memory_space<vmem>> -> memref<8x128xf32, #tpu.memory_space<vmem>>
    %dma_wait3A_66 = arith.constant 0 : i32
    %dma_wait3A_67 = arith.constant 0 : i32
    %dma_wait3A_68 = tpu.memref_slice %arg8[%dma_wait3A_66, %dma_wait3A_67] : memref<10240x128xf32, #tpu.memory_space<hbm>> -> memref<8x128xf32, #tpu.memory_space<hbm>>
    %dma_wait3A_69 = arith.constant 0 : i32
    %dma_wait3A_70 = arith.constant 0 : i32
    %dma_wait3A_71 = tpu.memref_slice %arg8[%dma_wait3A_69, %dma_wait3A_70] : memref<10240x128xf32, #tpu.memory_space<hbm>> -> memref<8x128xf32, #tpu.memory_space<hbm>>
    %dma_wait3A_72 = arith.constant 0 : i32
    %dma_wait3A_73 = arith.constant 0 : i32
    %dma_wait3A_74 = tpu.memref_slice %arg11[%dma_wait3A, %dma_wait3A_72, %dma_wait3A_73] : memref<2x8x128xf32, #tpu.memory_space<vmem>> -> memref<1x8x128xf32, #tpu.memory_space<vmem>>
    %dma_wait3A_75 = tpu.memref_squeeze %dma_wait3A_74 : memref<1x8x128xf32, #tpu.memory_space<vmem>> -> memref<8x128xf32, #tpu.memory_space<vmem>>
    tpu.wait_dma2 semaphore(%arg17 : memref<!tpu.dma_semaphore, #tpu.memory_space<semaphore_mem>>) src(%dma_wait3A_75 : memref<8x128xf32, #tpu.memory_space<vmem>>) dst(%dma_wait3A_71 : memref<8x128xf32, #tpu.memory_space<hbm>>)
    %dma_wait3A_76 = arith.constant 0 : i32
    %dma_wait3A_77 = arith.constant 0 : i32
    %dma_wait3A_78 = arith.constant 0 : i32
    %dma_wait3A_79 = tpu.memref_slice %arg11[%dma_wait3A_76, %dma_wait3A_77, %dma_wait3A_78] : memref<2x8x128xf32, #tpu.memory_space<vmem>> -> memref<1x8x128xf32, #tpu.memory_space<vmem>>
    %dma_wait3A_80 = tpu.memref_squeeze %dma_wait3A_79 : memref<1x8x128xf32, #tpu.memory_space<vmem>> -> memref<8x128xf32, #tpu.memory_space<vmem>>
    %dma_wait3A_81 = arith.constant 0 : i32
    %dma_wait3A_82 = arith.constant 0 : i32
    %dma_wait3A_83 = tpu.memref_slice %arg8[%dma_wait3A_81, %dma_wait3A_82] : memref<10240x128xf32, #tpu.memory_space<hbm>> -> memref<8x128xf32, #tpu.memory_space<hbm>>
    %dma_wait3A_84 = arith.constant 0 : i32
    %dma_wait3A_85 = arith.constant 0 : i32
    %dma_wait3A_86 = tpu.memref_slice %arg8[%dma_wait3A_84, %dma_wait3A_85] : memref<10240x128xf32, #tpu.memory_space<hbm>> -> memref<8x128xf32, #tpu.memory_space<hbm>>
    %dma_wait3A_87 = arith.constant 0 : i32
    %dma_wait3A_88 = arith.constant 0 : i32
    %dma_wait3A_89 = tpu.memref_slice %arg11[%dma_wait3A_76, %dma_wait3A_87, %dma_wait3A_88] : memref<2x8x128xf32, #tpu.memory_space<vmem>> -> memref<1x8x128xf32, #tpu.memory_space<vmem>>
    %dma_wait3A_90 = tpu.memref_squeeze %dma_wait3A_89 : memref<1x8x128xf32, #tpu.memory_space<vmem>> -> memref<8x128xf32, #tpu.memory_space<vmem>>
    tpu.wait_dma2 semaphore(%arg17 : memref<!tpu.dma_semaphore, #tpu.memory_space<semaphore_mem>>) src(%dma_wait3A_90 : memref<8x128xf32, #tpu.memory_space<vmem>>) dst(%dma_wait3A_86 : memref<8x128xf32, #tpu.memory_space<hbm>>)
    %dma_wait3A_91 = arith.constant 0 : i32
    %dma_wait3A_92 = arith.constant 0 : i32
    %dma_wait3A_93 = tpu.memref_slice %arg12[%dma_wait3A_91, %dma_wait3A_92] : memref<160x128xf32, #tpu.memory_space<vmem>> -> memref<64x128xf32, #tpu.memory_space<vmem>>
    %dma_wait3A_94 = arith.constant 0 : i32
    %dma_wait3A_95 = arith.constant 0 : i32
    %dma_wait3A_96 = tpu.memref_slice %arg5[%dma_wait3A_94, %dma_wait3A_95] : memref<100000x128xf32, #tpu.memory_space<hbm>> -> memref<64x128xf32, #tpu.memory_space<hbm>>
    %dma_wait3A_97 = arith.constant 0 : i32
    %dma_wait3A_98 = arith.constant 0 : i32
    %dma_wait3A_99 = tpu.memref_slice %arg12[%dma_wait3A_97, %dma_wait3A_98] : memref<160x128xf32, #tpu.memory_space<vmem>> -> memref<64x128xf32, #tpu.memory_space<vmem>>
    %dma_wait3A_100 = arith.constant 0 : i32
    %dma_wait3A_101 = arith.constant 0 : i32
    %dma_wait3A_102 = tpu.memref_slice %arg5[%dma_wait3A_100, %dma_wait3A_101] : memref<100000x128xf32, #tpu.memory_space<hbm>> -> memref<64x128xf32, #tpu.memory_space<hbm>>
    tpu.wait_dma2 semaphore(%arg16 : memref<!tpu.dma_semaphore, #tpu.memory_space<semaphore_mem>>) src(%dma_wait3A_102 : memref<64x128xf32, #tpu.memory_space<hbm>>) dst(%dma_wait3A_99 : memref<64x128xf32, #tpu.memory_space<vmem>>)
    %dma_wait3A_103 = arith.constant 64 : i32
    %dma_wait3A_104 = arith.constant 0 : i32
    %dma_wait3A_105 = tpu.memref_slice %arg12[%dma_wait3A_103, %dma_wait3A_104] : memref<160x128xf32, #tpu.memory_space<vmem>> -> memref<64x128xf32, #tpu.memory_space<vmem>>
    %dma_wait3A_106 = arith.constant 0 : i32
    %dma_wait3A_107 = arith.constant 0 : i32
    %dma_wait3A_108 = tpu.memref_slice %arg5[%dma_wait3A_106, %dma_wait3A_107] : memref<100000x128xf32, #tpu.memory_space<hbm>> -> memref<64x128xf32, #tpu.memory_space<hbm>>
    %dma_wait3A_109 = arith.constant 64 : i32
    %dma_wait3A_110 = arith.constant 0 : i32
    %dma_wait3A_111 = tpu.memref_slice %arg12[%dma_wait3A_109, %dma_wait3A_110] : memref<160x128xf32, #tpu.memory_space<vmem>> -> memref<64x128xf32, #tpu.memory_space<vmem>>
    %dma_wait3A_112 = arith.constant 0 : i32
    %dma_wait3A_113 = arith.constant 0 : i32
    %dma_wait3A_114 = tpu.memref_slice %arg5[%dma_wait3A_112, %dma_wait3A_113] : memref<100000x128xf32, #tpu.memory_space<hbm>> -> memref<64x128xf32, #tpu.memory_space<hbm>>
    tpu.wait_dma2 semaphore(%arg16 : memref<!tpu.dma_semaphore, #tpu.memory_space<semaphore_mem>>) src(%dma_wait3A_114 : memref<64x128xf32, #tpu.memory_space<hbm>>) dst(%dma_wait3A_111 : memref<64x128xf32, #tpu.memory_space<vmem>>)
    %dma_wait3A_115 = arith.constant 128 : i32
    %dma_wait3A_116 = arith.constant 0 : i32
    %dma_wait3A_117 = tpu.memref_slice %arg12[%dma_wait3A_115, %dma_wait3A_116] : memref<160x128xf32, #tpu.memory_space<vmem>> -> memref<32x128xf32, #tpu.memory_space<vmem>>
    %dma_wait3A_118 = arith.constant 0 : i32
    %dma_wait3A_119 = arith.constant 0 : i32
    %dma_wait3A_120 = tpu.memref_slice %arg5[%dma_wait3A_118, %dma_wait3A_119] : memref<100000x128xf32, #tpu.memory_space<hbm>> -> memref<32x128xf32, #tpu.memory_space<hbm>>
    %dma_wait3A_121 = arith.constant 128 : i32
    %dma_wait3A_122 = arith.constant 0 : i32
    %dma_wait3A_123 = tpu.memref_slice %arg12[%dma_wait3A_121, %dma_wait3A_122] : memref<160x128xf32, #tpu.memory_space<vmem>> -> memref<32x128xf32, #tpu.memory_space<vmem>>
    %dma_wait3A_124 = arith.constant 0 : i32
    %dma_wait3A_125 = arith.constant 0 : i32
    %dma_wait3A_126 = tpu.memref_slice %arg5[%dma_wait3A_124, %dma_wait3A_125] : memref<100000x128xf32, #tpu.memory_space<hbm>> -> memref<32x128xf32, #tpu.memory_space<hbm>>
    tpu.wait_dma2 semaphore(%arg16 : memref<!tpu.dma_semaphore, #tpu.memory_space<semaphore_mem>>) src(%dma_wait3A_126 : memref<32x128xf32, #tpu.memory_space<hbm>>) dst(%dma_wait3A_123 : memref<32x128xf32, #tpu.memory_space<vmem>>)
    %mul3A_127 = arith.constant 320 : i32
    %mul3A_128 = arith.muli %add3A, %mul3A_127 : i32
    %add3A_129 = arith.constant 160 : i32
    %add3A_130 = arith.addi %mul3A_128, %add3A_129 : i32
    "tpu.region"() ({
      %run_scoped3A = tpu.sem_alloc : memref<!tpu.dma_semaphore, #tpu.memory_space<semaphore_mem>>
      %dma_start3A_139 = arith.constant 0 : i32
      %dma_start3A_140 = tpu.memref_slice %arg7[%add3A_130, %dma_start3A_139] : memref<10240x128xf32, #tpu.memory_space<hbm>> -> memref<160x128xf32, #tpu.memory_space<hbm>>
      %dma_start3A_141 = arith.constant 0 : i32
      %dma_start3A_142 = tpu.memref_slice %arg7[%add3A_130, %dma_start3A_141] : memref<10240x128xf32, #tpu.memory_space<hbm>> -> memref<160x128xf32, #tpu.memory_space<hbm>>
      tpu.enqueue_dma source(%arg12 : memref<160x128xf32, #tpu.memory_space<vmem>>) target(%dma_start3A_142 : memref<160x128xf32, #tpu.memory_space<hbm>>) target_semaphore(%run_scoped3A : memref<!tpu.dma_semaphore, #tpu.memory_space<semaphore_mem>>)
      %dma_wait3A_143 = arith.constant 0 : i32
      %dma_wait3A_144 = tpu.memref_slice %arg7[%add3A_130, %dma_wait3A_143] : memref<10240x128xf32, #tpu.memory_space<hbm>> -> memref<160x128xf32, #tpu.memory_space<hbm>>
      %dma_wait3A_145 = arith.constant 0 : i32
      %dma_wait3A_146 = tpu.memref_slice %arg7[%add3A_130, %dma_wait3A_145] : memref<10240x128xf32, #tpu.memory_space<hbm>> -> memref<160x128xf32, #tpu.memory_space<hbm>>
      tpu.wait_dma2 semaphore(%run_scoped3A : memref<!tpu.dma_semaphore, #tpu.memory_space<semaphore_mem>>) src(%arg12 : memref<160x128xf32, #tpu.memory_space<vmem>>) dst(%dma_wait3A_146 : memref<160x128xf32, #tpu.memory_space<hbm>>)
      tpu.yield
    }) : () -> ()
    %dma_wait3A_131 = arith.constant 0 : i32
    %dma_wait3A_132 = arith.constant 0 : i32
    %dma_wait3A_133 = tpu.memref_slice %arg5[%dma_wait3A_131, %dma_wait3A_132] : memref<100000x128xf32, #tpu.memory_space<hbm>> -> memref<32x128xf32, #tpu.memory_space<hbm>>
    %dma_wait3A_134 = arith.constant 0 : i32
    %dma_wait3A_135 = arith.constant 0 : i32
    %dma_wait3A_136 = tpu.memref_slice %arg5[%dma_wait3A_134, %dma_wait3A_135] : memref<100000x128xf32, #tpu.memory_space<hbm>> -> memref<32x128xf32, #tpu.memory_space<hbm>>
    tpu.wait_dma2 semaphore(%arg18 : memref<!tpu.dma_semaphore, #tpu.memory_space<semaphore_mem>>) src(%dma_wait3A_136 : memref<32x128xf32, #tpu.memory_space<hbm>>) dst(%arg13 : memref<32x128xf32, #tpu.memory_space<vmem>>)
    %mul3A_137 = arith.constant 32 : i32
    %mul3A_138 = arith.muli %add3A, %mul3A_137 : i32
    "tpu.region"() ({
      %run_scoped3A = tpu.sem_alloc : memref<!tpu.dma_semaphore, #tpu.memory_space<semaphore_mem>>
      %dma_start3A_139 = arith.constant 0 : i32
      %dma_start3A_140 = tpu.memref_slice %arg6[%mul3A_138, %dma_start3A_139] : memref<1024x128xf32, #tpu.memory_space<hbm>> -> memref<32x128xf32, #tpu.memory_space<hbm>>
      %dma_start3A_141 = arith.constant 0 : i32
      %dma_start3A_142 = tpu.memref_slice %arg6[%mul3A_138, %dma_start3A_141] : memref<1024x128xf32, #tpu.memory_space<hbm>> -> memref<32x128xf32, #tpu.memory_space<hbm>>
      tpu.enqueue_dma source(%arg13 : memref<32x128xf32, #tpu.memory_space<vmem>>) target(%dma_start3A_142 : memref<32x128xf32, #tpu.memory_space<hbm>>) target_semaphore(%run_scoped3A : memref<!tpu.dma_semaphore, #tpu.memory_space<semaphore_mem>>)
      %dma_wait3A_143 = arith.constant 0 : i32
      %dma_wait3A_144 = tpu.memref_slice %arg6[%mul3A_138, %dma_wait3A_143] : memref<1024x128xf32, #tpu.memory_space<hbm>> -> memref<32x128xf32, #tpu.memory_space<hbm>>
      %dma_wait3A_145 = arith.constant 0 : i32
      %dma_wait3A_146 = tpu.memref_slice %arg6[%mul3A_138, %dma_wait3A_145] : memref<1024x128xf32, #tpu.memory_space<hbm>> -> memref<32x128xf32, #tpu.memory_space<hbm>>
      tpu.wait_dma2 semaphore(%run_scoped3A : memref<!tpu.dma_semaphore, #tpu.memory_space<semaphore_mem>>) src(%arg13 : memref<32x128xf32, #tpu.memory_space<vmem>>) dst(%dma_wait3A_146 : memref<32x128xf32, #tpu.memory_space<hbm>>)
      tpu.yield
    }) : () -> ()
    return
  }
}

module attributes {stable_mosaic.version = 14 : i64} {
  func.func @_tc_body(%arg0: memref<1024x128xf32, #tpu.memory_space<vmem>>, %arg1: memref<10240x128xf32, #tpu.memory_space<vmem>>, %arg2: memref<10240x128xf32, #tpu.memory_space<vmem>>, %arg3: memref<128x1280xf32, #tpu.memory_space<vmem>>, %arg4: memref<128x128xf32, #tpu.memory_space<vmem>>, %arg5: memref<128x128xf32, #tpu.memory_space<vmem>>, %arg6: memref<256x128xf32, #tpu.memory_space<vmem>>, %arg7: memref<256x128xf32, #tpu.memory_space<vmem>>, %arg8: memref<256x128xf32, #tpu.memory_space<vmem>>, %arg9: memref<1x128xf32, #tpu.memory_space<vmem>>, %arg10: memref<1024x128xf32, #tpu.memory_space<vmem>>) attributes {dimension_semantics = [], scalar_prefetch = 0 : i64, scratch_operands = 0 : i64, tpu.core_type = #tpu.core_type<tc>} {
    %get3A = arith.constant 0 : index
    %get3A_0 = arith.constant 0 : index
    %get3A_1 = vector.load %arg3[%get3A, %get3A_0] : memref<128x1280xf32, #tpu.memory_space<vmem>>, vector<128x1280xf32>
    %get3A_2 = arith.constant 0 : index
    %get3A_3 = arith.constant 0 : index
    %get3A_4 = vector.load %arg4[%get3A_2, %get3A_3] : memref<128x128xf32, #tpu.memory_space<vmem>>, vector<128x128xf32>
    %get3A_5 = arith.constant 0 : index
    %get3A_6 = arith.constant 0 : index
    %get3A_7 = vector.load %arg5[%get3A_5, %get3A_6] : memref<128x128xf32, #tpu.memory_space<vmem>>, vector<128x128xf32>
    %mul3A = arith.constant 4.000000e-02 : f32
    %mul3A_8 = vector.broadcast %mul3A : f32 to vector<128x128xf32>
    %mul3A_9 = arith.mulf %get3A_7, %mul3A_8 : vector<128x128xf32>
    %get3A_10 = arith.constant 0 : index
    %get3A_11 = arith.constant 0 : index
    %get3A_12 = vector.load %arg1[%get3A_10, %get3A_11] : memref<10240x128xf32, #tpu.memory_space<vmem>>, vector<1280x128xf32>
    %get3A_13 = arith.constant 0 : index
    %get3A_14 = arith.constant 0 : index
    %get3A_15 = vector.load %arg2[%get3A_13, %get3A_14] : memref<10240x128xf32, #tpu.memory_space<vmem>>, vector<1280x128xf32>
    %dot_general3A = arith.constant dense<0.000000e+00> : vector<1280x128xf32>
    %dot_general3A_16 = tpu.matmul %get3A_12, %get3A_4, %dot_general3A {dimension_numbers = #tpu.dot_dimension_numbers<[1], [0], [0], [1], [0, 0, 1, 1], [], []>, transpose_lhs_hint = false} : vector<1280x128xf32>, vector<128x128xf32>, vector<1280x128xf32> -> vector<1280x128xf32>
    %max3A = arith.constant 0.000000e+00 : f32
    %max3A_17 = vector.broadcast %max3A : f32 to vector<1280x128xf32>
    %max3A_18 = arith.maximumf %dot_general3A_16, %max3A_17 : vector<1280x128xf32>
    %dot_general3A_19 = arith.constant dense<0.000000e+00> : vector<1280x128xf32>
    %dot_general3A_20 = tpu.matmul %get3A_15, %mul3A_9, %dot_general3A_19 {dimension_numbers = #tpu.dot_dimension_numbers<[1], [0], [0], [1], [0, 0, 1, 1], [], []>, transpose_lhs_hint = false} : vector<1280x128xf32>, vector<128x128xf32>, vector<1280x128xf32> -> vector<1280x128xf32>
    %max3A_21 = arith.constant 0.000000e+00 : f32
    %max3A_22 = vector.broadcast %max3A_21 : f32 to vector<1280x128xf32>
    %max3A_23 = arith.maximumf %dot_general3A_20, %max3A_22 : vector<1280x128xf32>
    %dot_general3A_24 = arith.constant dense<0.000000e+00> : vector<128x128xf32>
    %dot_general3A_25 = tpu.matmul %get3A_1, %get3A_12, %dot_general3A_24 {dimension_numbers = #tpu.dot_dimension_numbers<[1], [0], [0], [1], [0, 0, 1, 1], [], []>, transpose_lhs_hint = false} : vector<128x1280xf32>, vector<1280x128xf32>, vector<128x128xf32> -> vector<128x128xf32>
    %dot_general3A_26 = arith.constant dense<0.000000e+00> : vector<128x128xf32>
    %dot_general3A_27 = tpu.matmul %get3A_1, %max3A_18, %dot_general3A_26 {dimension_numbers = #tpu.dot_dimension_numbers<[1], [0], [0], [1], [0, 0, 1, 1], [], []>, transpose_lhs_hint = false} : vector<128x1280xf32>, vector<1280x128xf32>, vector<128x128xf32> -> vector<128x128xf32>
    %dot_general3A_28 = arith.constant dense<0.000000e+00> : vector<128x128xf32>
    %dot_general3A_29 = tpu.matmul %get3A_1, %max3A_23, %dot_general3A_28 {dimension_numbers = #tpu.dot_dimension_numbers<[1], [0], [0], [1], [0, 0, 1, 1], [], []>, transpose_lhs_hint = false} : vector<128x1280xf32>, vector<1280x128xf32>, vector<128x128xf32> -> vector<128x128xf32>
    %get3A_30 = arith.constant 1280 : index
    %get3A_31 = arith.constant 0 : index
    %get3A_32 = vector.load %arg1[%get3A_30, %get3A_31] : memref<10240x128xf32, #tpu.memory_space<vmem>>, vector<1280x128xf32>
    %get3A_33 = arith.constant 1280 : index
    %get3A_34 = arith.constant 0 : index
    %get3A_35 = vector.load %arg2[%get3A_33, %get3A_34] : memref<10240x128xf32, #tpu.memory_space<vmem>>, vector<1280x128xf32>
    %dot_general3A_36 = arith.constant dense<0.000000e+00> : vector<1280x128xf32>
    %dot_general3A_37 = tpu.matmul %get3A_32, %get3A_4, %dot_general3A_36 {dimension_numbers = #tpu.dot_dimension_numbers<[1], [0], [0], [1], [0, 0, 1, 1], [], []>, transpose_lhs_hint = false} : vector<1280x128xf32>, vector<128x128xf32>, vector<1280x128xf32> -> vector<1280x128xf32>
    %max3A_38 = arith.constant 0.000000e+00 : f32
    %max3A_39 = vector.broadcast %max3A_38 : f32 to vector<1280x128xf32>
    %max3A_40 = arith.maximumf %dot_general3A_37, %max3A_39 : vector<1280x128xf32>
    %dot_general3A_41 = arith.constant dense<0.000000e+00> : vector<1280x128xf32>
    %dot_general3A_42 = tpu.matmul %get3A_35, %mul3A_9, %dot_general3A_41 {dimension_numbers = #tpu.dot_dimension_numbers<[1], [0], [0], [1], [0, 0, 1, 1], [], []>, transpose_lhs_hint = false} : vector<1280x128xf32>, vector<128x128xf32>, vector<1280x128xf32> -> vector<1280x128xf32>
    %max3A_43 = arith.constant 0.000000e+00 : f32
    %max3A_44 = vector.broadcast %max3A_43 : f32 to vector<1280x128xf32>
    %max3A_45 = arith.maximumf %dot_general3A_42, %max3A_44 : vector<1280x128xf32>
    %dot_general3A_46 = arith.constant dense<0.000000e+00> : vector<128x128xf32>
    %dot_general3A_47 = tpu.matmul %get3A_1, %get3A_32, %dot_general3A_46 {dimension_numbers = #tpu.dot_dimension_numbers<[1], [0], [0], [1], [0, 0, 1, 1], [], []>, transpose_lhs_hint = false} : vector<128x1280xf32>, vector<1280x128xf32>, vector<128x128xf32> -> vector<128x128xf32>
    %dot_general3A_48 = arith.constant dense<0.000000e+00> : vector<128x128xf32>
    %dot_general3A_49 = tpu.matmul %get3A_1, %max3A_40, %dot_general3A_48 {dimension_numbers = #tpu.dot_dimension_numbers<[1], [0], [0], [1], [0, 0, 1, 1], [], []>, transpose_lhs_hint = false} : vector<128x1280xf32>, vector<1280x128xf32>, vector<128x128xf32> -> vector<128x128xf32>
    %dot_general3A_50 = arith.constant dense<0.000000e+00> : vector<128x128xf32>
    %dot_general3A_51 = tpu.matmul %get3A_1, %max3A_45, %dot_general3A_50 {dimension_numbers = #tpu.dot_dimension_numbers<[1], [0], [0], [1], [0, 0, 1, 1], [], []>, transpose_lhs_hint = false} : vector<128x1280xf32>, vector<1280x128xf32>, vector<128x128xf32> -> vector<128x128xf32>
    %get3A_52 = arith.constant 2560 : index
    %get3A_53 = arith.constant 0 : index
    %get3A_54 = vector.load %arg1[%get3A_52, %get3A_53] : memref<10240x128xf32, #tpu.memory_space<vmem>>, vector<1280x128xf32>
    %get3A_55 = arith.constant 2560 : index
    %get3A_56 = arith.constant 0 : index
    %get3A_57 = vector.load %arg2[%get3A_55, %get3A_56] : memref<10240x128xf32, #tpu.memory_space<vmem>>, vector<1280x128xf32>
    %dot_general3A_58 = arith.constant dense<0.000000e+00> : vector<1280x128xf32>
    %dot_general3A_59 = tpu.matmul %get3A_54, %get3A_4, %dot_general3A_58 {dimension_numbers = #tpu.dot_dimension_numbers<[1], [0], [0], [1], [0, 0, 1, 1], [], []>, transpose_lhs_hint = false} : vector<1280x128xf32>, vector<128x128xf32>, vector<1280x128xf32> -> vector<1280x128xf32>
    %max3A_60 = arith.constant 0.000000e+00 : f32
    %max3A_61 = vector.broadcast %max3A_60 : f32 to vector<1280x128xf32>
    %max3A_62 = arith.maximumf %dot_general3A_59, %max3A_61 : vector<1280x128xf32>
    %dot_general3A_63 = arith.constant dense<0.000000e+00> : vector<1280x128xf32>
    %dot_general3A_64 = tpu.matmul %get3A_57, %mul3A_9, %dot_general3A_63 {dimension_numbers = #tpu.dot_dimension_numbers<[1], [0], [0], [1], [0, 0, 1, 1], [], []>, transpose_lhs_hint = false} : vector<1280x128xf32>, vector<128x128xf32>, vector<1280x128xf32> -> vector<1280x128xf32>
    %max3A_65 = arith.constant 0.000000e+00 : f32
    %max3A_66 = vector.broadcast %max3A_65 : f32 to vector<1280x128xf32>
    %max3A_67 = arith.maximumf %dot_general3A_64, %max3A_66 : vector<1280x128xf32>
    %dot_general3A_68 = arith.constant dense<0.000000e+00> : vector<128x128xf32>
    %dot_general3A_69 = tpu.matmul %get3A_1, %get3A_54, %dot_general3A_68 {dimension_numbers = #tpu.dot_dimension_numbers<[1], [0], [0], [1], [0, 0, 1, 1], [], []>, transpose_lhs_hint = false} : vector<128x1280xf32>, vector<1280x128xf32>, vector<128x128xf32> -> vector<128x128xf32>
    %dot_general3A_70 = arith.constant dense<0.000000e+00> : vector<128x128xf32>
    %dot_general3A_71 = tpu.matmul %get3A_1, %max3A_62, %dot_general3A_70 {dimension_numbers = #tpu.dot_dimension_numbers<[1], [0], [0], [1], [0, 0, 1, 1], [], []>, transpose_lhs_hint = false} : vector<128x1280xf32>, vector<1280x128xf32>, vector<128x128xf32> -> vector<128x128xf32>
    %dot_general3A_72 = arith.constant dense<0.000000e+00> : vector<128x128xf32>
    %dot_general3A_73 = tpu.matmul %get3A_1, %max3A_67, %dot_general3A_72 {dimension_numbers = #tpu.dot_dimension_numbers<[1], [0], [0], [1], [0, 0, 1, 1], [], []>, transpose_lhs_hint = false} : vector<128x1280xf32>, vector<1280x128xf32>, vector<128x128xf32> -> vector<128x128xf32>
    %get3A_74 = arith.constant 3840 : index
    %get3A_75 = arith.constant 0 : index
    %get3A_76 = vector.load %arg1[%get3A_74, %get3A_75] : memref<10240x128xf32, #tpu.memory_space<vmem>>, vector<1280x128xf32>
    %get3A_77 = arith.constant 3840 : index
    %get3A_78 = arith.constant 0 : index
    %get3A_79 = vector.load %arg2[%get3A_77, %get3A_78] : memref<10240x128xf32, #tpu.memory_space<vmem>>, vector<1280x128xf32>
    %dot_general3A_80 = arith.constant dense<0.000000e+00> : vector<1280x128xf32>
    %dot_general3A_81 = tpu.matmul %get3A_76, %get3A_4, %dot_general3A_80 {dimension_numbers = #tpu.dot_dimension_numbers<[1], [0], [0], [1], [0, 0, 1, 1], [], []>, transpose_lhs_hint = false} : vector<1280x128xf32>, vector<128x128xf32>, vector<1280x128xf32> -> vector<1280x128xf32>
    %max3A_82 = arith.constant 0.000000e+00 : f32
    %max3A_83 = vector.broadcast %max3A_82 : f32 to vector<1280x128xf32>
    %max3A_84 = arith.maximumf %dot_general3A_81, %max3A_83 : vector<1280x128xf32>
    %dot_general3A_85 = arith.constant dense<0.000000e+00> : vector<1280x128xf32>
    %dot_general3A_86 = tpu.matmul %get3A_79, %mul3A_9, %dot_general3A_85 {dimension_numbers = #tpu.dot_dimension_numbers<[1], [0], [0], [1], [0, 0, 1, 1], [], []>, transpose_lhs_hint = false} : vector<1280x128xf32>, vector<128x128xf32>, vector<1280x128xf32> -> vector<1280x128xf32>
    %max3A_87 = arith.constant 0.000000e+00 : f32
    %max3A_88 = vector.broadcast %max3A_87 : f32 to vector<1280x128xf32>
    %max3A_89 = arith.maximumf %dot_general3A_86, %max3A_88 : vector<1280x128xf32>
    %dot_general3A_90 = arith.constant dense<0.000000e+00> : vector<128x128xf32>
    %dot_general3A_91 = tpu.matmul %get3A_1, %get3A_76, %dot_general3A_90 {dimension_numbers = #tpu.dot_dimension_numbers<[1], [0], [0], [1], [0, 0, 1, 1], [], []>, transpose_lhs_hint = false} : vector<128x1280xf32>, vector<1280x128xf32>, vector<128x128xf32> -> vector<128x128xf32>
    %dot_general3A_92 = arith.constant dense<0.000000e+00> : vector<128x128xf32>
    %dot_general3A_93 = tpu.matmul %get3A_1, %max3A_84, %dot_general3A_92 {dimension_numbers = #tpu.dot_dimension_numbers<[1], [0], [0], [1], [0, 0, 1, 1], [], []>, transpose_lhs_hint = false} : vector<128x1280xf32>, vector<1280x128xf32>, vector<128x128xf32> -> vector<128x128xf32>
    %dot_general3A_94 = arith.constant dense<0.000000e+00> : vector<128x128xf32>
    %dot_general3A_95 = tpu.matmul %get3A_1, %max3A_89, %dot_general3A_94 {dimension_numbers = #tpu.dot_dimension_numbers<[1], [0], [0], [1], [0, 0, 1, 1], [], []>, transpose_lhs_hint = false} : vector<128x1280xf32>, vector<1280x128xf32>, vector<128x128xf32> -> vector<128x128xf32>
    %get3A_96 = arith.constant 5120 : index
    %get3A_97 = arith.constant 0 : index
    %get3A_98 = vector.load %arg1[%get3A_96, %get3A_97] : memref<10240x128xf32, #tpu.memory_space<vmem>>, vector<1280x128xf32>
    %get3A_99 = arith.constant 5120 : index
    %get3A_100 = arith.constant 0 : index
    %get3A_101 = vector.load %arg2[%get3A_99, %get3A_100] : memref<10240x128xf32, #tpu.memory_space<vmem>>, vector<1280x128xf32>
    %dot_general3A_102 = arith.constant dense<0.000000e+00> : vector<1280x128xf32>
    %dot_general3A_103 = tpu.matmul %get3A_98, %get3A_4, %dot_general3A_102 {dimension_numbers = #tpu.dot_dimension_numbers<[1], [0], [0], [1], [0, 0, 1, 1], [], []>, transpose_lhs_hint = false} : vector<1280x128xf32>, vector<128x128xf32>, vector<1280x128xf32> -> vector<1280x128xf32>
    %max3A_104 = arith.constant 0.000000e+00 : f32
    %max3A_105 = vector.broadcast %max3A_104 : f32 to vector<1280x128xf32>
    %max3A_106 = arith.maximumf %dot_general3A_103, %max3A_105 : vector<1280x128xf32>
    %dot_general3A_107 = arith.constant dense<0.000000e+00> : vector<1280x128xf32>
    %dot_general3A_108 = tpu.matmul %get3A_101, %mul3A_9, %dot_general3A_107 {dimension_numbers = #tpu.dot_dimension_numbers<[1], [0], [0], [1], [0, 0, 1, 1], [], []>, transpose_lhs_hint = false} : vector<1280x128xf32>, vector<128x128xf32>, vector<1280x128xf32> -> vector<1280x128xf32>
    %max3A_109 = arith.constant 0.000000e+00 : f32
    %max3A_110 = vector.broadcast %max3A_109 : f32 to vector<1280x128xf32>
    %max3A_111 = arith.maximumf %dot_general3A_108, %max3A_110 : vector<1280x128xf32>
    %dot_general3A_112 = arith.constant dense<0.000000e+00> : vector<128x128xf32>
    %dot_general3A_113 = tpu.matmul %get3A_1, %get3A_98, %dot_general3A_112 {dimension_numbers = #tpu.dot_dimension_numbers<[1], [0], [0], [1], [0, 0, 1, 1], [], []>, transpose_lhs_hint = false} : vector<128x1280xf32>, vector<1280x128xf32>, vector<128x128xf32> -> vector<128x128xf32>
    %dot_general3A_114 = arith.constant dense<0.000000e+00> : vector<128x128xf32>
    %dot_general3A_115 = tpu.matmul %get3A_1, %max3A_106, %dot_general3A_114 {dimension_numbers = #tpu.dot_dimension_numbers<[1], [0], [0], [1], [0, 0, 1, 1], [], []>, transpose_lhs_hint = false} : vector<128x1280xf32>, vector<1280x128xf32>, vector<128x128xf32> -> vector<128x128xf32>
    %dot_general3A_116 = arith.constant dense<0.000000e+00> : vector<128x128xf32>
    %dot_general3A_117 = tpu.matmul %get3A_1, %max3A_111, %dot_general3A_116 {dimension_numbers = #tpu.dot_dimension_numbers<[1], [0], [0], [1], [0, 0, 1, 1], [], []>, transpose_lhs_hint = false} : vector<128x1280xf32>, vector<1280x128xf32>, vector<128x128xf32> -> vector<128x128xf32>
    %get3A_118 = arith.constant 6400 : index
    %get3A_119 = arith.constant 0 : index
    %get3A_120 = vector.load %arg1[%get3A_118, %get3A_119] : memref<10240x128xf32, #tpu.memory_space<vmem>>, vector<1280x128xf32>
    %get3A_121 = arith.constant 6400 : index
    %get3A_122 = arith.constant 0 : index
    %get3A_123 = vector.load %arg2[%get3A_121, %get3A_122] : memref<10240x128xf32, #tpu.memory_space<vmem>>, vector<1280x128xf32>
    %dot_general3A_124 = arith.constant dense<0.000000e+00> : vector<1280x128xf32>
    %dot_general3A_125 = tpu.matmul %get3A_120, %get3A_4, %dot_general3A_124 {dimension_numbers = #tpu.dot_dimension_numbers<[1], [0], [0], [1], [0, 0, 1, 1], [], []>, transpose_lhs_hint = false} : vector<1280x128xf32>, vector<128x128xf32>, vector<1280x128xf32> -> vector<1280x128xf32>
    %max3A_126 = arith.constant 0.000000e+00 : f32
    %max3A_127 = vector.broadcast %max3A_126 : f32 to vector<1280x128xf32>
    %max3A_128 = arith.maximumf %dot_general3A_125, %max3A_127 : vector<1280x128xf32>
    %dot_general3A_129 = arith.constant dense<0.000000e+00> : vector<1280x128xf32>
    %dot_general3A_130 = tpu.matmul %get3A_123, %mul3A_9, %dot_general3A_129 {dimension_numbers = #tpu.dot_dimension_numbers<[1], [0], [0], [1], [0, 0, 1, 1], [], []>, transpose_lhs_hint = false} : vector<1280x128xf32>, vector<128x128xf32>, vector<1280x128xf32> -> vector<1280x128xf32>
    %max3A_131 = arith.constant 0.000000e+00 : f32
    %max3A_132 = vector.broadcast %max3A_131 : f32 to vector<1280x128xf32>
    %max3A_133 = arith.maximumf %dot_general3A_130, %max3A_132 : vector<1280x128xf32>
    %dot_general3A_134 = arith.constant dense<0.000000e+00> : vector<128x128xf32>
    %dot_general3A_135 = tpu.matmul %get3A_1, %get3A_120, %dot_general3A_134 {dimension_numbers = #tpu.dot_dimension_numbers<[1], [0], [0], [1], [0, 0, 1, 1], [], []>, transpose_lhs_hint = false} : vector<128x1280xf32>, vector<1280x128xf32>, vector<128x128xf32> -> vector<128x128xf32>
    %dot_general3A_136 = arith.constant dense<0.000000e+00> : vector<128x128xf32>
    %dot_general3A_137 = tpu.matmul %get3A_1, %max3A_128, %dot_general3A_136 {dimension_numbers = #tpu.dot_dimension_numbers<[1], [0], [0], [1], [0, 0, 1, 1], [], []>, transpose_lhs_hint = false} : vector<128x1280xf32>, vector<1280x128xf32>, vector<128x128xf32> -> vector<128x128xf32>
    %dot_general3A_138 = arith.constant dense<0.000000e+00> : vector<128x128xf32>
    %dot_general3A_139 = tpu.matmul %get3A_1, %max3A_133, %dot_general3A_138 {dimension_numbers = #tpu.dot_dimension_numbers<[1], [0], [0], [1], [0, 0, 1, 1], [], []>, transpose_lhs_hint = false} : vector<128x1280xf32>, vector<1280x128xf32>, vector<128x128xf32> -> vector<128x128xf32>
    %get3A_140 = arith.constant 7680 : index
    %get3A_141 = arith.constant 0 : index
    %get3A_142 = vector.load %arg1[%get3A_140, %get3A_141] : memref<10240x128xf32, #tpu.memory_space<vmem>>, vector<1280x128xf32>
    %get3A_143 = arith.constant 7680 : index
    %get3A_144 = arith.constant 0 : index
    %get3A_145 = vector.load %arg2[%get3A_143, %get3A_144] : memref<10240x128xf32, #tpu.memory_space<vmem>>, vector<1280x128xf32>
    %dot_general3A_146 = arith.constant dense<0.000000e+00> : vector<1280x128xf32>
    %dot_general3A_147 = tpu.matmul %get3A_142, %get3A_4, %dot_general3A_146 {dimension_numbers = #tpu.dot_dimension_numbers<[1], [0], [0], [1], [0, 0, 1, 1], [], []>, transpose_lhs_hint = false} : vector<1280x128xf32>, vector<128x128xf32>, vector<1280x128xf32> -> vector<1280x128xf32>
    %max3A_148 = arith.constant 0.000000e+00 : f32
    %max3A_149 = vector.broadcast %max3A_148 : f32 to vector<1280x128xf32>
    %max3A_150 = arith.maximumf %dot_general3A_147, %max3A_149 : vector<1280x128xf32>
    %dot_general3A_151 = arith.constant dense<0.000000e+00> : vector<1280x128xf32>
    %dot_general3A_152 = tpu.matmul %get3A_145, %mul3A_9, %dot_general3A_151 {dimension_numbers = #tpu.dot_dimension_numbers<[1], [0], [0], [1], [0, 0, 1, 1], [], []>, transpose_lhs_hint = false} : vector<1280x128xf32>, vector<128x128xf32>, vector<1280x128xf32> -> vector<1280x128xf32>
    %max3A_153 = arith.constant 0.000000e+00 : f32
    %max3A_154 = vector.broadcast %max3A_153 : f32 to vector<1280x128xf32>
    %max3A_155 = arith.maximumf %dot_general3A_152, %max3A_154 : vector<1280x128xf32>
    %dot_general3A_156 = arith.constant dense<0.000000e+00> : vector<128x128xf32>
    %dot_general3A_157 = tpu.matmul %get3A_1, %get3A_142, %dot_general3A_156 {dimension_numbers = #tpu.dot_dimension_numbers<[1], [0], [0], [1], [0, 0, 1, 1], [], []>, transpose_lhs_hint = false} : vector<128x1280xf32>, vector<1280x128xf32>, vector<128x128xf32> -> vector<128x128xf32>
    %dot_general3A_158 = arith.constant dense<0.000000e+00> : vector<128x128xf32>
    %dot_general3A_159 = tpu.matmul %get3A_1, %max3A_150, %dot_general3A_158 {dimension_numbers = #tpu.dot_dimension_numbers<[1], [0], [0], [1], [0, 0, 1, 1], [], []>, transpose_lhs_hint = false} : vector<128x1280xf32>, vector<1280x128xf32>, vector<128x128xf32> -> vector<128x128xf32>
    %dot_general3A_160 = arith.constant dense<0.000000e+00> : vector<128x128xf32>
    %dot_general3A_161 = tpu.matmul %get3A_1, %max3A_155, %dot_general3A_160 {dimension_numbers = #tpu.dot_dimension_numbers<[1], [0], [0], [1], [0, 0, 1, 1], [], []>, transpose_lhs_hint = false} : vector<128x1280xf32>, vector<1280x128xf32>, vector<128x128xf32> -> vector<128x128xf32>
    %get3A_162 = arith.constant 8960 : index
    %get3A_163 = arith.constant 0 : index
    %get3A_164 = vector.load %arg1[%get3A_162, %get3A_163] : memref<10240x128xf32, #tpu.memory_space<vmem>>, vector<1280x128xf32>
    %get3A_165 = arith.constant 8960 : index
    %get3A_166 = arith.constant 0 : index
    %get3A_167 = vector.load %arg2[%get3A_165, %get3A_166] : memref<10240x128xf32, #tpu.memory_space<vmem>>, vector<1280x128xf32>
    %dot_general3A_168 = arith.constant dense<0.000000e+00> : vector<1280x128xf32>
    %dot_general3A_169 = tpu.matmul %get3A_164, %get3A_4, %dot_general3A_168 {dimension_numbers = #tpu.dot_dimension_numbers<[1], [0], [0], [1], [0, 0, 1, 1], [], []>, transpose_lhs_hint = false} : vector<1280x128xf32>, vector<128x128xf32>, vector<1280x128xf32> -> vector<1280x128xf32>
    %max3A_170 = arith.constant 0.000000e+00 : f32
    %max3A_171 = vector.broadcast %max3A_170 : f32 to vector<1280x128xf32>
    %max3A_172 = arith.maximumf %dot_general3A_169, %max3A_171 : vector<1280x128xf32>
    %dot_general3A_173 = arith.constant dense<0.000000e+00> : vector<1280x128xf32>
    %dot_general3A_174 = tpu.matmul %get3A_167, %mul3A_9, %dot_general3A_173 {dimension_numbers = #tpu.dot_dimension_numbers<[1], [0], [0], [1], [0, 0, 1, 1], [], []>, transpose_lhs_hint = false} : vector<1280x128xf32>, vector<128x128xf32>, vector<1280x128xf32> -> vector<1280x128xf32>
    %max3A_175 = arith.constant 0.000000e+00 : f32
    %max3A_176 = vector.broadcast %max3A_175 : f32 to vector<1280x128xf32>
    %max3A_177 = arith.maximumf %dot_general3A_174, %max3A_176 : vector<1280x128xf32>
    %dot_general3A_178 = arith.constant dense<0.000000e+00> : vector<128x128xf32>
    %dot_general3A_179 = tpu.matmul %get3A_1, %get3A_164, %dot_general3A_178 {dimension_numbers = #tpu.dot_dimension_numbers<[1], [0], [0], [1], [0, 0, 1, 1], [], []>, transpose_lhs_hint = false} : vector<128x1280xf32>, vector<1280x128xf32>, vector<128x128xf32> -> vector<128x128xf32>
    %dot_general3A_180 = arith.constant dense<0.000000e+00> : vector<128x128xf32>
    %dot_general3A_181 = tpu.matmul %get3A_1, %max3A_172, %dot_general3A_180 {dimension_numbers = #tpu.dot_dimension_numbers<[1], [0], [0], [1], [0, 0, 1, 1], [], []>, transpose_lhs_hint = false} : vector<128x1280xf32>, vector<1280x128xf32>, vector<128x128xf32> -> vector<128x128xf32>
    %dot_general3A_182 = arith.constant dense<0.000000e+00> : vector<128x128xf32>
    %dot_general3A_183 = tpu.matmul %get3A_1, %max3A_177, %dot_general3A_182 {dimension_numbers = #tpu.dot_dimension_numbers<[1], [0], [0], [1], [0, 0, 1, 1], [], []>, transpose_lhs_hint = false} : vector<128x1280xf32>, vector<1280x128xf32>, vector<128x128xf32> -> vector<128x128xf32>
    %concatenate3A = tpu.concatenate %dot_general3A_25, %dot_general3A_47, %dot_general3A_69, %dot_general3A_91, %dot_general3A_113, %dot_general3A_135, %dot_general3A_157, %dot_general3A_179 in 0 : vector<128x128xf32>, vector<128x128xf32>, vector<128x128xf32>, vector<128x128xf32>, vector<128x128xf32>, vector<128x128xf32>, vector<128x128xf32>, vector<128x128xf32> -> vector<1024x128xf32>
    %concatenate3A_184 = tpu.concatenate %dot_general3A_27, %dot_general3A_49, %dot_general3A_71, %dot_general3A_93, %dot_general3A_115, %dot_general3A_137, %dot_general3A_159, %dot_general3A_181 in 0 : vector<128x128xf32>, vector<128x128xf32>, vector<128x128xf32>, vector<128x128xf32>, vector<128x128xf32>, vector<128x128xf32>, vector<128x128xf32>, vector<128x128xf32> -> vector<1024x128xf32>
    %concatenate3A_185 = tpu.concatenate %dot_general3A_29, %dot_general3A_51, %dot_general3A_73, %dot_general3A_95, %dot_general3A_117, %dot_general3A_139, %dot_general3A_161, %dot_general3A_183 in 0 : vector<128x128xf32>, vector<128x128xf32>, vector<128x128xf32>, vector<128x128xf32>, vector<128x128xf32>, vector<128x128xf32>, vector<128x128xf32>, vector<128x128xf32> -> vector<1024x128xf32>
    %get3A_186 = arith.constant 0 : index
    %get3A_187 = arith.constant 0 : index
    %get3A_188 = vector.load %arg0[%get3A_186, %get3A_187] : memref<1024x128xf32, #tpu.memory_space<vmem>>, vector<1024x128xf32>
    %dot_general3A_189 = arith.constant dense<0.000000e+00> : vector<1024x128xf32>
    %dot_general3A_190 = tpu.matmul %get3A_188, %get3A_4, %dot_general3A_189 {dimension_numbers = #tpu.dot_dimension_numbers<[1], [0], [0], [1], [0, 0, 1, 1], [], []>, transpose_lhs_hint = false} : vector<1024x128xf32>, vector<128x128xf32>, vector<1024x128xf32> -> vector<1024x128xf32>
    %max3A_191 = arith.constant 0.000000e+00 : f32
    %max3A_192 = vector.broadcast %max3A_191 : f32 to vector<1024x128xf32>
    %max3A_193 = arith.maximumf %dot_general3A_190, %max3A_192 : vector<1024x128xf32>
    %get3A_194 = arith.constant 0 : index
    %get3A_195 = arith.constant 0 : index
    %get3A_196 = vector.load %arg5[%get3A_194, %get3A_195] : memref<128x128xf32, #tpu.memory_space<vmem>>, vector<128x128xf32>
    %dot_general3A_197 = arith.constant dense<0.000000e+00> : vector<1024x128xf32>
    %dot_general3A_198 = tpu.matmul %concatenate3A, %get3A_196, %dot_general3A_197 {dimension_numbers = #tpu.dot_dimension_numbers<[1], [0], [0], [1], [0, 0, 1, 1], [], []>, transpose_lhs_hint = false} : vector<1024x128xf32>, vector<128x128xf32>, vector<1024x128xf32> -> vector<1024x128xf32>
    %max3A_199 = arith.constant 0.000000e+00 : f32
    %max3A_200 = vector.broadcast %max3A_199 : f32 to vector<1024x128xf32>
    %max3A_201 = arith.maximumf %dot_general3A_198, %max3A_200 : vector<1024x128xf32>
    %get3A_202 = arith.constant 0 : index
    %get3A_203 = arith.constant 0 : index
    %get3A_204 = vector.load %arg6[%get3A_202, %get3A_203] : memref<256x128xf32, #tpu.memory_space<vmem>>, vector<128x128xf32>
    %dot_general3A_205 = arith.constant dense<0.000000e+00> : vector<1024x128xf32>
    %dot_general3A_206 = tpu.matmul %max3A_193, %get3A_204, %dot_general3A_205 {dimension_numbers = #tpu.dot_dimension_numbers<[1], [0], [0], [1], [0, 0, 1, 1], [], []>, transpose_lhs_hint = false} : vector<1024x128xf32>, vector<128x128xf32>, vector<1024x128xf32> -> vector<1024x128xf32>
    %get3A_207 = arith.constant 128 : index
    %get3A_208 = arith.constant 0 : index
    %get3A_209 = vector.load %arg6[%get3A_207, %get3A_208] : memref<256x128xf32, #tpu.memory_space<vmem>>, vector<128x128xf32>
    %dot_general3A_210 = arith.constant dense<0.000000e+00> : vector<1024x128xf32>
    %dot_general3A_211 = tpu.matmul %max3A_201, %get3A_209, %dot_general3A_210 {dimension_numbers = #tpu.dot_dimension_numbers<[1], [0], [0], [1], [0, 0, 1, 1], [], []>, transpose_lhs_hint = false} : vector<1024x128xf32>, vector<128x128xf32>, vector<1024x128xf32> -> vector<1024x128xf32>
    %add3A = arith.addf %dot_general3A_206, %dot_general3A_211 : vector<1024x128xf32>
    %get3A_212 = arith.constant 0 : index
    %get3A_213 = arith.constant 0 : index
    %get3A_214 = vector.load %arg7[%get3A_212, %get3A_213] : memref<256x128xf32, #tpu.memory_space<vmem>>, vector<128x128xf32>
    %dot_general3A_215 = arith.constant dense<0.000000e+00> : vector<1024x128xf32>
    %dot_general3A_216 = tpu.matmul %concatenate3A_184, %get3A_214, %dot_general3A_215 {dimension_numbers = #tpu.dot_dimension_numbers<[1], [0], [0], [1], [0, 0, 1, 1], [], []>, transpose_lhs_hint = false} : vector<1024x128xf32>, vector<128x128xf32>, vector<1024x128xf32> -> vector<1024x128xf32>
    %get3A_217 = arith.constant 128 : index
    %get3A_218 = arith.constant 0 : index
    %get3A_219 = vector.load %arg7[%get3A_217, %get3A_218] : memref<256x128xf32, #tpu.memory_space<vmem>>, vector<128x128xf32>
    %dot_general3A_220 = arith.constant dense<0.000000e+00> : vector<1024x128xf32>
    %dot_general3A_221 = tpu.matmul %concatenate3A_185, %get3A_219, %dot_general3A_220 {dimension_numbers = #tpu.dot_dimension_numbers<[1], [0], [0], [1], [0, 0, 1, 1], [], []>, transpose_lhs_hint = false} : vector<1024x128xf32>, vector<128x128xf32>, vector<1024x128xf32> -> vector<1024x128xf32>
    %add3A_222 = arith.addf %dot_general3A_216, %dot_general3A_221 : vector<1024x128xf32>
    %mul3A_223 = arith.mulf %add3A, %add3A : vector<1024x128xf32>
    %reduce_sum3A = arith.constant dense<0.000000e+00> : vector<1024xf32>
    %reduce_sum3A_224 = vector.multi_reduction <add>, %mul3A_223, %reduce_sum3A [1] : vector<1024x128xf32> to vector<1024xf32>
    %broadcast_in_dim3A = vector.shape_cast %reduce_sum3A_224 : vector<1024xf32> to vector<1024x1xf32>
    %mul3A_225 = arith.mulf %add3A_222, %add3A_222 : vector<1024x128xf32>
    %reduce_sum3A_226 = arith.constant dense<0.000000e+00> : vector<1024xf32>
    %reduce_sum3A_227 = vector.multi_reduction <add>, %mul3A_225, %reduce_sum3A_226 [1] : vector<1024x128xf32> to vector<1024xf32>
    %broadcast_in_dim3A_228 = vector.shape_cast %reduce_sum3A_227 : vector<1024xf32> to vector<1024x1xf32>
    %add3A_229 = arith.addf %broadcast_in_dim3A, %broadcast_in_dim3A_228 : vector<1024x1xf32>
    %sqrt3A = math.sqrt %add3A_229 : vector<1024x1xf32>
    %max3A_230 = arith.constant 9.99999996E-13 : f32
    %max3A_231 = vector.broadcast %max3A_230 : f32 to vector<1024x1xf32>
    %max3A_232 = arith.maximumf %sqrt3A, %max3A_231 : vector<1024x1xf32>
    %div3A = arith.constant 1.000000e+00 : f32
    %div3A_233 = vector.broadcast %div3A : f32 to vector<1024x1xf32>
    %div3A_234 = arith.divf %div3A_233, %max3A_232 : vector<1024x1xf32>
    %mul3A_235 = vector.broadcast %div3A_234 : vector<1024x1xf32> to vector<1024x128xf32>
    %mul3A_236 = arith.mulf %add3A, %mul3A_235 : vector<1024x128xf32>
    %get3A_237 = arith.constant 0 : index
    %get3A_238 = arith.constant 0 : index
    %get3A_239 = vector.load %arg8[%get3A_237, %get3A_238] : memref<256x128xf32, #tpu.memory_space<vmem>>, vector<128x128xf32>
    %dot_general3A_240 = arith.constant dense<0.000000e+00> : vector<1024x128xf32>
    %dot_general3A_241 = tpu.matmul %mul3A_236, %get3A_239, %dot_general3A_240 {dimension_numbers = #tpu.dot_dimension_numbers<[1], [0], [0], [1], [0, 0, 1, 1], [], []>, transpose_lhs_hint = false} : vector<1024x128xf32>, vector<128x128xf32>, vector<1024x128xf32> -> vector<1024x128xf32>
    %mul3A_242 = vector.broadcast %div3A_234 : vector<1024x1xf32> to vector<1024x128xf32>
    %mul3A_243 = arith.mulf %add3A_222, %mul3A_242 : vector<1024x128xf32>
    %get3A_244 = arith.constant 128 : index
    %get3A_245 = arith.constant 0 : index
    %get3A_246 = vector.load %arg8[%get3A_244, %get3A_245] : memref<256x128xf32, #tpu.memory_space<vmem>>, vector<128x128xf32>
    %dot_general3A_247 = arith.constant dense<0.000000e+00> : vector<1024x128xf32>
    %dot_general3A_248 = tpu.matmul %mul3A_243, %get3A_246, %dot_general3A_247 {dimension_numbers = #tpu.dot_dimension_numbers<[1], [0], [0], [1], [0, 0, 1, 1], [], []>, transpose_lhs_hint = false} : vector<1024x128xf32>, vector<128x128xf32>, vector<1024x128xf32> -> vector<1024x128xf32>
    %add3A_249 = arith.addf %dot_general3A_241, %dot_general3A_248 : vector<1024x128xf32>
    %get3A_250 = arith.constant 0 : index
    %get3A_251 = arith.constant 0 : index
    %get3A_252 = vector.load %arg9[%get3A_250, %get3A_251] : memref<1x128xf32, #tpu.memory_space<vmem>>, vector<1x128xf32>
    %add3A_253 = vector.broadcast %get3A_252 : vector<1x128xf32> to vector<1024x128xf32>
    %add3A_254 = arith.addf %add3A_249, %add3A_253 : vector<1024x128xf32>
    %swap3A = arith.constant 0 : index
    %swap3A_255 = arith.constant 0 : index
    %swap3A_256 = vector.load %arg10[%swap3A, %swap3A_255] : memref<1024x128xf32, #tpu.memory_space<vmem>>, vector<1024x128xf32>
    tpu.vector_store %arg10[%swap3A, %swap3A_255], %add3A_254 {strides = array<i32>} : memref<1024x128xf32, #tpu.memory_space<vmem>>, vector<1024x128xf32>,
    return
  }
}

</mosaic_0001>

<sc_bundles>
// kernel: kernel.4.cloned.1.call-start
scs
__scs_entry_jumppad:
0x0: {  	(pc) =	sbr.rel $0x88, $3  }
0x1: {  	(tag) =	ssettag $0x0;
	lr =	simm.s32 $0x1  }
0x2: {  	[smem:$0x3F97] =	sst lr;
	_ =	strace $0xD0000000  }
0x3: {  	_ = 	snop  }
0x4: {  	_ = 	snop  }
0x5: {  	_ = 	snop  }
0x6: {  	_ = 	snop  }
0x7: {  	_ = 	snop  }
__scs_overlays_trampoline_lowered:
0x8: {  	[smem:$0x3FA6] =	sst s0  }
0x9: {  	[smem:$0x3FA7] =	sst s1  }
0xa: {  	[smem:$0x3FA8] =	sst s2  }
0xb: {  	[smem:$0x3FA9] =	sst s3  }
0xc: {  	[smem:$0x3FAA] =	sst s4  }
0xd: {  	[smem:$0x3FAB] =	sst s5  }
0xe: {  	[smem:$0x3FAC] =	sst s6  }
0xf: {  	[smem:$0x3FAD] =	sst s7  }
0x10: {  	[smem:$0x3FAE] =	sst s8  }
0x11: {  	[smem:$0x3FAF] =	sst s9;
	s0 =	simm.s32 @!p0 $0x0  }
0x12: {  	s1 =	sld [smem:$0x3F95];
	s0 =	simm.s32 @p0 $0x1  }
0x13: {  	[smem:$0x3FB0] =	sst s0;
	s0 =	simm.s32 @!p1 $0x0  }
0x14: {  	s2 =	sld [smem:$0x3F94];
	s0 =	simm.s32 @p1 $0x1  }
0x15: {  	[smem:$0x3FB1] =	sst s0;
	s0 =	simm.s32 @!p2 $0x0  }
0x16: {  	s3 =	sld [smem:$0x3FDB];
	s0 =	simm.s32 @p2 $0x1  }
0x17: {  	s4 =	simm.s32 $0x1BF5;
	[smem:$0x3FB3] =	sst s0  }
0x18: {  	s0 =	sld [smem:$0x3F96];
	_ =	swait.ge [sflag:s4], $0x0  }
0x19: {  	s7 =	sld [smem:$0x3F97]  }
0x1a: {  	s8 =	sadd.s32 $0xFFFFE003, lr  }
0x1b: {  	s9 =	sadd.s32 $0xFFFFFEF7, lr;
	s5 =	simm.s32 $0xFFFFFFFF;
	p2 =	slt.u32 s8, $0xFFFFF086  }
0x1c: {  	p1 =	slt.u32 s9, $0xF7A;
	s5 =	simm.s32 @!p2 $0x0  }
0x1d: {  	s5 =	simm.s32 @p1 $0x1;
	p0 =	seq.s32 s7, s2  }
0x1e: {  	s7 =	smul.u32 @!p0 $0xF7A, s2;
	p2 =	seq.s32 @!p0 s5, $0x0  }
0x1f: {  	s9 =	smul.u32 $0xF7A, s1;
	s8 =	simm.s32 @!p0 $0x1BF5;
	p2 =	por !p2, p0  }
0x20: {  	[sflag:s8] =	ssyncset.s32 @!p0 $0xFFFFF086;
	s6 =	sadd.s32 @!p0 s3, s7;
	s7 =	simm.s32 @!p0 $0x108  }
0x21: {  	s3 =	sadd.s32 s3, s9;
	s6 =	sadd.s32 @!p0 $0x88, s6;
	s7 =	simm.s32 @p2 $0x1082  }
0x22: {  	[simem:s7], [sflag:s8] =	dma.local @!p0 [hbm:s6], $0xF7A  }
0x23: {  	s9 =	sor.u32 $0xD0000000, s2;
	s6 =	simm.s32 $0x108;
	_ =	swait.ge @!p0 [sflag:s8], $0x0  }
0x24: {  	s3 =	sadd.s32 $0x88, s3;
	s6 =	simm.s32 @!p1 $0x1082;
	[sflag:s4] =	ssyncset.s32 $0xFFFFF086  }
0x25: {  	[simem:s6], [sflag:s4] =	dma.local [hbm:s3], $0xF7A  }
0x26: {  	[smem:$0x3F97] =	sst s1;
	(tag) =	ssettag s2;
	_ =	strace s9  }
0x27: {  	s1 =	sld [smem:$0x3FA7]  }
0x28: {  	s2 =	sld [smem:$0x3FA8]  }
0x29: {  	s4 =	sld [smem:$0x3FAA]  }
0x2a: {  	p0 =	seq.s32 s5, $0x0;
	s5 =	sld [smem:$0x3FAB]  }
0x2b: {  	s6 =	sld [smem:$0x3FAC]  }
0x2c: {  	s7 =	sld [smem:$0x3FAD]  }
0x2d: {  	s3 =	simm.s32 $0x108;
	s8 =	sld [smem:$0x3FAE]  }
0x2e: {  	s3 =	simm.s32 @!p0 $0x1082;
	s9 =	sld [smem:$0x3FAF]  }
0x2f: {  	lr =	sadd.s32 s0, s3;
	s0 =	sld [smem:$0x3FA6]  }
0x30: {  	s3 =	sld [smem:$0x3FA9]  }
0x31: {  	[smem:$0x3FB2] =	sst s10  }
0x32: {  	s10 =	sld [smem:$0x3FB0];
	_ =	sdelay $0x3  }
0x33: {  	p0 =	seq.s32 s10, $0x1;
	s10 =	sld [smem:$0x3FB2];
	_ =	sdelay $0x3  }
0x34: {  	[smem:$0x3FB2] =	sst s10  }
0x35: {  	s10 =	sld [smem:$0x3FB1];
	_ =	sdelay $0x3  }
0x36: {  	p1 =	seq.s32 s10, $0x1;
	s10 =	sld [smem:$0x3FB2];
	_ =	sdelay $0x3  }
0x37: {  	[smem:$0x3FB2] =	sst s10  }
0x38: {  	s10 =	sld [smem:$0x3FB3]  }
0x39: {  	_ = 	snop;
	(pc) =	sbr.ind lr, $3  }
0x3a: {  	_ = 	snop  }
0x3b: {  	_ = 	snop  }
0x3c: {  	p2 =	seq.s32 s10, $0x1;
	s10 =	sld [smem:$0x3FB2]  }
0x3d: {  	_ =	shalt  }
0x3e: {  	_ =	shalt  }
0x3f: {  	_ =	shalt  }
0x40: {  	_ =	shalt  }
0x41: {  	_ =	shalt  }
0x42: {  	_ =	shalt  }
0x43: {  	_ =	shalt  }
0x44: {  	_ =	shalt  }
0x45: {  	_ =	shalt  }
0x46: {  	_ =	shalt  }
0x47: {  	_ =	shalt  }
0x48: {  	_ =	shalt  }
0x49: {  	_ =	shalt  }
0x4a: {  	_ =	shalt  }
0x4b: {  	_ =	shalt  }
0x4c: {  	_ =	shalt  }
0x4d: {  	_ =	shalt  }
0x4e: {  	_ =	shalt  }
0x4f: {  	_ =	shalt  }
0x50: {  	_ =	shalt  }
0x51: {  	_ =	shalt  }
0x52: {  	_ =	shalt  }
0x53: {  	_ =	shalt  }
0x54: {  	_ =	shalt  }
0x55: {  	_ =	shalt  }
0x56: {  	_ =	shalt  }
0x57: {  	_ =	shalt  }
0x58: {  	_ =	shalt  }
0x59: {  	_ =	shalt  }
0x5a: {  	_ =	shalt  }
0x5b: {  	_ =	shalt  }
0x5c: {  	_ =	shalt  }
0x5d: {  	_ =	shalt  }
0x5e: {  	_ =	shalt  }
0x5f: {  	_ =	shalt  }
0x60: {  	_ =	shalt  }
0x61: {  	_ =	shalt  }
0x62: {  	_ =	shalt  }
0x63: {  	_ =	shalt  }
0x64: {  	_ =	shalt  }
0x65: {  	_ =	shalt  }
0x66: {  	_ =	shalt  }
0x67: {  	_ =	shalt  }
0x68: {  	_ =	shalt  }
0x69: {  	_ =	shalt  }
0x6a: {  	_ =	shalt  }
0x6b: {  	_ =	shalt  }
0x6c: {  	_ =	shalt  }
0x6d: {  	_ =	shalt  }
0x6e: {  	_ =	shalt  }
0x6f: {  	_ =	shalt  }
0x70: {  	_ =	shalt  }
0x71: {  	_ =	shalt  }
0x72: {  	_ =	shalt  }
0x73: {  	_ =	shalt  }
0x74: {  	_ =	shalt  }
0x75: {  	_ =	shalt  }
0x76: {  	_ =	shalt  }
0x77: {  	_ =	shalt  }
0x78: {  	_ =	shalt  }
0x79: {  	_ =	shalt  }
0x7a: {  	_ =	shalt  }
0x7b: {  	_ =	shalt  }
0x7c: {  	_ =	shalt  }
0x7d: {  	_ =	shalt  }
0x7e: {  	_ =	shalt  }
0x7f: {  	_ =	shalt  }
0x80: {  	_ =	shalt  }
0x81: {  	_ =	shalt  }
0x82: {  	_ =	shalt  }
0x83: {  	_ =	shalt  }
0x84: {  	_ =	shalt  }
0x85: {  	_ =	shalt  }
0x86: {  	_ =	shalt  }
0x87: {  	_ =	shalt  }
.Lfunc_end0:
.L_simem_size_0:
called_computation_lowered:
.L_overlay_start_0:
0x88: {  	s2 =	sld [smem:$0x3FD9]  }
0x89: {  	s3 =	sld [smem:$0x3FFE];
	_ =	sdelay $0x1  }
0x8a: {  	s1 =	srdreg.scid  }
0x8b: {  	s0 =	sand.u32 $0x1, s1  }
0x8c: {  	s17 =	sshll.u32 s0, $0xA;
	s2 =	sadd.s32 s3, s2  }
0x8d: {  	s2 =	sadd.s32 s2, s17  }
0x8e: {  	[smem:$0x3FBE] =	sst s2  }
0x8f: {  	_ = 	snop  }
0x90: {  	s2 =	sld [smem:$0x3FC9]  }
0x91: {  	s18 =	sld [smem:$0x3FC8]  }
0x92: {  	s4 =	sld [smem:$0x3FC7]  }
0x93: {  	s5 =	sld [smem:$0x3FC6];
	(tm) =	ssettm $0x1  }
0x94: {  	s6 =	sld [smem:$0x3FFB];
	_ =	sdelay $0x3  }
0x95: {  	_ =	strace s6  }
0x96: {  	s6 =	sld [smem:$0x3FFC];
	_ =	sdelay $0x3  }
0x97: {  	_ =	strace s6  }
0x98: {  	s6 =	sld [smem:$0x3FFD];
	_ =	sdelay $0x3  }
0x99: {  	_ =	strace s6  }
0x9a: {  	_ =	strace $0x8FFFFFFF  }
0x9b: {  	s19 =	sld [smem:$0x3FDB];
	_ =	sdelay $0x1  }
0x9c: {  	s7 =	simm.s32 $_scs_section_size  }
0x9d: {  	s8 =	simm.s32 $_size__tile_overlayer_lowered;
	s9 =	simm.s32 $_tile_overlayer_lowered  }
0x9e: {  	s22 =	simm.s32 $0x1BFF;
	s21 =	sshll.u32 s9, $0x1;
	s6 =	sadd.s32 s7, s19  }
0x9f: {  	s10 =	simm.s32 $0x0;
	s20 =	sshll.u32 s8, $0x1;
	s8 =	sadd.s32 s21, s6  }
0xa0: {  	[timem:s10], [sflag:s22] =	dma.local [hbm:s8], s20  }
0xa1: {  	_ =	swait.ge [sflag:s22], s20  }
0xa2: {  	s7 =	ssub.s32 $0x0, s20;
	[sflag:s22] =	ssyncset.done $0x0  }
0xa3: {  	[sflag:s22] =	ssyncadd.s32 s7;
	_ =	sdelay $0x1  }
0xa4: {  	s23 =	simm.s32 $0x1B8B  }
0xa5: {  	_ =	swait.ge [sflag:s23], $0x1  }
0xa6: {  	[sflag:s23] =	ssyncset.done $0x0  }
0xa7: {  	s25 =	simm.s32 $0x1B8E;
	s24 =	sld [smem:$0x3FFE];
	[sflag:s23] =	ssyncadd.s32 $0xFFFFFFFF  }
0xa8: {  	s26 =	simm.s32 $execute0_lowered;
	[smem:$0x3FD2] =	sst s25  }
0xa9: {  	s8 =	sshll.u32 s26, $0x1;
	_ =	strace $0x80000046;
	[dreg:$0x1] =	wrdreg $0xFFFFFFFF  }
0xaa: {  	s28 =	simm.s32 $_size_execute0_lowered;
	s6 =	sadd.s32 s6, s8;
	[dreg:$0x0] =	wrdreg $0x0  }
0xab: {  	s8 =	sshll.u32 s28, $0x1;
	[dreg:$0x2] =	wrdreg s6  }
0xac: {  	[dreg:$0x3] =	wrdreg s8  }
0xad: {  	[dreg:$0x4] =	wrdreg $0xC0  }
0xae: {  	_ =	task [dreg:s10], $0x5FFFF  }
0xaf: {  	[dreg:$0x1] =	wrdreg $0xFFFFFFFF  }
0xb0: {  	[dreg:$0x0] =	wrdreg $0x60  }
0xb1: {  	[dreg:$0x2] =	wrdreg s2  }
0xb2: {  	[dreg:$0x3] =	wrdreg s18  }
0xb3: {  	[dreg:$0x4] =	wrdreg s4  }
0xb4: {  	[dreg:$0x5] =	wrdreg s5  }
0xb5: {  	[dreg:$0x6] =	wrdreg s24  }
0xb6: {  	[dreg:$0x7] =	wrdreg $0x9  }
0xb7: {  	_ =	task.clear_ibuf [dreg:s10], $0x8FFFF;
	_ =	strace $0x90000046  }
0xb8: {  	s29 =	simm.s32 $0x9;
	_ =	strace $0x80000048  }
0xb9: {  	_ =	swait.ge [sflag:s29], $0x1  }
0xba: {  	[sflag:s29] =	ssyncadd.s32 $0xFFFFFFFF  }
0xbb: {  	_ =	strace $0x90000048  }
0xbc: {  	_ =	sfence  }
0xbd: {  	s30 =	sld [smem:$0x0];
	_ =	sdelay $0x2  }
0xbe: {  	s31 =	sshll.u32 s1, $0xD;
	s1 =	sshrl.u32 s1, $0x2  }
0xbf: {  	s3 =	sand.u32 $0x4000, s31;
	s1 =	sadd.s32 s1, s30  }
0xc0: {  	s0 =	sor.u32 s3, s0;
	s1 =	sshll.u32 s1, $0x11  }
0xc1: {  	s0 =	sor.u32 s1, s0  }
0xc2: {  	s0 =	sadd.s32 $0x8F2B, s0  }
0xc3: {  	[sflag:s0] =	ssyncadd.remote.s32 $0x1  }
0xc4: {  	_ =	sfence.sel $0xFFFF  }
0xc5: {  	[dreg:$0x0] =	wrdreg $0xFFFFFFFF;
	(pc) =	sbr.abs _section_cstart, $3  }
0xc6: {  	[dreg:$0x1] =	wrdreg $0xFFFFFFFF  }
0xc7: {  	_ =	task.clear_ibuf [dreg:s10], $0x2FFFF;
	_ =	strace $0x9FFFFFFF  }
0xc8: {  	(tm) =	ssettm $0x7FFFFFFF  }
0xc9: {  	_ =	shalt  }
tec
execute0_lowered:
.L_overlay_start_1:
0x0: {  	(tag) =	ssettag $0x1  }
0x1: {  	s0 =	rddreg [dreg:$0x0]  }
0x2: {  	s2 =	rddreg [dreg:$0x1]  }
0x3: {  	s6 =	rddreg [dreg:$0x2]  }
0x4: {  	s1 =	rddreg [dreg:$0x3]  }
0x5: {  	s5 =	rddreg [dreg:$0x4]  }
0x6: {  	s3 =	srdreg.scid;
	s8 =	stileid.u32;
	s14 =	simm.s32 $0x5  }
0x7: {  	s15 =	simm.s32 $0x1B4C0;
	s16 =	simm.s32 $0x40;
	s17 =	simm.s32 $0x15380  }
0x8: {  	s19 =	simm.s32 $0x17380;
	s20 =	simm.s32 $0x20;
	s22 =	simm.s32 $0x19380  }
0x9: {  	s28 =	simm.s32 $0x1;
	s29 =	simm.s32 $0x2;
	s30 =	simm.s32 $0x1B420  }
0xa: {  	s31 =	simm.s32 $0x1B460;
	s18 =	simm.s32 $0x4;
	s4 =	sand.u32 $0x1, s3  }
0xb: {  	s21 =	simm.s32 $0x0;
	s3 =	simm.s32 $0x0;
	s7 =	sshll.u32 s4, $0x4  }
0xc: {  	s9 =	sadd.s32 $0x1600, s5;
	[smem:$0x7FF] =	sst s3;
	s7 =	sor.u32 s8, s7  }
0xd: {  	s23 =	ssub.s32 $0x2, s4;
	_ =	strace $0x80000047;
	s4 =	smul.u32 $0x28, s7  }
0xe: {  	s10 =	sshrl.u32 s23, $0x1;
	s8 =	sshll.u32 s7, $0x9;
	s12 =	smul.u32 $0xA000, s7  }
0xf: {  	s13 =	ssub.s32 s23, s10;
	s24 =	smul.u32 $0x3E8, s7;
	s25 =	sshll.u32 s7, $0x2  }
0x10: {  	s7 =	smul.u32 $0x1400, s7;
	s23 =	simm.s32 $0x1A380;
	s11 =	sadd.s32 s8, s5  }
0x11: {  	s5 =	sadd.s32 $0x29600, s5;
	s0 =	sadd.s32 s0, s25;
	s12 =	sshrl.u32 s12, $0x3  }
0x12: {  	s2 =	sadd.s32 s2, s4;
	[dreg:$0x7] =	wrdreg s0;
	s8 =	sadd.s32 s6, s24  }
0x13: {  	s11 =	sadd.s32 $0x51600, s11;
	s24 =	simm.s32 $0xC8;
	s0 =	simm.s32 $0x1B4A0  }
0x14: {  	[dreg:$0x6] =	wrdreg s2;
	s26 =	sadd.s32 s9, s12;
	s9 =	sadd.s32 s9, s7  }
0x15: {  	s12 =	smax.u32 s13, $0x1;
	s2 =	simm.s32 $0x3;
	s10 =	sadd.s32 $0xA00, s26  }
.LBB2_1:
0x16: {  	s6 =	rddreg [dreg:$0x6];
	s7 =	simm.s32 $0x1B380  }
0x17: {  	[tilespmem:s7], [sflag:$0x5] =	stream.linear.gather [hbm4b:s6+s3], $0x140, $0x38;
	[tilespmem:$0x1B500] =	vst v63  }
0x18: {  	_ =	swait.ge [sflag:s14], $0x140  }
0x19: {  	[sflag:s14] =	ssyncset.done $0x0  }
0x1a: {  	s26 =	rddreg [dreg:$0x7];
	[sflag:s14] =	ssyncadd.s32 $0xFFFFFEC0  }
0x1b: {  	[tilespmem:s15], [sflag:$0x5] =	stream.linear.gather [hbm4b:s26+s3], $0x20, $0x38;
	[tilespmem:$0x1B500] =	vst v63  }
0x1c: {  	_ =	swait.ge [sflag:s14], $0x20  }
0x1d: {  	[sflag:s14] =	ssyncset.done $0x0  }
0x1e: {  	[sflag:s14] =	ssyncadd.s32 $0xFFFFFFE0  }
0x1f: {  	[tilespmem:s17], [sflag:$0x2] =	stream.indirect.gather [hbm4b:s1+s16], $0x80, s7, s16, $0xb8;
	[tilespmem:$0x1B500] =	vst v63  }
0x20: {  	s7 =	simm.s32 $0x1B3C0  }
0x21: {  	[tilespmem:s19], [sflag:$0x2] =	stream.indirect.gather [hbm4b:s1+s16], $0x80, s7, s16, $0xb8;
	[tilespmem:$0x1B500] =	vst v63  }
0x22: {  	s13 =	simm.s32 $0x1B400  }
0x23: {  	[tilespmem:s22], [sflag:$0x2] =	stream.indirect.gather [hbm4b:s1+s20], $0x80, s13, s20, $0xb8;
	[tilespmem:$0x1B500] =	vst v63  }
0x24: {  	_ = 	snop  }
0x25: {  	[tilespmem:s23], [sflag:$0x4] =	stream.indirect.gather [hbm4b:s1+s20], $0x80, s15, s20, $0xb8;
	[tilespmem:$0x1B500] =	vst v63  }
0x26: {  	_ = 	snop  }
0x27: {  	[tilespmem:s3], [sflag:$0x5] =	stream.linear.gather [hbm4b:s8+s3], $0x1F40, $0x38;
	[tilespmem:$0x1B500] =	vst v63  }
0x28: {  	_ =	swait.ge [sflag:s14], $0x1F40  }
0x29: {  	[sflag:s14] =	ssyncset.done $0x0  }
0x2a: {  	s25 =	simm.s32 $0x1F80;
	[sflag:s14] =	ssyncadd.s32 $0xFFFFE0C0  }
0x2b: {  	[tilespmem:s25], [sflag:$0x1] =	stream.indirect.gather [hbm4b:s1+s24], $0x80, s3, s24, $0xb8;
	[tilespmem:$0x1B500] =	vst v63  }
0x2c: {  	s26 =	simm.s32 $0x8380;
	s25 =	simm.s32 $0x0  }
0x2d: {  	[tilespmem:s26], [sflag:$0x1] =	stream.indirect.gather [hbm4b:s1+s24], $0x80, s24, s24, $0xb8;
	[tilespmem:$0x1B500] =	vst v63  }
.LBB2_2:
0x2e: {  	p0 =	sgt.u32 s25, $0x25  }
0x2f: {  	s6 =	sadd.s32 @!p0 $0x2, s25  }
0x30: {  	s7 =	smul.u32 @!p0 $0xAB, s6;
	_ =	sdelay $0x1  }
0x31: {  	s7 =	sshrl.u32 @!p0 s7, $0x9  }
0x32: {  	s7 =	sand.u32 @!p0 $0x7F, s7  }
0x33: {  	s7 =	smul.u32 @!p0 $0x3, s7;
	_ =	sdelay $0x1  }
0x34: {  	s7 =	ssub.s32 @!p0 s6, s7  }
0x35: {  	s7 =	sand.u32 @!p0 $0xFF, s7  }
0x36: {  	s7 =	smul.u32 @!p0 $0x19000, s7  }
0x37: {  	s6 =	smul.u32 @!p0 $0x320, s6  }
0x38: {  	s7 =	sshrl.u32 @!p0 s7, $0x2  }
0x39: {  	s13 =	simm.s32 @!p0 $0xC8;
	s6 =	sshra.s32 @!p0 s6, $0x2;
	s7 =	sadd.s32 @!p0 $0x1F80, s7  }
0x3a: {  	[tilespmem:s7], [sflag:$0x1] =	stream.indirect.gather @!p0 [hbm4b:s1+s13], $0x80, s6, s13, $0xb8;
	[tilespmem:$0x1B500] =	vst v63  }
0x3b: {  	p0 =	sne.s32 s25, $0x4  }
.Ltmp0:
0x3c: {  	_ = 	snop;
	(pc) =	sbr.rel @p0 .LBB2_4-.Ltmp0, $4  }
0x3d: {  	_ = 	snop  }
0x3e: {  	_ =	swait.ge [sflag:s28], $0x6400  }
0x3f: {  	[sflag:s28] =	ssyncset.done $0x0  }
0x40: {  	[sflag:s28] =	ssyncadd.s32 $0xFFFF9C00  }
0x41: {  	_ =	swait.ge [sflag:s29], $0x2000  }
0x42: {  	[sflag:s29] =	ssyncset.done $0x0  }
0x43: {  	[sflag:s29] =	ssyncadd.s32 $0xFFFFE000  }
0x44: {  	_ =	swait.ge [sflag:s29], $0x2000  }
0x45: {  	[sflag:s29] =	ssyncset.done $0x0  }
0x46: {  	[sflag:s29] =	ssyncadd.s32 $0xFFFFE000  }
0x47: {  	_ =	swait.ge [sflag:s29], $0x1000  }
0x48: {  	[sflag:s29] =	ssyncset.done $0x0  }
0x49: {  	s6 =	simm.s32 $0x0;
	[sflag:s29] =	ssyncadd.s32 $0xFFFFF000  }
0x4a: {  	[hbm4b:s9+s6] =	stream.linear.scatter [tilespmem:s17], [sflag:$0x5], $0x5000, $0x38;
	[tilespmem:$0x1B500] =	vst v63  }
0x4b: {  	_ =	swait.ge [sflag:s14], $0x5000  }
0x4c: {  	[sflag:s14] =	ssyncset.done $0x0  }
0x4d: {  	[sflag:s14] =	ssyncadd.s32 $0xFFFFB000  }
0x4e: {  	[tilespmem:s17], [sflag:$0x2] =	stream.indirect.gather [hbm4b:s1+s16], $0x80, s30, s16, $0xb8;
	[tilespmem:$0x1B500] =	vst v63  }
.Ltmp1:
0x4f: {  	_ = 	snop;
	(pc) =	sbr.rel .LBB2_5-.Ltmp1, $4  }
0x50: {  	_ = 	snop  }
0x51: {  	[tilespmem:s19], [sflag:$0x2] =	stream.indirect.gather [hbm4b:s1+s16], $0x80, s31, s16, $0xb8;
	[tilespmem:$0x1B500] =	vst v63  }
0x52: {  	_ = 	snop  }
0x53: {  	[tilespmem:s22], [sflag:$0x2] =	stream.indirect.gather [hbm4b:s1+s20], $0x80, s0, s20, $0xb8;
	[tilespmem:$0x1B500] =	vst v63  }
.LBB2_4:
0x54: {  	p0 =	slt.u32 s25, $0x2  }
.Ltmp2:
0x55: {  	_ = 	snop;
	(pc) =	sbr.rel @p0 .LBB2_6-.Ltmp2, $2  }
0x56: {  	_ =	sdelay $0x2  }
0x57: {  	s6 =	sand.u32 $0x1, s25  }
.LBB2_5:
0x58: {  	_ =	swait.ge [sflag:s2], $0x400  }
0x59: {  	[sflag:s2] =	ssyncset.done $0x0  }
0x5a: {  	[sflag:s2] =	ssyncadd.s32 $0xFFFFFC00  }
.LBB2_6:
0x5b: {  	s7 =	smul.u32 $0xAB, s25;
	_ =	sdelay $0x1  }
0x5c: {  	s7 =	sshrl.u32 s7, $0x9  }
0x5d: {  	s7 =	sand.u32 $0x7F, s7  }
0x5e: {  	s7 =	smul.u32 $0x3, s7;
	_ =	sdelay $0x1  }
0x5f: {  	s7 =	ssub.s32 s25, s7  }
0x60: {  	s7 =	sand.u32 $0xFF, s7  }
0x61: {  	s7 =	smul.u32 $0x19000, s7;
	_ =	sdelay $0x1  }
0x62: {  	s7 =	sshrl.u32 s7, $0x2  }
0x63: {  	s6 =	sshll.u32 s6, $0xA;
	s7 =	sadd.s32 $0x1F80, s7  }
0x64: {  	s26 =	sor.u32 $0x14B80, s6;
	v0 =	vmov s7  }
0x65: {  	s13 =	simm.s32 $0x0;
	v1 =	vmov s26  }
.LBB2_7:
0x66: {  	s6 =	smul.u32 $0x3200, s13;
	_ =	sdelay $0x1  }
0x67: {  	s6 =	sshra.s32 s6, $0x2  }
0x68: {  	v2 =	vld.idx.msk [tilespmem:v0+s6+$0x0 ss:$0x1], $0xffff  }
0x69: {  	v3 =	vld.idx.msk [tilespmem:v0+s6+$0x10 ss:$0x1], $0xffff  }
0x6a: {  	v4 =	vld.idx.msk [tilespmem:v0+s6+$0x20 ss:$0x1], $0xffff  }
0x6b: {  	v5 =	vld.idx.msk [tilespmem:v0+s6+$0x30 ss:$0x1], $0xffff  }
0x6c: {  	v6 =	vld.idx.msk [tilespmem:v0+s6+$0x80 ss:$0x1], $0xffff  }
0x6d: {  	v7 =	vld.idx.msk [tilespmem:v0+s6+$0x90 ss:$0x1], $0xffff  }
0x6e: {  	v8 =	vld.idx.msk [tilespmem:v0+s6+$0xA0 ss:$0x1], $0xffff  }
0x6f: {  	v9 =	vld.idx.msk [tilespmem:v0+s6+$0xB0 ss:$0x1], $0xffff  }
0x70: {  	v10 =	vld.idx.msk [tilespmem:v0+s6+$0x100 ss:$0x1], $0xffff  }
0x71: {  	v11 =	vld.idx.msk [tilespmem:v0+s6+$0x110 ss:$0x1], $0xffff  }
0x72: {  	v12 =	vld.idx.msk [tilespmem:v0+s6+$0x120 ss:$0x1], $0xffff  }
0x73: {  	v13 =	vld.idx.msk [tilespmem:v0+s6+$0x130 ss:$0x1], $0xffff  }
0x74: {  	v14 =	vld.idx.msk [tilespmem:v0+s6+$0x180 ss:$0x1], $0xffff  }
0x75: {  	v15 =	vld.idx.msk [tilespmem:v0+s6+$0x190 ss:$0x1], $0xffff  }
0x76: {  	v16 =	vld.idx.msk [tilespmem:v0+s6+$0x1A0 ss:$0x1], $0xffff  }
0x77: {  	v17 =	vld.idx.msk [tilespmem:v0+s6+$0x1B0 ss:$0x1], $0xffff  }
0x78: {  	v18 =	vld.idx.msk [tilespmem:v0+s6+$0x200 ss:$0x1], $0xffff  }
0x79: {  	v19 =	vld.idx.msk [tilespmem:v0+s6+$0x210 ss:$0x1], $0xffff  }
0x7a: {  	v20 =	vld.idx.msk [tilespmem:v0+s6+$0x220 ss:$0x1], $0xffff  }
0x7b: {  	v21 =	vld.idx.msk [tilespmem:v0+s6+$0x230 ss:$0x1], $0xffff  }
0x7c: {  	v22 =	vld.idx.msk [tilespmem:v0+s6+$0x280 ss:$0x1], $0xffff  }
0x7d: {  	v23 =	vld.idx.msk [tilespmem:v0+s6+$0x290 ss:$0x1], $0xffff  }
0x7e: {  	v24 =	vld.idx.msk [tilespmem:v0+s6+$0x2A0 ss:$0x1], $0xffff  }
0x7f: {  	v25 =	vld.idx.msk [tilespmem:v0+s6+$0x2B0 ss:$0x1], $0xffff  }
0x80: {  	v26 =	vld.idx.msk [tilespmem:v0+s6+$0x300 ss:$0x1], $0xffff  }
0x81: {  	v27 =	vld.idx.msk [tilespmem:v0+s6+$0x310 ss:$0x1], $0xffff  }
0x82: {  	v28 =	vld.idx.msk [tilespmem:v0+s6+$0x320 ss:$0x1], $0xffff  }
0x83: {  	v29 =	vld.idx.msk [tilespmem:v0+s6+$0x330 ss:$0x1], $0xffff  }
0x84: {  	v30 =	vld.idx.msk [tilespmem:v0+s6+$0x380 ss:$0x1], $0xffff  }
0x85: {  	v31 =	vld.idx.msk [tilespmem:v0+s6+$0x390 ss:$0x1], $0xffff  }
0x86: {  	v32 =	vld.idx.msk [tilespmem:v0+s6+$0x3A0 ss:$0x1], $0xffff  }
0x87: {  	v33 =	vld.idx.msk [tilespmem:v0+s6+$0x3B0 ss:$0x1], $0xffff  }
0x88: {  	v34 =	vld.idx.msk [tilespmem:v0+s6+$0x400 ss:$0x1], $0xffff  }
0x89: {  	v35 =	vld.idx.msk [tilespmem:v0+s6+$0x410 ss:$0x1], $0xffff  }
0x8a: {  	v36 =	vld.idx.msk [tilespmem:v0+s6+$0x420 ss:$0x1], $0xffff  }
0x8b: {  	v37 =	vld.idx.msk [tilespmem:v0+s6+$0x430 ss:$0x1], $0xffff  }
0x8c: {  	v38 =	vld.idx.msk [tilespmem:v0+s6+$0x480 ss:$0x1], $0xffff  }
0x8d: {  	v39 =	vld.idx.msk [tilespmem:v0+s6+$0x490 ss:$0x1], $0xffff  }
0x8e: {  	v40 =	vld.idx.msk [tilespmem:v0+s6+$0x4A0 ss:$0x1], $0xffff  }
0x8f: {  	v41 =	vld.idx.msk [tilespmem:v0+s6+$0x4B0 ss:$0x1], $0xffff  }
0x90: {  	v42 =	vld.idx.msk [tilespmem:v0+s6+$0x500 ss:$0x1], $0xffff  }
0x91: {  	v43 =	vld.idx.msk [tilespmem:v0+s6+$0x510 ss:$0x1], $0xffff  }
0x92: {  	v44 =	vld.idx.msk [tilespmem:v0+s6+$0x520 ss:$0x1], $0xffff  }
0x93: {  	v45 =	vld.idx.msk [tilespmem:v0+s6+$0x530 ss:$0x1], $0xffff  }
0x94: {  	v46 =	vld.idx.msk [tilespmem:v0+s6+$0x580 ss:$0x1], $0xffff  }
0x95: {  	v47 =	vld.idx.msk [tilespmem:v0+s6+$0x590 ss:$0x1], $0xffff  }
0x96: {  	v48 =	vld.idx.msk [tilespmem:v0+s6+$0x5A0 ss:$0x1], $0xffff  }
0x97: {  	v49 =	vld.idx.msk [tilespmem:v0+s6+$0x5B0 ss:$0x1], $0xffff  }
0x98: {  	v50 =	vld.idx.msk [tilespmem:v0+s6+$0x600 ss:$0x1], $0xffff  }
0x99: {  	v51 =	vld.idx.msk [tilespmem:v0+s6+$0x610 ss:$0x1], $0xffff  }
0x9a: {  	v52 =	vld.idx.msk [tilespmem:v0+s6+$0x620 ss:$0x1], $0xffff  }
0x9b: {  	v53 =	vld.idx.msk [tilespmem:v0+s6+$0x630 ss:$0x1], $0xffff  }
0x9c: {  	v54 =	vld.idx.msk [tilespmem:v0+s6+$0x680 ss:$0x1], $0xffff  }
0x9d: {  	v55 =	vld.idx.msk [tilespmem:v0+s6+$0x690 ss:$0x1], $0xffff  }
0x9e: {  	v56 =	vld.idx.msk [tilespmem:v0+s6+$0x6A0 ss:$0x1], $0xffff  }
0x9f: {  	v57 =	vld.idx.msk [tilespmem:v0+s6+$0x820 ss:$0x1], $0xffff;
	v2 =	vadd.f32 v6, v2  }
0xa0: {  	v58 =	vld.idx.msk [tilespmem:v0+s6+$0x830 ss:$0x1], $0xffff;
	v3 =	vadd.f32 v7, v3  }
0xa1: {  	v59 =	vld.idx.msk [tilespmem:v0+s6+$0x880 ss:$0x1], $0xffff;
	v4 =	vadd.f32 v8, v4;
	v2 =	vadd.f32 v10, v2  }
0xa2: {  	v60 =	vld.idx.msk [tilespmem:v0+s6+$0x890 ss:$0x1], $0xffff;
	v5 =	vadd.f32 v9, v5;
	v3 =	vadd.f32 v11, v3  }
0xa3: {  	v61 =	vld.idx.msk [tilespmem:v0+s6+$0x8A0 ss:$0x1], $0xffff;
	v4 =	vadd.f32 v12, v4;
	v2 =	vadd.f32 v14, v2  }
0xa4: {  	v62 =	vld.idx.msk [tilespmem:v0+s6+$0x8B0 ss:$0x1], $0xffff;
	v5 =	vadd.f32 v13, v5;
	v3 =	vadd.f32 v15, v3  }
0xa5: {  	v63 =	vld.idx.msk [tilespmem:v0+s6+$0x900 ss:$0x1], $0xffff;
	v4 =	vadd.f32 v16, v4;
	v2 =	vadd.f32 v18, v2  }
0xa6: {  	v6 =	vld.idx.msk [tilespmem:v0+s6+$0x6B0 ss:$0x1], $0xffff;
	v5 =	vadd.f32 v17, v5;
	v3 =	vadd.f32 v19, v3  }
0xa7: {  	v7 =	vld.idx.msk [tilespmem:v0+s6+$0x700 ss:$0x1], $0xffff;
	v4 =	vadd.f32 v20, v4;
	v2 =	vadd.f32 v22, v2  }
0xa8: {  	v8 =	vld.idx.msk [tilespmem:v0+s6+$0x710 ss:$0x1], $0xffff;
	v5 =	vadd.f32 v21, v5;
	v3 =	vadd.f32 v23, v3  }
0xa9: {  	v9 =	vld.idx.msk [tilespmem:v0+s6+$0x720 ss:$0x1], $0xffff;
	v4 =	vadd.f32 v24, v4;
	v2 =	vadd.f32 v26, v2  }
0xaa: {  	v10 =	vld.idx.msk [tilespmem:v0+s6+$0x730 ss:$0x1], $0xffff;
	v5 =	vadd.f32 v25, v5;
	v3 =	vadd.f32 v27, v3  }
0xab: {  	v11 =	vld.idx.msk [tilespmem:v0+s6+$0x780 ss:$0x1], $0xffff;
	v4 =	vadd.f32 v28, v4;
	v2 =	vadd.f32 v30, v2  }
0xac: {  	v12 =	vld.idx.msk [tilespmem:v0+s6+$0x790 ss:$0x1], $0xffff;
	v5 =	vadd.f32 v29, v5;
	v3 =	vadd.f32 v31, v3  }
0xad: {  	v13 =	vld.idx.msk [tilespmem:v0+s6+$0x7A0 ss:$0x1], $0xffff;
	v4 =	vadd.f32 v32, v4;
	v2 =	vadd.f32 v34, v2  }
0xae: {  	v14 =	vld.idx.msk [tilespmem:v0+s6+$0x7B0 ss:$0x1], $0xffff;
	v5 =	vadd.f32 v33, v5;
	v3 =	vadd.f32 v35, v3  }
0xaf: {  	v15 =	vld.idx.msk [tilespmem:v0+s6+$0x800 ss:$0x1], $0xffff;
	v4 =	vadd.f32 v36, v4;
	v2 =	vadd.f32 v38, v2  }
0xb0: {  	v16 =	vld.idx.msk [tilespmem:v0+s6+$0x810 ss:$0x1], $0xffff;
	v5 =	vadd.f32 v37, v5;
	v3 =	vadd.f32 v39, v3  }
0xb1: {  	v33 =	vld.idx.msk [tilespmem:v0+s6+$0x910 ss:$0x1], $0xffff;
	v4 =	vadd.f32 v40, v4;
	v2 =	vadd.f32 v42, v2  }
0xb2: {  	v34 =	vld.idx.msk [tilespmem:v0+s6+$0x920 ss:$0x1], $0xffff;
	v5 =	vadd.f32 v41, v5;
	v3 =	vadd.f32 v43, v3  }
0xb3: {  	v35 =	vld.idx.msk [tilespmem:v0+s6+$0x930 ss:$0x1], $0xffff;
	v4 =	vadd.f32 v44, v4;
	v2 =	vadd.f32 v46, v2  }
0xb4: {  	v36 =	vld.idx.msk [tilespmem:v0+s6+$0x980 ss:$0x1], $0xffff;
	v5 =	vadd.f32 v45, v5;
	v3 =	vadd.f32 v47, v3  }
0xb5: {  	v37 =	vld.idx.msk [tilespmem:v0+s6+$0x990 ss:$0x1], $0xffff;
	v4 =	vadd.f32 v48, v4;
	v2 =	vadd.f32 v50, v2  }
0xb6: {  	v38 =	vld.idx.msk [tilespmem:v0+s6+$0x9A0 ss:$0x1], $0xffff;
	v5 =	vadd.f32 v49, v5;
	v3 =	vadd.f32 v51, v3  }
0xb7: {  	v39 =	vld.idx.msk [tilespmem:v0+s6+$0x9B0 ss:$0x1], $0xffff;
	v4 =	vadd.f32 v52, v4;
	v2 =	vadd.f32 v54, v2  }
0xb8: {  	v40 =	vld.idx.msk [tilespmem:v0+s6+$0xA00 ss:$0x1], $0xffff;
	v5 =	vadd.f32 v53, v5;
	v3 =	vadd.f32 v55, v3  }
0xb9: {  	v41 =	vld.idx.msk [tilespmem:v0+s6+$0xA10 ss:$0x1], $0xffff;
	v4 =	vadd.f32 v56, v4;
	v2 =	vadd.f32 v7, v2  }
0xba: {  	v42 =	vld.idx.msk [tilespmem:v0+s6+$0xA20 ss:$0x1], $0xffff;
	v5 =	vadd.f32 v6, v5;
	v3 =	vadd.f32 v8, v3  }
0xbb: {  	v43 =	vld.idx.msk [tilespmem:v0+s6+$0xA30 ss:$0x1], $0xffff;
	v4 =	vadd.f32 v9, v4;
	v2 =	vadd.f32 v11, v2  }
0xbc: {  	v44 =	vld.idx.msk [tilespmem:v0+s6+$0xA80 ss:$0x1], $0xffff;
	v5 =	vadd.f32 v10, v5;
	v3 =	vadd.f32 v12, v3  }
0xbd: {  	v45 =	vld.idx.msk [tilespmem:v0+s6+$0xA90 ss:$0x1], $0xffff;
	v4 =	vadd.f32 v13, v4;
	v2 =	vadd.f32 v15, v2  }
0xbe: {  	v46 =	vld.idx.msk [tilespmem:v0+s6+$0xAA0 ss:$0x1], $0xffff;
	v5 =	vadd.f32 v14, v5;
	v3 =	vadd.f32 v16, v3  }
0xbf: {  	v47 =	vld.idx.msk [tilespmem:v0+s6+$0xAB0 ss:$0x1], $0xffff;
	v4 =	vadd.f32 v57, v4;
	v2 =	vadd.f32 v59, v2  }
0xc0: {  	v48 =	vld.idx.msk [tilespmem:v0+s6+$0xB00 ss:$0x1], $0xffff;
	v5 =	vadd.f32 v58, v5;
	v3 =	vadd.f32 v60, v3  }
0xc1: {  	v49 =	vld.idx.msk [tilespmem:v0+s6+$0xB10 ss:$0x1], $0xffff;
	v4 =	vadd.f32 v61, v4;
	v2 =	vadd.f32 v63, v2  }
0xc2: {  	v50 =	vld.idx.msk [tilespmem:v0+s6+$0xB20 ss:$0x1], $0xffff;
	v5 =	vadd.f32 v62, v5;
	v3 =	vadd.f32 v33, v3  }
0xc3: {  	v51 =	vld.idx.msk [tilespmem:v0+s6+$0xB30 ss:$0x1], $0xffff;
	v4 =	vadd.f32 v34, v4;
	v2 =	vadd.f32 v36, v2  }
0xc4: {  	v52 =	vld.idx.msk [tilespmem:v0+s6+$0xB80 ss:$0x1], $0xffff;
	v5 =	vadd.f32 v35, v5;
	v3 =	vadd.f32 v37, v3  }
0xc5: {  	v53 =	vld.idx.msk [tilespmem:v0+s6+$0xB90 ss:$0x1], $0xffff;
	v4 =	vadd.f32 v38, v4;
	v2 =	vadd.f32 v40, v2  }
0xc6: {  	v54 =	vld.idx.msk [tilespmem:v0+s6+$0xBA0 ss:$0x1], $0xffff;
	v5 =	vadd.f32 v39, v5;
	v3 =	vadd.f32 v41, v3  }
0xc7: {  	v55 =	vld.idx.msk [tilespmem:v0+s6+$0xBB0 ss:$0x1], $0xffff;
	v4 =	vadd.f32 v42, v4;
	v2 =	vadd.f32 v44, v2  }
0xc8: {  	v56 =	vld.idx.msk [tilespmem:v0+s6+$0xC00 ss:$0x1], $0xffff;
	v5 =	vadd.f32 v43, v5;
	v3 =	vadd.f32 v45, v3  }
0xc9: {  	v57 =	vld.idx.msk [tilespmem:v0+s6+$0xC10 ss:$0x1], $0xffff;
	v4 =	vadd.f32 v46, v4;
	v2 =	vadd.f32 v48, v2  }
0xca: {  	v58 =	vld.idx.msk [tilespmem:v0+s6+$0xC20 ss:$0x1], $0xffff;
	v5 =	vadd.f32 v47, v5;
	v3 =	vadd.f32 v49, v3  }
0xcb: {  	v59 =	vld.idx.msk [tilespmem:v0+s6+$0xC30 ss:$0x1], $0xffff;
	v4 =	vadd.f32 v50, v4;
	v2 =	vadd.f32 v52, v2  }
0xcc: {  	v5 =	vadd.f32 v51, v5;
	v3 =	vadd.f32 v53, v3  }
0xcd: {  	s7 =	sshll.u32 s13, $0x7;
	v4 =	vadd.f32 v54, v4;
	v2 =	vadd.f32 v56, v2  }
0xce: {  	s7 =	sand.u32 $0x3FFFFF80, s7;
	v5 =	vadd.f32 v55, v5;
	v3 =	vadd.f32 v57, v3  }
0xcf: {  	v4 =	vadd.f32 v58, v4;
	[tilespmem:v1+s7+$0x0 ss:$0x1] =	vst.idx.msk $0xffff, v2  }
0xd0: {  	v2 =	vadd.f32 v59, v5;
	[tilespmem:v1+s7+$0x10 ss:$0x1] =	vst.idx.msk $0xffff, v3  }
0xd1: {  	[tilespmem:v1+s7+$0x20 ss:$0x1] =	vst.idx.msk $0xffff, v4  }
0xd2: {  	[tilespmem:v1+s7+$0x30 ss:$0x1] =	vst.idx.msk $0xffff, v2  }
0xd3: {  	v2 =	vld.idx.msk [tilespmem:v0+s6+$0x40 ss:$0x1], $0xffff  }
0xd4: {  	v3 =	vld.idx.msk [tilespmem:v0+s6+$0x50 ss:$0x1], $0xffff  }
0xd5: {  	v4 =	vld.idx.msk [tilespmem:v0+s6+$0x60 ss:$0x1], $0xffff  }
0xd6: {  	v5 =	vld.idx.msk [tilespmem:v0+s6+$0x70 ss:$0x1], $0xffff  }
0xd7: {  	v6 =	vld.idx.msk [tilespmem:v0+s6+$0xC0 ss:$0x1], $0xffff  }
0xd8: {  	v7 =	vld.idx.msk [tilespmem:v0+s6+$0xD0 ss:$0x1], $0xffff  }
0xd9: {  	v8 =	vld.idx.msk [tilespmem:v0+s6+$0xE0 ss:$0x1], $0xffff  }
0xda: {  	v9 =	vld.idx.msk [tilespmem:v0+s6+$0xF0 ss:$0x1], $0xffff  }
0xdb: {  	v10 =	vld.idx.msk [tilespmem:v0+s6+$0x140 ss:$0x1], $0xffff  }
0xdc: {  	v11 =	vld.idx.msk [tilespmem:v0+s6+$0x150 ss:$0x1], $0xffff  }
0xdd: {  	v12 =	vld.idx.msk [tilespmem:v0+s6+$0x160 ss:$0x1], $0xffff  }
0xde: {  	v13 =	vld.idx.msk [tilespmem:v0+s6+$0x170 ss:$0x1], $0xffff  }
0xdf: {  	v14 =	vld.idx.msk [tilespmem:v0+s6+$0x1C0 ss:$0x1], $0xffff  }
0xe0: {  	v15 =	vld.idx.msk [tilespmem:v0+s6+$0x1D0 ss:$0x1], $0xffff  }
0xe1: {  	v16 =	vld.idx.msk [tilespmem:v0+s6+$0x1E0 ss:$0x1], $0xffff  }
0xe2: {  	v17 =	vld.idx.msk [tilespmem:v0+s6+$0x1F0 ss:$0x1], $0xffff  }
0xe3: {  	v18 =	vld.idx.msk [tilespmem:v0+s6+$0x240 ss:$0x1], $0xffff  }
0xe4: {  	v19 =	vld.idx.msk [tilespmem:v0+s6+$0x250 ss:$0x1], $0xffff  }
0xe5: {  	v20 =	vld.idx.msk [tilespmem:v0+s6+$0x260 ss:$0x1], $0xffff  }
0xe6: {  	v21 =	vld.idx.msk [tilespmem:v0+s6+$0x270 ss:$0x1], $0xffff  }
0xe7: {  	v22 =	vld.idx.msk [tilespmem:v0+s6+$0x2C0 ss:$0x1], $0xffff  }
0xe8: {  	v23 =	vld.idx.msk [tilespmem:v0+s6+$0x2D0 ss:$0x1], $0xffff  }
0xe9: {  	v24 =	vld.idx.msk [tilespmem:v0+s6+$0x2E0 ss:$0x1], $0xffff  }
0xea: {  	v25 =	vld.idx.msk [tilespmem:v0+s6+$0x2F0 ss:$0x1], $0xffff  }
0xeb: {  	v26 =	vld.idx.msk [tilespmem:v0+s6+$0x340 ss:$0x1], $0xffff  }
0xec: {  	v60 =	vld.idx.msk [tilespmem:v0+s6+$0x350 ss:$0x1], $0xffff  }
0xed: {  	v28 =	vld.idx.msk [tilespmem:v0+s6+$0x360 ss:$0x1], $0xffff  }
0xee: {  	v29 =	vld.idx.msk [tilespmem:v0+s6+$0x370 ss:$0x1], $0xffff  }
0xef: {  	v61 =	vld.idx.msk [tilespmem:v0+s6+$0x3C0 ss:$0x1], $0xffff  }
0xf0: {  	v62 =	vld.idx.msk [tilespmem:v0+s6+$0x3D0 ss:$0x1], $0xffff  }
0xf1: {  	v32 =	vld.idx.msk [tilespmem:v0+s6+$0x3E0 ss:$0x1], $0xffff  }
0xf2: {  	v33 =	vld.idx.msk [tilespmem:v0+s6+$0x3F0 ss:$0x1], $0xffff  }
0xf3: {  	v63 =	vld.idx.msk [tilespmem:v0+s6+$0x440 ss:$0x1], $0xffff  }
0xf4: {  	v35 =	vld.idx.msk [tilespmem:v0+s6+$0x450 ss:$0x1], $0xffff  }
0xf5: {  	v36 =	vld.idx.msk [tilespmem:v0+s6+$0x460 ss:$0x1], $0xffff  }
0xf6: {  	v37 =	vld.idx.msk [tilespmem:v0+s6+$0x470 ss:$0x1], $0xffff  }
0xf7: {  	v38 =	vld.idx.msk [tilespmem:v0+s6+$0x4C0 ss:$0x1], $0xffff  }
0xf8: {  	v39 =	vld.idx.msk [tilespmem:v0+s6+$0x4D0 ss:$0x1], $0xffff  }
0xf9: {  	v40 =	vld.idx.msk [tilespmem:v0+s6+$0x4E0 ss:$0x1], $0xffff  }
0xfa: {  	v41 =	vld.idx.msk [tilespmem:v0+s6+$0x4F0 ss:$0x1], $0xffff  }
0xfb: {  	v42 =	vld.idx.msk [tilespmem:v0+s6+$0x540 ss:$0x1], $0xffff  }
0xfc: {  	v43 =	vld.idx.msk [tilespmem:v0+s6+$0x550 ss:$0x1], $0xffff  }
0xfd: {  	v44 =	vld.idx.msk [tilespmem:v0+s6+$0x560 ss:$0x1], $0xffff  }
0xfe: {  	v45 =	vld.idx.msk [tilespmem:v0+s6+$0x570 ss:$0x1], $0xffff  }
0xff: {  	v46 =	vld.idx.msk [tilespmem:v0+s6+$0x5C0 ss:$0x1], $0xffff  }
0x100: {  	v47 =	vld.idx.msk [tilespmem:v0+s6+$0x5D0 ss:$0x1], $0xffff  }
0x101: {  	v48 =	vld.idx.msk [tilespmem:v0+s6+$0x5E0 ss:$0x1], $0xffff  }
0x102: {  	v49 =	vld.idx.msk [tilespmem:v0+s6+$0x5F0 ss:$0x1], $0xffff  }
0x103: {  	v50 =	vld.idx.msk [tilespmem:v0+s6+$0x640 ss:$0x1], $0xffff  }
0x104: {  	v51 =	vld.idx.msk [tilespmem:v0+s6+$0x650 ss:$0x1], $0xffff  }
0x105: {  	v52 =	vld.idx.msk [tilespmem:v0+s6+$0x660 ss:$0x1], $0xffff  }
0x106: {  	v53 =	vld.idx.msk [tilespmem:v0+s6+$0x670 ss:$0x1], $0xffff  }
0x107: {  	v54 =	vld.idx.msk [tilespmem:v0+s6+$0x6C0 ss:$0x1], $0xffff  }
0x108: {  	v55 =	vld.idx.msk [tilespmem:v0+s6+$0x6D0 ss:$0x1], $0xffff  }
0x109: {  	v56 =	vld.idx.msk [tilespmem:v0+s6+$0x6E0 ss:$0x1], $0xffff  }
0x10a: {  	v57 =	vld.idx.msk [tilespmem:v0+s6+$0x7F0 ss:$0x1], $0xffff;
	v2 =	vadd.f32 v6, v2  }
0x10b: {  	v58 =	vld.idx.msk [tilespmem:v0+s6+$0x840 ss:$0x1], $0xffff;
	v3 =	vadd.f32 v7, v3  }
0x10c: {  	v59 =	vld.idx.msk [tilespmem:v0+s6+$0x850 ss:$0x1], $0xffff;
	v4 =	vadd.f32 v8, v4;
	v2 =	vadd.f32 v10, v2  }
0x10d: {  	v34 =	vld.idx.msk [tilespmem:v0+s6+$0x8E0 ss:$0x1], $0xffff;
	v5 =	vadd.f32 v9, v5;
	v3 =	vadd.f32 v11, v3  }
0x10e: {  	v6 =	vld.idx.msk [tilespmem:v0+s6+$0x6F0 ss:$0x1], $0xffff;
	v4 =	vadd.f32 v12, v4;
	v2 =	vadd.f32 v14, v2  }
0x10f: {  	v7 =	vld.idx.msk [tilespmem:v0+s6+$0x740 ss:$0x1], $0xffff;
	v5 =	vadd.f32 v13, v5;
	v3 =	vadd.f32 v15, v3  }
0x110: {  	v8 =	vld.idx.msk [tilespmem:v0+s6+$0x750 ss:$0x1], $0xffff;
	v4 =	vadd.f32 v16, v4;
	v2 =	vadd.f32 v18, v2  }
0x111: {  	v9 =	vld.idx.msk [tilespmem:v0+s6+$0x760 ss:$0x1], $0xffff;
	v5 =	vadd.f32 v17, v5;
	v3 =	vadd.f32 v19, v3  }
0x112: {  	v10 =	vld.idx.msk [tilespmem:v0+s6+$0x770 ss:$0x1], $0xffff;
	v4 =	vadd.f32 v20, v4;
	v2 =	vadd.f32 v22, v2  }
0x113: {  	v11 =	vld.idx.msk [tilespmem:v0+s6+$0x7C0 ss:$0x1], $0xffff;
	v5 =	vadd.f32 v21, v5;
	v3 =	vadd.f32 v23, v3  }
0x114: {  	v12 =	vld.idx.msk [tilespmem:v0+s6+$0x7D0 ss:$0x1], $0xffff;
	v4 =	vadd.f32 v24, v4;
	v2 =	vadd.f32 v26, v2  }
0x115: {  	v13 =	vld.idx.msk [tilespmem:v0+s6+$0x7E0 ss:$0x1], $0xffff;
	v5 =	vadd.f32 v25, v5;
	v3 =	vadd.f32 v60, v3  }
0x116: {  	v60 =	vld.idx.msk [tilespmem:v0+s6+$0x860 ss:$0x1], $0xffff;
	v4 =	vadd.f32 v28, v4;
	v2 =	vadd.f32 v61, v2  }
0x117: {  	v5 =	vadd.f32 v29, v5;
	v61 =	vld.idx.msk [tilespmem:v0+s6+$0x870 ss:$0x1], $0xffff;
	v3 =	vadd.f32 v62, v3  }
0x118: {  	v62 =	vld.idx.msk [tilespmem:v0+s6+$0x8C0 ss:$0x1], $0xffff;
	v4 =	vadd.f32 v32, v4;
	v2 =	vadd.f32 v63, v2  }
0x119: {  	v5 =	vadd.f32 v33, v5;
	v63 =	vld.idx.msk [tilespmem:v0+s6+$0x8D0 ss:$0x1], $0xffff;
	v3 =	vadd.f32 v35, v3  }
0x11a: {  	v4 =	vadd.f32 v36, v4;
	v35 =	vld.idx.msk [tilespmem:v0+s6+$0x8F0 ss:$0x1], $0xffff;
	v2 =	vadd.f32 v38, v2  }
0x11b: {  	v5 =	vadd.f32 v37, v5;
	v36 =	vld.idx.msk [tilespmem:v0+s6+$0x940 ss:$0x1], $0xffff;
	v3 =	vadd.f32 v39, v3  }
0x11c: {  	v37 =	vld.idx.msk [tilespmem:v0+s6+$0x950 ss:$0x1], $0xffff;
	v4 =	vadd.f32 v40, v4;
	v2 =	vadd.f32 v42, v2  }
0x11d: {  	v5 =	vadd.f32 v41, v5;
	v38 =	vld.idx.msk [tilespmem:v0+s6+$0x960 ss:$0x1], $0xffff;
	v3 =	vadd.f32 v43, v3  }
0x11e: {  	v39 =	vld.idx.msk [tilespmem:v0+s6+$0x970 ss:$0x1], $0xffff;
	v4 =	vadd.f32 v44, v4;
	v2 =	vadd.f32 v46, v2  }
0x11f: {  	v40 =	vld.idx.msk [tilespmem:v0+s6+$0x9C0 ss:$0x1], $0xffff;
	v5 =	vadd.f32 v45, v5;
	v3 =	vadd.f32 v47, v3  }
0x120: {  	v41 =	vld.idx.msk [tilespmem:v0+s6+$0x9D0 ss:$0x1], $0xffff;
	v4 =	vadd.f32 v48, v4;
	v2 =	vadd.f32 v50, v2  }
0x121: {  	v42 =	vld.idx.msk [tilespmem:v0+s6+$0x9E0 ss:$0x1], $0xffff;
	v5 =	vadd.f32 v49, v5;
	v3 =	vadd.f32 v51, v3  }
0x122: {  	v43 =	vld.idx.msk [tilespmem:v0+s6+$0x9F0 ss:$0x1], $0xffff;
	v4 =	vadd.f32 v52, v4;
	v2 =	vadd.f32 v54, v2  }
0x123: {  	v44 =	vld.idx.msk [tilespmem:v0+s6+$0xA40 ss:$0x1], $0xffff;
	v5 =	vadd.f32 v53, v5;
	v3 =	vadd.f32 v55, v3  }
0x124: {  	v45 =	vld.idx.msk [tilespmem:v0+s6+$0xA50 ss:$0x1], $0xffff;
	v4 =	vadd.f32 v56, v4;
	v2 =	vadd.f32 v7, v2  }
0x125: {  	v46 =	vld.idx.msk [tilespmem:v0+s6+$0xA60 ss:$0x1], $0xffff;
	v5 =	vadd.f32 v6, v5;
	v3 =	vadd.f32 v8, v3  }
0x126: {  	v47 =	vld.idx.msk [tilespmem:v0+s6+$0xA70 ss:$0x1], $0xffff;
	v4 =	vadd.f32 v9, v4;
	v2 =	vadd.f32 v11, v2  }
0x127: {  	v48 =	vld.idx.msk [tilespmem:v0+s6+$0xAC0 ss:$0x1], $0xffff;
	v5 =	vadd.f32 v10, v5;
	v3 =	vadd.f32 v12, v3  }
0x128: {  	v49 =	vld.idx.msk [tilespmem:v0+s6+$0xAD0 ss:$0x1], $0xffff;
	v4 =	vadd.f32 v13, v4;
	v2 =	vadd.f32 v58, v2  }
0x129: {  	v50 =	vld.idx.msk [tilespmem:v0+s6+$0xAE0 ss:$0x1], $0xffff;
	v5 =	vadd.f32 v57, v5;
	v3 =	vadd.f32 v59, v3  }
0x12a: {  	v51 =	vld.idx.msk [tilespmem:v0+s6+$0xAF0 ss:$0x1], $0xffff;
	v4 =	vadd.f32 v60, v4;
	v2 =	vadd.f32 v62, v2  }
0x12b: {  	v52 =	vld.idx.msk [tilespmem:v0+s6+$0xB40 ss:$0x1], $0xffff;
	v5 =	vadd.f32 v61, v5;
	v3 =	vadd.f32 v63, v3  }
0x12c: {  	v53 =	vld.idx.msk [tilespmem:v0+s6+$0xB50 ss:$0x1], $0xffff;
	v4 =	vadd.f32 v34, v4;
	v2 =	vadd.f32 v36, v2  }
0x12d: {  	v54 =	vld.idx.msk [tilespmem:v0+s6+$0xB60 ss:$0x1], $0xffff;
	v5 =	vadd.f32 v35, v5;
	v3 =	vadd.f32 v37, v3  }
0x12e: {  	v55 =	vld.idx.msk [tilespmem:v0+s6+$0xB70 ss:$0x1], $0xffff;
	v4 =	vadd.f32 v38, v4;
	v2 =	vadd.f32 v40, v2  }
0x12f: {  	v56 =	vld.idx.msk [tilespmem:v0+s6+$0xBC0 ss:$0x1], $0xffff;
	v5 =	vadd.f32 v39, v5;
	v3 =	vadd.f32 v41, v3  }
0x130: {  	v57 =	vld.idx.msk [tilespmem:v0+s6+$0xBD0 ss:$0x1], $0xffff;
	v4 =	vadd.f32 v42, v4;
	v2 =	vadd.f32 v44, v2  }
0x131: {  	v58 =	vld.idx.msk [tilespmem:v0+s6+$0xBE0 ss:$0x1], $0xffff;
	v5 =	vadd.f32 v43, v5;
	v3 =	vadd.f32 v45, v3  }
0x132: {  	v59 =	vld.idx.msk [tilespmem:v0+s6+$0xBF0 ss:$0x1], $0xffff;
	v4 =	vadd.f32 v46, v4;
	v2 =	vadd.f32 v48, v2  }
0x133: {  	v60 =	vld.idx.msk [tilespmem:v0+s6+$0xC40 ss:$0x1], $0xffff;
	v5 =	vadd.f32 v47, v5;
	v3 =	vadd.f32 v49, v3  }
0x134: {  	v61 =	vld.idx.msk [tilespmem:v0+s6+$0xC50 ss:$0x1], $0xffff;
	v4 =	vadd.f32 v50, v4;
	v2 =	vadd.f32 v52, v2  }
0x135: {  	v62 =	vld.idx.msk [tilespmem:v0+s6+$0xC60 ss:$0x1], $0xffff;
	v5 =	vadd.f32 v51, v5;
	v3 =	vadd.f32 v53, v3  }
0x136: {  	v63 =	vld.idx.msk [tilespmem:v0+s6+$0xC70 ss:$0x1], $0xffff;
	v4 =	vadd.f32 v54, v4;
	v2 =	vadd.f32 v56, v2  }
0x137: {  	v5 =	vadd.f32 v55, v5;
	v3 =	vadd.f32 v57, v3  }
0x138: {  	p0 =	sne.s32 s13, $0x7;
	v4 =	vadd.f32 v58, v4;
	v2 =	vadd.f32 v60, v2  }
.Ltmp3:
0x139: {  	v5 =	vadd.f32 v59, v5;
	v3 =	vadd.f32 v61, v3;
	(pc) =	sbr.rel @p0 .LBB2_7-.Ltmp3, $4  }
0x13a: {  	v4 =	vadd.f32 v62, v4;
	[tilespmem:v1+s7+$0x40 ss:$0x1] =	vst.idx.msk $0xffff, v2  }
0x13b: {  	v2 =	vadd.f32 v63, v5;
	[tilespmem:v1+s7+$0x50 ss:$0x1] =	vst.idx.msk $0xffff, v3  }
0x13c: {  	[tilespmem:v1+s7+$0x60 ss:$0x1] =	vst.idx.msk $0xffff, v4  }
0x13d: {  	s13 =	sadd.s32 $0x1, s13;
	[tilespmem:v1+s7+$0x70 ss:$0x1] =	vst.idx.msk $0xffff, v2  }
0x13e: {  	s6 =	sadd.s32 s4, s25;
	s25 =	sadd.s32 $0x1, s25  }
0x13f: {  	p0 =	sne.s32 s25, $0x28  }
.Ltmp4:
0x140: {  	_ = 	snop;
	(pc) =	sbr.rel @p0 .LBB2_2-.Ltmp4, $4  }
0x141: {  	_ = 	snop  }
0x142: {  	s6 =	sshll.u32 s6, $0x7  }
0x143: {  	s6 =	sadd.s32 s5, s6  }
0x144: {  	[hbm4b:s6+s3] =	stream.linear.scatter [tilespmem:s26], [sflag:$0x3], $0x400, $0x38;
	[tilespmem:$0x1B500] =	vst v63  }
0x145: {  	_ =	swait.ge [sflag:s2], $0x400  }
0x146: {  	[sflag:s2] =	ssyncset.done $0x0  }
0x147: {  	[sflag:s2] =	ssyncadd.s32 $0xFFFFFC00  }
0x148: {  	_ =	swait.ge [sflag:s2], $0x400  }
0x149: {  	[sflag:s2] =	ssyncset.done $0x0  }
0x14a: {  	[sflag:s2] =	ssyncadd.s32 $0xFFFFFC00  }
0x14b: {  	_ =	swait.ge [sflag:s29], $0x2000  }
0x14c: {  	[sflag:s29] =	ssyncset.done $0x0  }
0x14d: {  	[sflag:s29] =	ssyncadd.s32 $0xFFFFE000  }
0x14e: {  	_ =	swait.ge [sflag:s29], $0x2000  }
0x14f: {  	[sflag:s29] =	ssyncset.done $0x0  }
0x150: {  	[sflag:s29] =	ssyncadd.s32 $0xFFFFE000  }
0x151: {  	_ =	swait.ge [sflag:s29], $0x1000  }
0x152: {  	[sflag:s29] =	ssyncset.done $0x0  }
0x153: {  	[sflag:s29] =	ssyncadd.s32 $0xFFFFF000  }
0x154: {  	[hbm4b:s10+s3] =	stream.linear.scatter [tilespmem:s17], [sflag:$0x5], $0x5000, $0x38;
	[tilespmem:$0x1B500] =	vst v63  }
0x155: {  	_ =	swait.ge [sflag:s14], $0x5000  }
0x156: {  	[sflag:s14] =	ssyncset.done $0x0  }
0x157: {  	[sflag:s14] =	ssyncadd.s32 $0xFFFFB000  }
0x158: {  	s21 =	sadd.s32 $0x1, s21;
	_ =	swait.ge [sflag:s18], $0x1000  }
0x159: {  	p0 =	sne.s32 s21, s12;
	[sflag:s18] =	ssyncset.done $0x0  }
.Ltmp5:
0x15a: {  	[sflag:s18] =	ssyncadd.s32 $0xFFFFF000;
	(pc) =	sbr.rel @p0 .LBB2_1-.Ltmp5, $4  }
0x15b: {  	[hbm4b:s11+s3] =	stream.linear.scatter [tilespmem:s23], [sflag:$0x5], $0x1000, $0x38;
	[tilespmem:$0x1B500] =	vst v63  }
0x15c: {  	_ =	swait.ge [sflag:s14], $0x1000  }
0x15d: {  	[sflag:s14] =	ssyncset.done $0x0  }
0x15e: {  	[sflag:s14] =	ssyncadd.s32 $0xFFFFF000  }
0x15f: {  	_ =	sfence.sel $0x180000  }
0x160: {  	[bflag:$0x0] =	sbarrier.arrive $0xFFFF  }
0x161: {  	_ =	strace $0x90000047  }
0x162: {  	s0 =	stileid.u32;
	[bflag:$0x2] =	sbarrier.arrive $0xFFFF  }
0x163: {  	p0 =	sne.s32 s0, $0x0;
	s0 =	rddreg [dreg:$0x5]  }
0x164: {  	s0 =	sadd.s32 @!p0 $0x100000, s0  }
0x165: {  	[sflag:s0] =	ssyncadd.tile.s32 @!p0 $0x1;
	_ =	shalt  }
.Lfunc_end2:
_tile_overlayer_lowered:
.L_overlay_start_2:
0x166: {  	(tag) =	ssettag $0x2  }
0x167: {  	s0 =	rddreg [dreg:$0x0];
	s2 =	stileid.u32  }
0x168: {  	s1 =	rddreg [dreg:$0x1];
	p0 =	sne.s32 s2, $0x0  }
0x169: {  	s3 =	rddreg [dreg:$0x2];
	[bflag:$0x3] =	sbarrier.arrive $0xFFFF;
	s2 =	simm.s32 @!p0 $0x1C05  }
0x16a: {  	[timem:s3], [sflag:s2] =	dma.local @!p0 [hbm:s0], s1  }
0x16b: {  	s0 =	simm.s32 @!p0 $0x5  }
0x16c: {  	_ =	swait.ge @!p0 [sflag:s0], s1  }
0x16d: {  	s1 =	ssub.s32 @!p0 $0x0, s1;
	[sflag:s0] =	ssyncset.done @!p0 $0x0  }
0x16e: {  	[sflag:s0] =	ssyncadd.s32 @!p0 s1  }
0x16f: {  	[bflag:$0x3] =	sbarrier.arrive $0xFFFF  }
0x170: {  	_ =	shalt  }

</sc_bundles>
